<compile_context>
chip_gen: v7x
topology: tpu7x:2x2x1
jax: 0.10.2.dev20260603
libtpu: 0.0.44.dev20260713+nightly
codegen_flags: <defaults>
</compile_context>

<pallas_src>
import functools

import jax
import jax.numpy as jnp
from jax import lax
from jax.experimental import pallas as pl
from jax.experimental.pallas import tpu as pltpu
from jax.experimental.pallas import tpu_sc as plsc

_BB = 16
_NC, _NS = 2, 16
_LANES = 16


def _vq_tc_body(x_ref, cb_ref, idx_ref, cbnt_ref, acc_ref, *, n_tokens, K):
    i = pl.program_id(0)

    @pl.when(i == 0)
    def _():
        cb = cb_ref[...]
        cbn = cb / jnp.maximum(
            jnp.sqrt(jnp.sum(cb * cb, axis=1, keepdims=True)), 1e-12)
        cbnt_ref[...] = jnp.swapaxes(cbn, 0, 1)
        acc_ref[0, 0] = 0.0

    cbnt = cbnt_ref[...]

    acc = 0.0
    for j in range(_BB):
        xb = x_ref[j]
        xn = xb / jnp.maximum(
            jnp.sqrt(jnp.sum(xb * xb, axis=0, keepdims=True)), 1e-12)

        scores = jax.lax.dot_general(
            cbnt, xn, (((0,), (0,)), ((), ())),
            preferred_element_type=jnp.float32)

        maxv = jnp.max(scores, axis=0, keepdims=True)
        idx = jnp.argmax(scores, axis=0).astype(jnp.int32)
        idx_ref[j, 0] = idx
        acc += jnp.sum(maxv)

    acc_ref[0, 0] += acc

    @pl.when(i == pl.num_programs(0) - 1)
    def _():
        acc_ref[0, 0] = 2.0 - (2.0 / n_tokens) * acc_ref[0, 0]


def _sc_gather_body(cbf_hbm, idx_hbm, out_hbm, cb_sh, cb_v, idx_v, out_v,
                    *, D, L, K):
    wid = lax.axis_index("s") * _NC + lax.axis_index("c")
    @pl.when(lax.axis_index("s") == 0)
    def _():
        pltpu.sync_copy(cbf_hbm, cb_sh)
    pltpu.sync_copy(idx_hbm.at[wid], idx_v)
    plsc.subcore_barrier()
    pltpu.sync_copy(cb_sh, cb_v)

    @plsc.parallel_loop(0, L // _LANES, unroll=8)
    def _(j):
        iv = idx_v[pl.ds(j * _LANES, _LANES)]
        for d in range(D):
            out_v[d, pl.ds(j * _LANES, _LANES)] = plsc.load_gather(
                cb_v, [iv + d * K])

    pltpu.sync_copy(out_v, out_hbm.at[wid])


def kernel(x, embeddings):
    B, D, L = x.shape
    K = embeddings.shape[0]
    idx, cbnt, loss = pl.pallas_call(
        functools.partial(_vq_tc_body, n_tokens=B * L, K=K),
        grid=(B // _BB,),
        in_specs=[
            pl.BlockSpec((_BB, D, L), lambda i: (i, 0, 0)),
            pl.BlockSpec((K, D), lambda i: (0, 0)),
        ],
        out_specs=[
            pl.BlockSpec((_BB, 1, L), lambda i: (i, 0, 0)),
            pl.BlockSpec((D, K), lambda i: (0, 0)),
            pl.BlockSpec(memory_space=pltpu.SMEM, block_shape=(1, 1),
                         index_map=lambda i: (0, 0)),
        ],
        out_shape=[
            jax.ShapeDtypeStruct((B, 1, L), jnp.int32),
            jax.ShapeDtypeStruct((D, K), jnp.float32),
            jax.ShapeDtypeStruct((1, 1), jnp.float32),
        ],
    )(x, embeddings)

    mesh = plsc.VectorSubcoreMesh(
        core_axis_name="c", subcore_axis_name="s",
        num_cores=_NC, num_subcores=_NS)
    gather = pl.kernel(
        functools.partial(_sc_gather_body, D=D, L=L, K=K),
        out_type=jax.ShapeDtypeStruct((B, D, L), jnp.float32),
        mesh=mesh,
        compiler_params=pltpu.CompilerParams(
            use_tc_tiling_on_sc=False, needs_layout_passes=False,
            skip_device_barrier=True),
        scratch_types=[
            pltpu.VMEM_SHARED((K * D,), jnp.float32),
            pltpu.VMEM((K * D,), jnp.float32),
            pltpu.VMEM((L,), jnp.int32),
            pltpu.VMEM((D, L), jnp.float32),
        ],
    )
    out = gather(cbnt.reshape(D * K), idx.reshape(B, L))
    return out, loss[0, 0]

# --- scband reference (transcript-rebuilt; emitter-appended) ---
"""Pipeline reference for scband-vector-quantizer-59373627900538 (READ-ONLY COPY).

The authoritative reference and input builder live on the scoring server;
editing this copy changes nothing except your own understanding.
"""

import jax, jax.numpy as jnp
import numpy as np

COMMITMENT = 1.0

def l2norm(v, axis):
    n = jnp.sqrt(jnp.sum(v * v, axis=axis, keepdims=True))
    return v / jnp.maximum(n, 1e-12)

def setup_inputs(seed: int = 0) -> dict:
    key = jax.random.key(seed)
    k1, k2 = jax.random.split(key)
    x = jax.random.normal(k1, (32, 64, 576), dtype=jnp.float32)
    embeddings = jax.random.normal(k2, (1024, 64), dtype=jnp.float32)
    return {"x": x, "embeddings": embeddings}

def reference(x, embeddings):
    b, d, l = x.shape
    xf = jnp.transpose(x, (0, 2, 1)).reshape(b * l, d)
    xf = l2norm(xf, 1)
    cb = l2norm(embeddings, 1)
    idx = jnp.argmax(xf @ cb.T, axis=1)
    quantized = jnp.take(cb, idx, axis=0)
    e_loss = 1.0 - jnp.sum(jax.lax.stop_gradient(quantized) * xf, axis=1)
    q_loss = 1.0 - jnp.sum(quantized * jax.lax.stop_gradient(xf), axis=1)
    loss = COMMITMENT * e_loss + q_loss
    quantized_st = xf + jax.lax.stop_gradient(quantized - xf)
    out = jnp.transpose(quantized_st.reshape(b, l, d), (0, 2, 1))
    return out, loss.mean()

if __name__ == "__main__":
    import jax
    _d = setup_inputs()
    print(jax.jit(kernel)(*tuple(_d.values())))

</pallas_src>

<mosaic_0001>
#map = affine_map<(d0, d1) -> (0)>
#map1 = affine_map<(d0, d1) -> (0, 0)>
#map2 = affine_map<(d0, d1) -> (0, 0, 0)>
module attributes {stable_mosaic.version = 14 : i64} {
  func.func @_sc_gather_body(%arg0: i32, %arg1: i32, %arg2: memref<65536xf32, #tpu.memory_space<hbm>>, %arg3: memref<32x576xi32, #tpu.memory_space<hbm>>, %arg4: memref<32x64x576xf32, #tpu.memory_space<hbm>>, %arg5: memref<65536xf32, #tpu.memory_space<vmem_shared>>, %arg6: memref<65536xf32, #tpu.memory_space<vmem>>, %arg7: memref<576xi32, #tpu.memory_space<vmem>>, %arg8: memref<64x576xf32, #tpu.memory_space<vmem>>) attributes {dimension_semantics = [#tpu.dimension_semantics<core_parallel>, #tpu.dimension_semantics<subcore_parallel>], iteration_bounds = array<i64: 2, 16>, scalar_prefetch = 0 : i64, scratch_operands = 4 : i64, tpu.core_type = #tpu.core_type<sc_vector_subcore>, window_params = [{transform_indices = #map}, {transform_indices = #map1}, {transform_indices = #map2}]} {
    %mul3A = arith.constant 2 : i32
    %mul3A_0 = arith.muli %arg1, %mul3A : i32
    %add3A = arith.addi %mul3A_0, %arg0 : i32
    %eq3A = arith.constant 0 : i32
    %eq3A_1 = arith.cmpi eq, %arg1, %eq3A : i32
    %convert_element_type3A = arith.extui %eq3A_1 : i1 to i32
    %cond3A = arith.constant 0 : i32
    %cond3A_2 = arith.cmpi ne, %convert_element_type3A, %cond3A : i32
    scf.if %cond3A_2 {
      "tpu.region"() ({
        %run_scoped3A = tpu.sem_alloc : memref<!tpu.dma_semaphore, #tpu.memory_space<semaphore_mem>>
        tpu.enqueue_dma source(%arg2 : memref<65536xf32, #tpu.memory_space<hbm>>) target(%arg5 : memref<65536xf32, #tpu.memory_space<vmem_shared>>) target_semaphore(%run_scoped3A : memref<!tpu.dma_semaphore, #tpu.memory_space<semaphore_mem>>)
        tpu.wait_dma2 semaphore(%run_scoped3A : memref<!tpu.dma_semaphore, #tpu.memory_space<semaphore_mem>>) src(%arg2 : memref<65536xf32, #tpu.memory_space<hbm>>) dst(%arg5 : memref<65536xf32, #tpu.memory_space<vmem_shared>>)
        tpu.yield
      }) : () -> ()
    } else {
    }
    "tpu.region"() ({
      %run_scoped3A = tpu.sem_alloc : memref<!tpu.dma_semaphore, #tpu.memory_space<semaphore_mem>>
      %dma_start3A = arith.constant 0 : i32
      %dma_start3A_5 = tpu.memref_slice %arg3[%add3A, %dma_start3A] : memref<32x576xi32, #tpu.memory_space<hbm>> -> memref<1x576xi32, #tpu.memory_space<hbm>>
      %dma_start3A_6 = tpu.memref_squeeze %dma_start3A_5 : memref<1x576xi32, #tpu.memory_space<hbm>> -> memref<576xi32, #tpu.memory_space<hbm>>
      %dma_start3A_7 = arith.constant 0 : i32
      %dma_start3A_8 = tpu.memref_slice %arg3[%add3A, %dma_start3A_7] : memref<32x576xi32, #tpu.memory_space<hbm>> -> memref<1x576xi32, #tpu.memory_space<hbm>>
      %dma_start3A_9 = tpu.memref_squeeze %dma_start3A_8 : memref<1x576xi32, #tpu.memory_space<hbm>> -> memref<576xi32, #tpu.memory_space<hbm>>
      tpu.enqueue_dma source(%dma_start3A_9 : memref<576xi32, #tpu.memory_space<hbm>>) target(%arg7 : memref<576xi32, #tpu.memory_space<vmem>>) target_semaphore(%run_scoped3A : memref<!tpu.dma_semaphore, #tpu.memory_space<semaphore_mem>>)
      %dma_wait3A = arith.constant 0 : i32
      %dma_wait3A_10 = tpu.memref_slice %arg3[%add3A, %dma_wait3A] : memref<32x576xi32, #tpu.memory_space<hbm>> -> memref<1x576xi32, #tpu.memory_space<hbm>>
      %dma_wait3A_11 = tpu.memref_squeeze %dma_wait3A_10 : memref<1x576xi32, #tpu.memory_space<hbm>> -> memref<576xi32, #tpu.memory_space<hbm>>
      %dma_wait3A_12 = arith.constant 0 : i32
      %dma_wait3A_13 = tpu.memref_slice %arg3[%add3A, %dma_wait3A_12] : memref<32x576xi32, #tpu.memory_space<hbm>> -> memref<1x576xi32, #tpu.memory_space<hbm>>
      %dma_wait3A_14 = tpu.memref_squeeze %dma_wait3A_13 : memref<1x576xi32, #tpu.memory_space<hbm>> -> memref<576xi32, #tpu.memory_space<hbm>>
      tpu.wait_dma2 semaphore(%run_scoped3A : memref<!tpu.dma_semaphore, #tpu.memory_space<semaphore_mem>>) src(%dma_wait3A_14 : memref<576xi32, #tpu.memory_space<hbm>>) dst(%arg7 : memref<576xi32, #tpu.memory_space<vmem>>)
      tpu.yield
    }) : () -> ()
    %barrier3A = arith.constant 0 : index
    tpu.barrier barrier_id(%barrier3A)
    "tpu.region"() ({
      %run_scoped3A = tpu.sem_alloc : memref<!tpu.dma_semaphore, #tpu.memory_space<semaphore_mem>>
      tpu.enqueue_dma source(%arg5 : memref<65536xf32, #tpu.memory_space<vmem_shared>>) target(%arg6 : memref<65536xf32, #tpu.memory_space<vmem>>) target_semaphore(%run_scoped3A : memref<!tpu.dma_semaphore, #tpu.memory_space<semaphore_mem>>)
      tpu.wait_dma2 semaphore(%run_scoped3A : memref<!tpu.dma_semaphore, #tpu.memory_space<semaphore_mem>>) src(%arg5 : memref<65536xf32, #tpu.memory_space<vmem_shared>>) dst(%arg6 : memref<65536xf32, #tpu.memory_space<vmem>>)
      tpu.yield
    }) : () -> ()
    %parallel_loop3A = arith.constant 0 : i32
    %parallel_loop3A_3 = arith.constant 36 : i32
    %parallel_loop3A_4 = arith.constant 1 : i32
    scf.for %parallel_loop3A_5 = %parallel_loop3A to %parallel_loop3A_3 step %parallel_loop3A_4  : i32 {
      %parallel_loop3A_6 = arith.constant 16 : i32
      %parallel_loop3A_7 = arith.muli %parallel_loop3A_5, %parallel_loop3A_6 : i32
      %parallel_loop3A_8 = arith.index_cast %parallel_loop3A_7 : i32 to index
      %parallel_loop3A_9 = tpu.vector_load %arg7[%parallel_loop3A_8] {strides = array<i32>} : memref<576xi32, #tpu.memory_space<vmem>>, vector<16xi32>,
      %parallel_loop3A_10 = arith.constant 0 : i32
      %parallel_loop3A_11 = vector.broadcast %parallel_loop3A_10 : i32 to vector<16xi32>
      %parallel_loop3A_12 = arith.addi %parallel_loop3A_9, %parallel_loop3A_11 : vector<16xi32>
      %parallel_loop3A_13 = tpu.vector_load_idx %arg6[%parallel_loop3A_12] : memref<65536xf32, #tpu.memory_space<vmem>>[vector<16xi32>], vector<16xf32>,
      %parallel_loop3A_14 = arith.constant 16 : i32
      %parallel_loop3A_15 = arith.muli %parallel_loop3A_5, %parallel_loop3A_14 : i32
      %parallel_loop3A_16 = arith.constant 0 : i32
      %parallel_loop3A_17 = arith.index_cast %parallel_loop3A_16 : i32 to index
      %parallel_loop3A_18 = arith.index_cast %parallel_loop3A_15 : i32 to index
      %parallel_loop3A_19 = tpu.vector_load %arg8[%parallel_loop3A_17, %parallel_loop3A_18] {strides = array<i32>} : memref<64x576xf32, #tpu.memory_space<vmem>>, vector<16xf32>,
      tpu.vector_store %arg8[%parallel_loop3A_17, %parallel_loop3A_18], %parallel_loop3A_13 {strides = array<i32>} : memref<64x576xf32, #tpu.memory_space<vmem>>, vector<16xf32>,
      %parallel_loop3A_20 = arith.constant 1024 : i32
      %parallel_loop3A_21 = vector.broadcast %parallel_loop3A_20 : i32 to vector<16xi32>
      %parallel_loop3A_22 = arith.addi %parallel_loop3A_9, %parallel_loop3A_21 : vector<16xi32>
      %parallel_loop3A_23 = tpu.vector_load_idx %arg6[%parallel_loop3A_22] : memref<65536xf32, #tpu.memory_space<vmem>>[vector<16xi32>], vector<16xf32>,
      %parallel_loop3A_24 = arith.constant 16 : i32
      %parallel_loop3A_25 = arith.muli %parallel_loop3A_5, %parallel_loop3A_24 : i32
      %parallel_loop3A_26 = arith.constant 1 : i32
      %parallel_loop3A_27 = arith.index_cast %parallel_loop3A_26 : i32 to index
      %parallel_loop3A_28 = arith.index_cast %parallel_loop3A_25 : i32 to index
      %parallel_loop3A_29 = tpu.vector_load %arg8[%parallel_loop3A_27, %parallel_loop3A_28] {strides = array<i32>} : memref<64x576xf32, #tpu.memory_space<vmem>>, vector<16xf32>,
      tpu.vector_store %arg8[%parallel_loop3A_27, %parallel_loop3A_28], %parallel_loop3A_23 {strides = array<i32>} : memref<64x576xf32, #tpu.memory_space<vmem>>, vector<16xf32>,
      %parallel_loop3A_30 = arith.constant 2048 : i32
      %parallel_loop3A_31 = vector.broadcast %parallel_loop3A_30 : i32 to vector<16xi32>
      %parallel_loop3A_32 = arith.addi %parallel_loop3A_9, %parallel_loop3A_31 : vector<16xi32>
      %parallel_loop3A_33 = tpu.vector_load_idx %arg6[%parallel_loop3A_32] : memref<65536xf32, #tpu.memory_space<vmem>>[vector<16xi32>], vector<16xf32>,
      %parallel_loop3A_34 = arith.constant 16 : i32
      %parallel_loop3A_35 = arith.muli %parallel_loop3A_5, %parallel_loop3A_34 : i32
      %parallel_loop3A_36 = arith.constant 2 : i32
      %parallel_loop3A_37 = arith.index_cast %parallel_loop3A_36 : i32 to index
      %parallel_loop3A_38 = arith.index_cast %parallel_loop3A_35 : i32 to index
      %parallel_loop3A_39 = tpu.vector_load %arg8[%parallel_loop3A_37, %parallel_loop3A_38] {strides = array<i32>} : memref<64x576xf32, #tpu.memory_space<vmem>>, vector<16xf32>,
      tpu.vector_store %arg8[%parallel_loop3A_37, %parallel_loop3A_38], %parallel_loop3A_33 {strides = array<i32>} : memref<64x576xf32, #tpu.memory_space<vmem>>, vector<16xf32>,
      %parallel_loop3A_40 = arith.constant 3072 : i32
      %parallel_loop3A_41 = vector.broadcast %parallel_loop3A_40 : i32 to vector<16xi32>
      %parallel_loop3A_42 = arith.addi %parallel_loop3A_9, %parallel_loop3A_41 : vector<16xi32>
      %parallel_loop3A_43 = tpu.vector_load_idx %arg6[%parallel_loop3A_42] : memref<65536xf32, #tpu.memory_space<vmem>>[vector<16xi32>], vector<16xf32>,
      %parallel_loop3A_44 = arith.constant 16 : i32
      %parallel_loop3A_45 = arith.muli %parallel_loop3A_5, %parallel_loop3A_44 : i32
      %parallel_loop3A_46 = arith.constant 3 : i32
      %parallel_loop3A_47 = arith.index_cast %parallel_loop3A_46 : i32 to index
      %parallel_loop3A_48 = arith.index_cast %parallel_loop3A_45 : i32 to index
      %parallel_loop3A_49 = tpu.vector_load %arg8[%parallel_loop3A_47, %parallel_loop3A_48] {strides = array<i32>} : memref<64x576xf32, #tpu.memory_space<vmem>>, vector<16xf32>,
      tpu.vector_store %arg8[%parallel_loop3A_47, %parallel_loop3A_48], %parallel_loop3A_43 {strides = array<i32>} : memref<64x576xf32, #tpu.memory_space<vmem>>, vector<16xf32>,
      %parallel_loop3A_50 = arith.constant 4096 : i32
      %parallel_loop3A_51 = vector.broadcast %parallel_loop3A_50 : i32 to vector<16xi32>
      %parallel_loop3A_52 = arith.addi %parallel_loop3A_9, %parallel_loop3A_51 : vector<16xi32>
      %parallel_loop3A_53 = tpu.vector_load_idx %arg6[%parallel_loop3A_52] : memref<65536xf32, #tpu.memory_space<vmem>>[vector<16xi32>], vector<16xf32>,
      %parallel_loop3A_54 = arith.constant 16 : i32
      %parallel_loop3A_55 = arith.muli %parallel_loop3A_5, %parallel_loop3A_54 : i32
      %parallel_loop3A_56 = arith.constant 4 : i32
      %parallel_loop3A_57 = arith.index_cast %parallel_loop3A_56 : i32 to index
      %parallel_loop3A_58 = arith.index_cast %parallel_loop3A_55 : i32 to index
      %parallel_loop3A_59 = tpu.vector_load %arg8[%parallel_loop3A_57, %parallel_loop3A_58] {strides = array<i32>} : memref<64x576xf32, #tpu.memory_space<vmem>>, vector<16xf32>,
      tpu.vector_store %arg8[%parallel_loop3A_57, %parallel_loop3A_58], %parallel_loop3A_53 {strides = array<i32>} : memref<64x576xf32, #tpu.memory_space<vmem>>, vector<16xf32>,
      %parallel_loop3A_60 = arith.constant 5120 : i32
      %parallel_loop3A_61 = vector.broadcast %parallel_loop3A_60 : i32 to vector<16xi32>
      %parallel_loop3A_62 = arith.addi %parallel_loop3A_9, %parallel_loop3A_61 : vector<16xi32>
      %parallel_loop3A_63 = tpu.vector_load_idx %arg6[%parallel_loop3A_62] : memref<65536xf32, #tpu.memory_space<vmem>>[vector<16xi32>], vector<16xf32>,
      %parallel_loop3A_64 = arith.constant 16 : i32
      %parallel_loop3A_65 = arith.muli %parallel_loop3A_5, %parallel_loop3A_64 : i32
      %parallel_loop3A_66 = arith.constant 5 : i32
      %parallel_loop3A_67 = arith.index_cast %parallel_loop3A_66 : i32 to index
      %parallel_loop3A_68 = arith.index_cast %parallel_loop3A_65 : i32 to index
      %parallel_loop3A_69 = tpu.vector_load %arg8[%parallel_loop3A_67, %parallel_loop3A_68] {strides = array<i32>} : memref<64x576xf32, #tpu.memory_space<vmem>>, vector<16xf32>,
      tpu.vector_store %arg8[%parallel_loop3A_67, %parallel_loop3A_68], %parallel_loop3A_63 {strides = array<i32>} : memref<64x576xf32, #tpu.memory_space<vmem>>, vector<16xf32>,
      %parallel_loop3A_70 = arith.constant 6144 : i32
      %parallel_loop3A_71 = vector.broadcast %parallel_loop3A_70 : i32 to vector<16xi32>
      %parallel_loop3A_72 = arith.addi %parallel_loop3A_9, %parallel_loop3A_71 : vector<16xi32>
      %parallel_loop3A_73 = tpu.vector_load_idx %arg6[%parallel_loop3A_72] : memref<65536xf32, #tpu.memory_space<vmem>>[vector<16xi32>], vector<16xf32>,
      %parallel_loop3A_74 = arith.constant 16 : i32
      %parallel_loop3A_75 = arith.muli %parallel_loop3A_5, %parallel_loop3A_74 : i32
      %parallel_loop3A_76 = arith.constant 6 : i32
      %parallel_loop3A_77 = arith.index_cast %parallel_loop3A_76 : i32 to index
      %parallel_loop3A_78 = arith.index_cast %parallel_loop3A_75 : i32 to index
      %parallel_loop3A_79 = tpu.vector_load %arg8[%parallel_loop3A_77, %parallel_loop3A_78] {strides = array<i32>} : memref<64x576xf32, #tpu.memory_space<vmem>>, vector<16xf32>,
      tpu.vector_store %arg8[%parallel_loop3A_77, %parallel_loop3A_78], %parallel_loop3A_73 {strides = array<i32>} : memref<64x576xf32, #tpu.memory_space<vmem>>, vector<16xf32>,
      %parallel_loop3A_80 = arith.constant 7168 : i32
      %parallel_loop3A_81 = vector.broadcast %parallel_loop3A_80 : i32 to vector<16xi32>
      %parallel_loop3A_82 = arith.addi %parallel_loop3A_9, %parallel_loop3A_81 : vector<16xi32>
      %parallel_loop3A_83 = tpu.vector_load_idx %arg6[%parallel_loop3A_82] : memref<65536xf32, #tpu.memory_space<vmem>>[vector<16xi32>], vector<16xf32>,
      %parallel_loop3A_84 = arith.constant 16 : i32
      %parallel_loop3A_85 = arith.muli %parallel_loop3A_5, %parallel_loop3A_84 : i32
      %parallel_loop3A_86 = arith.constant 7 : i32
      %parallel_loop3A_87 = arith.index_cast %parallel_loop3A_86 : i32 to index
      %parallel_loop3A_88 = arith.index_cast %parallel_loop3A_85 : i32 to index
      %parallel_loop3A_89 = tpu.vector_load %arg8[%parallel_loop3A_87, %parallel_loop3A_88] {strides = array<i32>} : memref<64x576xf32, #tpu.memory_space<vmem>>, vector<16xf32>,
      tpu.vector_store %arg8[%parallel_loop3A_87, %parallel_loop3A_88], %parallel_loop3A_83 {strides = array<i32>} : memref<64x576xf32, #tpu.memory_space<vmem>>, vector<16xf32>,
      %parallel_loop3A_90 = arith.constant 8192 : i32
      %parallel_loop3A_91 = vector.broadcast %parallel_loop3A_90 : i32 to vector<16xi32>
      %parallel_loop3A_92 = arith.addi %parallel_loop3A_9, %parallel_loop3A_91 : vector<16xi32>
      %parallel_loop3A_93 = tpu.vector_load_idx %arg6[%parallel_loop3A_92] : memref<65536xf32, #tpu.memory_space<vmem>>[vector<16xi32>], vector<16xf32>,
      %parallel_loop3A_94 = arith.constant 16 : i32
      %parallel_loop3A_95 = arith.muli %parallel_loop3A_5, %parallel_loop3A_94 : i32
      %parallel_loop3A_96 = arith.constant 8 : i32
      %parallel_loop3A_97 = arith.index_cast %parallel_loop3A_96 : i32 to index
      %parallel_loop3A_98 = arith.index_cast %parallel_loop3A_95 : i32 to index
      %parallel_loop3A_99 = tpu.vector_load %arg8[%parallel_loop3A_97, %parallel_loop3A_98] {strides = array<i32>} : memref<64x576xf32, #tpu.memory_space<vmem>>, vector<16xf32>,
      tpu.vector_store %arg8[%parallel_loop3A_97, %parallel_loop3A_98], %parallel_loop3A_93 {strides = array<i32>} : memref<64x576xf32, #tpu.memory_space<vmem>>, vector<16xf32>,
      %parallel_loop3A_100 = arith.constant 9216 : i32
      %parallel_loop3A_101 = vector.broadcast %parallel_loop3A_100 : i32 to vector<16xi32>
      %parallel_loop3A_102 = arith.addi %parallel_loop3A_9, %parallel_loop3A_101 : vector<16xi32>
      %parallel_loop3A_103 = tpu.vector_load_idx %arg6[%parallel_loop3A_102] : memref<65536xf32, #tpu.memory_space<vmem>>[vector<16xi32>], vector<16xf32>,
      %parallel_loop3A_104 = arith.constant 16 : i32
      %parallel_loop3A_105 = arith.muli %parallel_loop3A_5, %parallel_loop3A_104 : i32
      %parallel_loop3A_106 = arith.constant 9 : i32
      %parallel_loop3A_107 = arith.index_cast %parallel_loop3A_106 : i32 to index
      %parallel_loop3A_108 = arith.index_cast %parallel_loop3A_105 : i32 to index
      %parallel_loop3A_109 = tpu.vector_load %arg8[%parallel_loop3A_107, %parallel_loop3A_108] {strides = array<i32>} : memref<64x576xf32, #tpu.memory_space<vmem>>, vector<16xf32>,
      tpu.vector_store %arg8[%parallel_loop3A_107, %parallel_loop3A_108], %parallel_loop3A_103 {strides = array<i32>} : memref<64x576xf32, #tpu.memory_space<vmem>>, vector<16xf32>,
      %parallel_loop3A_110 = arith.constant 10240 : i32
      %parallel_loop3A_111 = vector.broadcast %parallel_loop3A_110 : i32 to vector<16xi32>
      %parallel_loop3A_112 = arith.addi %parallel_loop3A_9, %parallel_loop3A_111 : vector<16xi32>
      %parallel_loop3A_113 = tpu.vector_load_idx %arg6[%parallel_loop3A_112] : memref<65536xf32, #tpu.memory_space<vmem>>[vector<16xi32>], vector<16xf32>,
      %parallel_loop3A_114 = arith.constant 16 : i32
      %parallel_loop3A_115 = arith.muli %parallel_loop3A_5, %parallel_loop3A_114 : i32
      %parallel_loop3A_116 = arith.constant 10 : i32
      %parallel_loop3A_117 = arith.index_cast %parallel_loop3A_116 : i32 to index
      %parallel_loop3A_118 = arith.index_cast %parallel_loop3A_115 : i32 to index
      %parallel_loop3A_119 = tpu.vector_load %arg8[%parallel_loop3A_117, %parallel_loop3A_118] {strides = array<i32>} : memref<64x576xf32, #tpu.memory_space<vmem>>, vector<16xf32>,
      tpu.vector_store %arg8[%parallel_loop3A_117, %parallel_loop3A_118], %parallel_loop3A_113 {strides = array<i32>} : memref<64x576xf32, #tpu.memory_space<vmem>>, vector<16xf32>,
      %parallel_loop3A_120 = arith.constant 11264 : i32
      %parallel_loop3A_121 = vector.broadcast %parallel_loop3A_120 : i32 to vector<16xi32>
      %parallel_loop3A_122 = arith.addi %parallel_loop3A_9, %parallel_loop3A_121 : vector<16xi32>
      %parallel_loop3A_123 = tpu.vector_load_idx %arg6[%parallel_loop3A_122] : memref<65536xf32, #tpu.memory_space<vmem>>[vector<16xi32>], vector<16xf32>,
      %parallel_loop3A_124 = arith.constant 16 : i32
      %parallel_loop3A_125 = arith.muli %parallel_loop3A_5, %parallel_loop3A_124 : i32
      %parallel_loop3A_126 = arith.constant 11 : i32
      %parallel_loop3A_127 = arith.index_cast %parallel_loop3A_126 : i32 to index
      %parallel_loop3A_128 = arith.index_cast %parallel_loop3A_125 : i32 to index
      %parallel_loop3A_129 = tpu.vector_load %arg8[%parallel_loop3A_127, %parallel_loop3A_128] {strides = array<i32>} : memref<64x576xf32, #tpu.memory_space<vmem>>, vector<16xf32>,
      tpu.vector_store %arg8[%parallel_loop3A_127, %parallel_loop3A_128], %parallel_loop3A_123 {strides = array<i32>} : memref<64x576xf32, #tpu.memory_space<vmem>>, vector<16xf32>,
      %parallel_loop3A_130 = arith.constant 12288 : i32
      %parallel_loop3A_131 = vector.broadcast %parallel_loop3A_130 : i32 to vector<16xi32>
      %parallel_loop3A_132 = arith.addi %parallel_loop3A_9, %parallel_loop3A_131 : vector<16xi32>
      %parallel_loop3A_133 = tpu.vector_load_idx %arg6[%parallel_loop3A_132] : memref<65536xf32, #tpu.memory_space<vmem>>[vector<16xi32>], vector<16xf32>,
      %parallel_loop3A_134 = arith.constant 16 : i32
      %parallel_loop3A_135 = arith.muli %parallel_loop3A_5, %parallel_loop3A_134 : i32
      %parallel_loop3A_136 = arith.constant 12 : i32
      %parallel_loop3A_137 = arith.index_cast %parallel_loop3A_136 : i32 to index
      %parallel_loop3A_138 = arith.index_cast %parallel_loop3A_135 : i32 to index
      %parallel_loop3A_139 = tpu.vector_load %arg8[%parallel_loop3A_137, %parallel_loop3A_138] {strides = array<i32>} : memref<64x576xf32, #tpu.memory_space<vmem>>, vector<16xf32>,
      tpu.vector_store %arg8[%parallel_loop3A_137, %parallel_loop3A_138], %parallel_loop3A_133 {strides = array<i32>} : memref<64x576xf32, #tpu.memory_space<vmem>>, vector<16xf32>,
      %parallel_loop3A_140 = arith.constant 13312 : i32
      %parallel_loop3A_141 = vector.broadcast %parallel_loop3A_140 : i32 to vector<16xi32>
      %parallel_loop3A_142 = arith.addi %parallel_loop3A_9, %parallel_loop3A_141 : vector<16xi32>
      %parallel_loop3A_143 = tpu.vector_load_idx %arg6[%parallel_loop3A_142] : memref<65536xf32, #tpu.memory_space<vmem>>[vector<16xi32>], vector<16xf32>,
      %parallel_loop3A_144 = arith.constant 16 : i32
      %parallel_loop3A_145 = arith.muli %parallel_loop3A_5, %parallel_loop3A_144 : i32
      %parallel_loop3A_146 = arith.constant 13 : i32
      %parallel_loop3A_147 = arith.index_cast %parallel_loop3A_146 : i32 to index
      %parallel_loop3A_148 = arith.index_cast %parallel_loop3A_145 : i32 to index
      %parallel_loop3A_149 = tpu.vector_load %arg8[%parallel_loop3A_147, %parallel_loop3A_148] {strides = array<i32>} : memref<64x576xf32, #tpu.memory_space<vmem>>, vector<16xf32>,
      tpu.vector_store %arg8[%parallel_loop3A_147, %parallel_loop3A_148], %parallel_loop3A_143 {strides = array<i32>} : memref<64x576xf32, #tpu.memory_space<vmem>>, vector<16xf32>,
      %parallel_loop3A_150 = arith.constant 14336 : i32
      %parallel_loop3A_151 = vector.broadcast %parallel_loop3A_150 : i32 to vector<16xi32>
      %parallel_loop3A_152 = arith.addi %parallel_loop3A_9, %parallel_loop3A_151 : vector<16xi32>
      %parallel_loop3A_153 = tpu.vector_load_idx %arg6[%parallel_loop3A_152] : memref<65536xf32, #tpu.memory_space<vmem>>[vector<16xi32>], vector<16xf32>,
      %parallel_loop3A_154 = arith.constant 16 : i32
      %parallel_loop3A_155 = arith.muli %parallel_loop3A_5, %parallel_loop3A_154 : i32
      %parallel_loop3A_156 = arith.constant 14 : i32
      %parallel_loop3A_157 = arith.index_cast %parallel_loop3A_156 : i32 to index
      %parallel_loop3A_158 = arith.index_cast %parallel_loop3A_155 : i32 to index
      %parallel_loop3A_159 = tpu.vector_load %arg8[%parallel_loop3A_157, %parallel_loop3A_158] {strides = array<i32>} : memref<64x576xf32, #tpu.memory_space<vmem>>, vector<16xf32>,
      tpu.vector_store %arg8[%parallel_loop3A_157, %parallel_loop3A_158], %parallel_loop3A_153 {strides = array<i32>} : memref<64x576xf32, #tpu.memory_space<vmem>>, vector<16xf32>,
      %parallel_loop3A_160 = arith.constant 15360 : i32
      %parallel_loop3A_161 = vector.broadcast %parallel_loop3A_160 : i32 to vector<16xi32>
      %parallel_loop3A_162 = arith.addi %parallel_loop3A_9, %parallel_loop3A_161 : vector<16xi32>
      %parallel_loop3A_163 = tpu.vector_load_idx %arg6[%parallel_loop3A_162] : memref<65536xf32, #tpu.memory_space<vmem>>[vector<16xi32>], vector<16xf32>,
      %parallel_loop3A_164 = arith.constant 16 : i32
      %parallel_loop3A_165 = arith.muli %parallel_loop3A_5, %parallel_loop3A_164 : i32
      %parallel_loop3A_166 = arith.constant 15 : i32
      %parallel_loop3A_167 = arith.index_cast %parallel_loop3A_166 : i32 to index
      %parallel_loop3A_168 = arith.index_cast %parallel_loop3A_165 : i32 to index
      %parallel_loop3A_169 = tpu.vector_load %arg8[%parallel_loop3A_167, %parallel_loop3A_168] {strides = array<i32>} : memref<64x576xf32, #tpu.memory_space<vmem>>, vector<16xf32>,
      tpu.vector_store %arg8[%parallel_loop3A_167, %parallel_loop3A_168], %parallel_loop3A_163 {strides = array<i32>} : memref<64x576xf32, #tpu.memory_space<vmem>>, vector<16xf32>,
      %parallel_loop3A_170 = arith.constant 16384 : i32
      %parallel_loop3A_171 = vector.broadcast %parallel_loop3A_170 : i32 to vector<16xi32>
      %parallel_loop3A_172 = arith.addi %parallel_loop3A_9, %parallel_loop3A_171 : vector<16xi32>
      %parallel_loop3A_173 = tpu.vector_load_idx %arg6[%parallel_loop3A_172] : memref<65536xf32, #tpu.memory_space<vmem>>[vector<16xi32>], vector<16xf32>,
      %parallel_loop3A_174 = arith.constant 16 : i32
      %parallel_loop3A_175 = arith.muli %parallel_loop3A_5, %parallel_loop3A_174 : i32
      %parallel_loop3A_176 = arith.constant 16 : i32
      %parallel_loop3A_177 = arith.index_cast %parallel_loop3A_176 : i32 to index
      %parallel_loop3A_178 = arith.index_cast %parallel_loop3A_175 : i32 to index
      %parallel_loop3A_179 = tpu.vector_load %arg8[%parallel_loop3A_177, %parallel_loop3A_178] {strides = array<i32>} : memref<64x576xf32, #tpu.memory_space<vmem>>, vector<16xf32>,
      tpu.vector_store %arg8[%parallel_loop3A_177, %parallel_loop3A_178], %parallel_loop3A_173 {strides = array<i32>} : memref<64x576xf32, #tpu.memory_space<vmem>>, vector<16xf32>,
      %parallel_loop3A_180 = arith.constant 17408 : i32
      %parallel_loop3A_181 = vector.broadcast %parallel_loop3A_180 : i32 to vector<16xi32>
      %parallel_loop3A_182 = arith.addi %parallel_loop3A_9, %parallel_loop3A_181 : vector<16xi32>
      %parallel_loop3A_183 = tpu.vector_load_idx %arg6[%parallel_loop3A_182] : memref<65536xf32, #tpu.memory_space<vmem>>[vector<16xi32>], vector<16xf32>,
      %parallel_loop3A_184 = arith.constant 16 : i32
      %parallel_loop3A_185 = arith.muli %parallel_loop3A_5, %parallel_loop3A_184 : i32
      %parallel_loop3A_186 = arith.constant 17 : i32
      %parallel_loop3A_187 = arith.index_cast %parallel_loop3A_186 : i32 to index
      %parallel_loop3A_188 = arith.index_cast %parallel_loop3A_185 : i32 to index
      %parallel_loop3A_189 = tpu.vector_load %arg8[%parallel_loop3A_187, %parallel_loop3A_188] {strides = array<i32>} : memref<64x576xf32, #tpu.memory_space<vmem>>, vector<16xf32>,
      tpu.vector_store %arg8[%parallel_loop3A_187, %parallel_loop3A_188], %parallel_loop3A_183 {strides = array<i32>} : memref<64x576xf32, #tpu.memory_space<vmem>>, vector<16xf32>,
      %parallel_loop3A_190 = arith.constant 18432 : i32
      %parallel_loop3A_191 = vector.broadcast %parallel_loop3A_190 : i32 to vector<16xi32>
      %parallel_loop3A_192 = arith.addi %parallel_loop3A_9, %parallel_loop3A_191 : vector<16xi32>
      %parallel_loop3A_193 = tpu.vector_load_idx %arg6[%parallel_loop3A_192] : memref<65536xf32, #tpu.memory_space<vmem>>[vector<16xi32>], vector<16xf32>,
      %parallel_loop3A_194 = arith.constant 16 : i32
      %parallel_loop3A_195 = arith.muli %parallel_loop3A_5, %parallel_loop3A_194 : i32
      %parallel_loop3A_196 = arith.constant 18 : i32
      %parallel_loop3A_197 = arith.index_cast %parallel_loop3A_196 : i32 to index
      %parallel_loop3A_198 = arith.index_cast %parallel_loop3A_195 : i32 to index
      %parallel_loop3A_199 = tpu.vector_load %arg8[%parallel_loop3A_197, %parallel_loop3A_198] {strides = array<i32>} : memref<64x576xf32, #tpu.memory_space<vmem>>, vector<16xf32>,
      tpu.vector_store %arg8[%parallel_loop3A_197, %parallel_loop3A_198], %parallel_loop3A_193 {strides = array<i32>} : memref<64x576xf32, #tpu.memory_space<vmem>>, vector<16xf32>,
      %parallel_loop3A_200 = arith.constant 19456 : i32
      %parallel_loop3A_201 = vector.broadcast %parallel_loop3A_200 : i32 to vector<16xi32>
      %parallel_loop3A_202 = arith.addi %parallel_loop3A_9, %parallel_loop3A_201 : vector<16xi32>
      %parallel_loop3A_203 = tpu.vector_load_idx %arg6[%parallel_loop3A_202] : memref<65536xf32, #tpu.memory_space<vmem>>[vector<16xi32>], vector<16xf32>,
      %parallel_loop3A_204 = arith.constant 16 : i32
      %parallel_loop3A_205 = arith.muli %parallel_loop3A_5, %parallel_loop3A_204 : i32
      %parallel_loop3A_206 = arith.constant 19 : i32
      %parallel_loop3A_207 = arith.index_cast %parallel_loop3A_206 : i32 to index
      %parallel_loop3A_208 = arith.index_cast %parallel_loop3A_205 : i32 to index
      %parallel_loop3A_209 = tpu.vector_load %arg8[%parallel_loop3A_207, %parallel_loop3A_208] {strides = array<i32>} : memref<64x576xf32, #tpu.memory_space<vmem>>, vector<16xf32>,
      tpu.vector_store %arg8[%parallel_loop3A_207, %parallel_loop3A_208], %parallel_loop3A_203 {strides = array<i32>} : memref<64x576xf32, #tpu.memory_space<vmem>>, vector<16xf32>,
      %parallel_loop3A_210 = arith.constant 20480 : i32
      %parallel_loop3A_211 = vector.broadcast %parallel_loop3A_210 : i32 to vector<16xi32>
      %parallel_loop3A_212 = arith.addi %parallel_loop3A_9, %parallel_loop3A_211 : vector<16xi32>
      %parallel_loop3A_213 = tpu.vector_load_idx %arg6[%parallel_loop3A_212] : memref<65536xf32, #tpu.memory_space<vmem>>[vector<16xi32>], vector<16xf32>,
      %parallel_loop3A_214 = arith.constant 16 : i32
      %parallel_loop3A_215 = arith.muli %parallel_loop3A_5, %parallel_loop3A_214 : i32
      %parallel_loop3A_216 = arith.constant 20 : i32
      %parallel_loop3A_217 = arith.index_cast %parallel_loop3A_216 : i32 to index
      %parallel_loop3A_218 = arith.index_cast %parallel_loop3A_215 : i32 to index
      %parallel_loop3A_219 = tpu.vector_load %arg8[%parallel_loop3A_217, %parallel_loop3A_218] {strides = array<i32>} : memref<64x576xf32, #tpu.memory_space<vmem>>, vector<16xf32>,
      tpu.vector_store %arg8[%parallel_loop3A_217, %parallel_loop3A_218], %parallel_loop3A_213 {strides = array<i32>} : memref<64x576xf32, #tpu.memory_space<vmem>>, vector<16xf32>,
      %parallel_loop3A_220 = arith.constant 21504 : i32
      %parallel_loop3A_221 = vector.broadcast %parallel_loop3A_220 : i32 to vector<16xi32>
      %parallel_loop3A_222 = arith.addi %parallel_loop3A_9, %parallel_loop3A_221 : vector<16xi32>
      %parallel_loop3A_223 = tpu.vector_load_idx %arg6[%parallel_loop3A_222] : memref<65536xf32, #tpu.memory_space<vmem>>[vector<16xi32>], vector<16xf32>,
      %parallel_loop3A_224 = arith.constant 16 : i32
      %parallel_loop3A_225 = arith.muli %parallel_loop3A_5, %parallel_loop3A_224 : i32
      %parallel_loop3A_226 = arith.constant 21 : i32
      %parallel_loop3A_227 = arith.index_cast %parallel_loop3A_226 : i32 to index
      %parallel_loop3A_228 = arith.index_cast %parallel_loop3A_225 : i32 to index
      %parallel_loop3A_229 = tpu.vector_load %arg8[%parallel_loop3A_227, %parallel_loop3A_228] {strides = array<i32>} : memref<64x576xf32, #tpu.memory_space<vmem>>, vector<16xf32>,
      tpu.vector_store %arg8[%parallel_loop3A_227, %parallel_loop3A_228], %parallel_loop3A_223 {strides = array<i32>} : memref<64x576xf32, #tpu.memory_space<vmem>>, vector<16xf32>,
      %parallel_loop3A_230 = arith.constant 22528 : i32
      %parallel_loop3A_231 = vector.broadcast %parallel_loop3A_230 : i32 to vector<16xi32>
      %parallel_loop3A_232 = arith.addi %parallel_loop3A_9, %parallel_loop3A_231 : vector<16xi32>
      %parallel_loop3A_233 = tpu.vector_load_idx %arg6[%parallel_loop3A_232] : memref<65536xf32, #tpu.memory_space<vmem>>[vector<16xi32>], vector<16xf32>,
      %parallel_loop3A_234 = arith.constant 16 : i32
      %parallel_loop3A_235 = arith.muli %parallel_loop3A_5, %parallel_loop3A_234 : i32
      %parallel_loop3A_236 = arith.constant 22 : i32
      %parallel_loop3A_237 = arith.index_cast %parallel_loop3A_236 : i32 to index
      %parallel_loop3A_238 = arith.index_cast %parallel_loop3A_235 : i32 to index
      %parallel_loop3A_239 = tpu.vector_load %arg8[%parallel_loop3A_237, %parallel_loop3A_238] {strides = array<i32>} : memref<64x576xf32, #tpu.memory_space<vmem>>, vector<16xf32>,
      tpu.vector_store %arg8[%parallel_loop3A_237, %parallel_loop3A_238], %parallel_loop3A_233 {strides = array<i32>} : memref<64x576xf32, #tpu.memory_space<vmem>>, vector<16xf32>,
      %parallel_loop3A_240 = arith.constant 23552 : i32
      %parallel_loop3A_241 = vector.broadcast %parallel_loop3A_240 : i32 to vector<16xi32>
      %parallel_loop3A_242 = arith.addi %parallel_loop3A_9, %parallel_loop3A_241 : vector<16xi32>
      %parallel_loop3A_243 = tpu.vector_load_idx %arg6[%parallel_loop3A_242] : memref<65536xf32, #tpu.memory_space<vmem>>[vector<16xi32>], vector<16xf32>,
      %parallel_loop3A_244 = arith.constant 16 : i32
      %parallel_loop3A_245 = arith.muli %parallel_loop3A_5, %parallel_loop3A_244 : i32
      %parallel_loop3A_246 = arith.constant 23 : i32
      %parallel_loop3A_247 = arith.index_cast %parallel_loop3A_246 : i32 to index
      %parallel_loop3A_248 = arith.index_cast %parallel_loop3A_245 : i32 to index
      %parallel_loop3A_249 = tpu.vector_load %arg8[%parallel_loop3A_247, %parallel_loop3A_248] {strides = array<i32>} : memref<64x576xf32, #tpu.memory_space<vmem>>, vector<16xf32>,
      tpu.vector_store %arg8[%parallel_loop3A_247, %parallel_loop3A_248], %parallel_loop3A_243 {strides = array<i32>} : memref<64x576xf32, #tpu.memory_space<vmem>>, vector<16xf32>,
      %parallel_loop3A_250 = arith.constant 24576 : i32
      %parallel_loop3A_251 = vector.broadcast %parallel_loop3A_250 : i32 to vector<16xi32>
      %parallel_loop3A_252 = arith.addi %parallel_loop3A_9, %parallel_loop3A_251 : vector<16xi32>
      %parallel_loop3A_253 = tpu.vector_load_idx %arg6[%parallel_loop3A_252] : memref<65536xf32, #tpu.memory_space<vmem>>[vector<16xi32>], vector<16xf32>,
      %parallel_loop3A_254 = arith.constant 16 : i32
      %parallel_loop3A_255 = arith.muli %parallel_loop3A_5, %parallel_loop3A_254 : i32
      %parallel_loop3A_256 = arith.constant 24 : i32
      %parallel_loop3A_257 = arith.index_cast %parallel_loop3A_256 : i32 to index
      %parallel_loop3A_258 = arith.index_cast %parallel_loop3A_255 : i32 to index
      %parallel_loop3A_259 = tpu.vector_load %arg8[%parallel_loop3A_257, %parallel_loop3A_258] {strides = array<i32>} : memref<64x576xf32, #tpu.memory_space<vmem>>, vector<16xf32>,
      tpu.vector_store %arg8[%parallel_loop3A_257, %parallel_loop3A_258], %parallel_loop3A_253 {strides = array<i32>} : memref<64x576xf32, #tpu.memory_space<vmem>>, vector<16xf32>,
      %parallel_loop3A_260 = arith.constant 25600 : i32
      %parallel_loop3A_261 = vector.broadcast %parallel_loop3A_260 : i32 to vector<16xi32>
      %parallel_loop3A_262 = arith.addi %parallel_loop3A_9, %parallel_loop3A_261 : vector<16xi32>
      %parallel_loop3A_263 = tpu.vector_load_idx %arg6[%parallel_loop3A_262] : memref<65536xf32, #tpu.memory_space<vmem>>[vector<16xi32>], vector<16xf32>,
      %parallel_loop3A_264 = arith.constant 16 : i32
      %parallel_loop3A_265 = arith.muli %parallel_loop3A_5, %parallel_loop3A_264 : i32
      %parallel_loop3A_266 = arith.constant 25 : i32
      %parallel_loop3A_267 = arith.index_cast %parallel_loop3A_266 : i32 to index
      %parallel_loop3A_268 = arith.index_cast %parallel_loop3A_265 : i32 to index
      %parallel_loop3A_269 = tpu.vector_load %arg8[%parallel_loop3A_267, %parallel_loop3A_268] {strides = array<i32>} : memref<64x576xf32, #tpu.memory_space<vmem>>, vector<16xf32>,
      tpu.vector_store %arg8[%parallel_loop3A_267, %parallel_loop3A_268], %parallel_loop3A_263 {strides = array<i32>} : memref<64x576xf32, #tpu.memory_space<vmem>>, vector<16xf32>,
      %parallel_loop3A_270 = arith.constant 26624 : i32
      %parallel_loop3A_271 = vector.broadcast %parallel_loop3A_270 : i32 to vector<16xi32>
      %parallel_loop3A_272 = arith.addi %parallel_loop3A_9, %parallel_loop3A_271 : vector<16xi32>
      %parallel_loop3A_273 = tpu.vector_load_idx %arg6[%parallel_loop3A_272] : memref<65536xf32, #tpu.memory_space<vmem>>[vector<16xi32>], vector<16xf32>,
      %parallel_loop3A_274 = arith.constant 16 : i32
      %parallel_loop3A_275 = arith.muli %parallel_loop3A_5, %parallel_loop3A_274 : i32
      %parallel_loop3A_276 = arith.constant 26 : i32
      %parallel_loop3A_277 = arith.index_cast %parallel_loop3A_276 : i32 to index
      %parallel_loop3A_278 = arith.index_cast %parallel_loop3A_275 : i32 to index
      %parallel_loop3A_279 = tpu.vector_load %arg8[%parallel_loop3A_277, %parallel_loop3A_278] {strides = array<i32>} : memref<64x576xf32, #tpu.memory_space<vmem>>, vector<16xf32>,
      tpu.vector_store %arg8[%parallel_loop3A_277, %parallel_loop3A_278], %parallel_loop3A_273 {strides = array<i32>} : memref<64x576xf32, #tpu.memory_space<vmem>>, vector<16xf32>,
      %parallel_loop3A_280 = arith.constant 27648 : i32
      %parallel_loop3A_281 = vector.broadcast %parallel_loop3A_280 : i32 to vector<16xi32>
      %parallel_loop3A_282 = arith.addi %parallel_loop3A_9, %parallel_loop3A_281 : vector<16xi32>
      %parallel_loop3A_283 = tpu.vector_load_idx %arg6[%parallel_loop3A_282] : memref<65536xf32, #tpu.memory_space<vmem>>[vector<16xi32>], vector<16xf32>,
      %parallel_loop3A_284 = arith.constant 16 : i32
      %parallel_loop3A_285 = arith.muli %parallel_loop3A_5, %parallel_loop3A_284 : i32
      %parallel_loop3A_286 = arith.constant 27 : i32
      %parallel_loop3A_287 = arith.index_cast %parallel_loop3A_286 : i32 to index
      %parallel_loop3A_288 = arith.index_cast %parallel_loop3A_285 : i32 to index
      %parallel_loop3A_289 = tpu.vector_load %arg8[%parallel_loop3A_287, %parallel_loop3A_288] {strides = array<i32>} : memref<64x576xf32, #tpu.memory_space<vmem>>, vector<16xf32>,
      tpu.vector_store %arg8[%parallel_loop3A_287, %parallel_loop3A_288], %parallel_loop3A_283 {strides = array<i32>} : memref<64x576xf32, #tpu.memory_space<vmem>>, vector<16xf32>,
      %parallel_loop3A_290 = arith.constant 28672 : i32
      %parallel_loop3A_291 = vector.broadcast %parallel_loop3A_290 : i32 to vector<16xi32>
      %parallel_loop3A_292 = arith.addi %parallel_loop3A_9, %parallel_loop3A_291 : vector<16xi32>
      %parallel_loop3A_293 = tpu.vector_load_idx %arg6[%parallel_loop3A_292] : memref<65536xf32, #tpu.memory_space<vmem>>[vector<16xi32>], vector<16xf32>,
      %parallel_loop3A_294 = arith.constant 16 : i32
      %parallel_loop3A_295 = arith.muli %parallel_loop3A_5, %parallel_loop3A_294 : i32
      %parallel_loop3A_296 = arith.constant 28 : i32
      %parallel_loop3A_297 = arith.index_cast %parallel_loop3A_296 : i32 to index
      %parallel_loop3A_298 = arith.index_cast %parallel_loop3A_295 : i32 to index
      %parallel_loop3A_299 = tpu.vector_load %arg8[%parallel_loop3A_297, %parallel_loop3A_298] {strides = array<i32>} : memref<64x576xf32, #tpu.memory_space<vmem>>, vector<16xf32>,
      tpu.vector_store %arg8[%parallel_loop3A_297, %parallel_loop3A_298], %parallel_loop3A_293 {strides = array<i32>} : memref<64x576xf32, #tpu.memory_space<vmem>>, vector<16xf32>,
      %parallel_loop3A_300 = arith.constant 29696 : i32
      %parallel_loop3A_301 = vector.broadcast %parallel_loop3A_300 : i32 to vector<16xi32>
      %parallel_loop3A_302 = arith.addi %parallel_loop3A_9, %parallel_loop3A_301 : vector<16xi32>
      %parallel_loop3A_303 = tpu.vector_load_idx %arg6[%parallel_loop3A_302] : memref<65536xf32, #tpu.memory_space<vmem>>[vector<16xi32>], vector<16xf32>,
      %parallel_loop3A_304 = arith.constant 16 : i32
      %parallel_loop3A_305 = arith.muli %parallel_loop3A_5, %parallel_loop3A_304 : i32
      %parallel_loop3A_306 = arith.constant 29 : i32
      %parallel_loop3A_307 = arith.index_cast %parallel_loop3A_306 : i32 to index
      %parallel_loop3A_308 = arith.index_cast %parallel_loop3A_305 : i32 to index
      %parallel_loop3A_309 = tpu.vector_load %arg8[%parallel_loop3A_307, %parallel_loop3A_308] {strides = array<i32>} : memref<64x576xf32, #tpu.memory_space<vmem>>, vector<16xf32>,
      tpu.vector_store %arg8[%parallel_loop3A_307, %parallel_loop3A_308], %parallel_loop3A_303 {strides = array<i32>} : memref<64x576xf32, #tpu.memory_space<vmem>>, vector<16xf32>,
      %parallel_loop3A_310 = arith.constant 30720 : i32
      %parallel_loop3A_311 = vector.broadcast %parallel_loop3A_310 : i32 to vector<16xi32>
      %parallel_loop3A_312 = arith.addi %parallel_loop3A_9, %parallel_loop3A_311 : vector<16xi32>
      %parallel_loop3A_313 = tpu.vector_load_idx %arg6[%parallel_loop3A_312] : memref<65536xf32, #tpu.memory_space<vmem>>[vector<16xi32>], vector<16xf32>,
      %parallel_loop3A_314 = arith.constant 16 : i32
      %parallel_loop3A_315 = arith.muli %parallel_loop3A_5, %parallel_loop3A_314 : i32
      %parallel_loop3A_316 = arith.constant 30 : i32
      %parallel_loop3A_317 = arith.index_cast %parallel_loop3A_316 : i32 to index
      %parallel_loop3A_318 = arith.index_cast %parallel_loop3A_315 : i32 to index
      %parallel_loop3A_319 = tpu.vector_load %arg8[%parallel_loop3A_317, %parallel_loop3A_318] {strides = array<i32>} : memref<64x576xf32, #tpu.memory_space<vmem>>, vector<16xf32>,
      tpu.vector_store %arg8[%parallel_loop3A_317, %parallel_loop3A_318], %parallel_loop3A_313 {strides = array<i32>} : memref<64x576xf32, #tpu.memory_space<vmem>>, vector<16xf32>,
      %parallel_loop3A_320 = arith.constant 31744 : i32
      %parallel_loop3A_321 = vector.broadcast %parallel_loop3A_320 : i32 to vector<16xi32>
      %parallel_loop3A_322 = arith.addi %parallel_loop3A_9, %parallel_loop3A_321 : vector<16xi32>
      %parallel_loop3A_323 = tpu.vector_load_idx %arg6[%parallel_loop3A_322] : memref<65536xf32, #tpu.memory_space<vmem>>[vector<16xi32>], vector<16xf32>,
      %parallel_loop3A_324 = arith.constant 16 : i32
      %parallel_loop3A_325 = arith.muli %parallel_loop3A_5, %parallel_loop3A_324 : i32
      %parallel_loop3A_326 = arith.constant 31 : i32
      %parallel_loop3A_327 = arith.index_cast %parallel_loop3A_326 : i32 to index
      %parallel_loop3A_328 = arith.index_cast %parallel_loop3A_325 : i32 to index
      %parallel_loop3A_329 = tpu.vector_load %arg8[%parallel_loop3A_327, %parallel_loop3A_328] {strides = array<i32>} : memref<64x576xf32, #tpu.memory_space<vmem>>, vector<16xf32>,
      tpu.vector_store %arg8[%parallel_loop3A_327, %parallel_loop3A_328], %parallel_loop3A_323 {strides = array<i32>} : memref<64x576xf32, #tpu.memory_space<vmem>>, vector<16xf32>,
      %parallel_loop3A_330 = arith.constant 32768 : i32
      %parallel_loop3A_331 = vector.broadcast %parallel_loop3A_330 : i32 to vector<16xi32>
      %parallel_loop3A_332 = arith.addi %parallel_loop3A_9, %parallel_loop3A_331 : vector<16xi32>
      %parallel_loop3A_333 = tpu.vector_load_idx %arg6[%parallel_loop3A_332] : memref<65536xf32, #tpu.memory_space<vmem>>[vector<16xi32>], vector<16xf32>,
      %parallel_loop3A_334 = arith.constant 16 : i32
      %parallel_loop3A_335 = arith.muli %parallel_loop3A_5, %parallel_loop3A_334 : i32
      %parallel_loop3A_336 = arith.constant 32 : i32
      %parallel_loop3A_337 = arith.index_cast %parallel_loop3A_336 : i32 to index
      %parallel_loop3A_338 = arith.index_cast %parallel_loop3A_335 : i32 to index
      %parallel_loop3A_339 = tpu.vector_load %arg8[%parallel_loop3A_337, %parallel_loop3A_338] {strides = array<i32>} : memref<64x576xf32, #tpu.memory_space<vmem>>, vector<16xf32>,
      tpu.vector_store %arg8[%parallel_loop3A_337, %parallel_loop3A_338], %parallel_loop3A_333 {strides = array<i32>} : memref<64x576xf32, #tpu.memory_space<vmem>>, vector<16xf32>,
      %parallel_loop3A_340 = arith.constant 33792 : i32
      %parallel_loop3A_341 = vector.broadcast %parallel_loop3A_340 : i32 to vector<16xi32>
      %parallel_loop3A_342 = arith.addi %parallel_loop3A_9, %parallel_loop3A_341 : vector<16xi32>
      %parallel_loop3A_343 = tpu.vector_load_idx %arg6[%parallel_loop3A_342] : memref<65536xf32, #tpu.memory_space<vmem>>[vector<16xi32>], vector<16xf32>,
      %parallel_loop3A_344 = arith.constant 16 : i32
      %parallel_loop3A_345 = arith.muli %parallel_loop3A_5, %parallel_loop3A_344 : i32
      %parallel_loop3A_346 = arith.constant 33 : i32
      %parallel_loop3A_347 = arith.index_cast %parallel_loop3A_346 : i32 to index
      %parallel_loop3A_348 = arith.index_cast %parallel_loop3A_345 : i32 to index
      %parallel_loop3A_349 = tpu.vector_load %arg8[%parallel_loop3A_347, %parallel_loop3A_348] {strides = array<i32>} : memref<64x576xf32, #tpu.memory_space<vmem>>, vector<16xf32>,
      tpu.vector_store %arg8[%parallel_loop3A_347, %parallel_loop3A_348], %parallel_loop3A_343 {strides = array<i32>} : memref<64x576xf32, #tpu.memory_space<vmem>>, vector<16xf32>,
      %parallel_loop3A_350 = arith.constant 34816 : i32
      %parallel_loop3A_351 = vector.broadcast %parallel_loop3A_350 : i32 to vector<16xi32>
      %parallel_loop3A_352 = arith.addi %parallel_loop3A_9, %parallel_loop3A_351 : vector<16xi32>
      %parallel_loop3A_353 = tpu.vector_load_idx %arg6[%parallel_loop3A_352] : memref<65536xf32, #tpu.memory_space<vmem>>[vector<16xi32>], vector<16xf32>,
      %parallel_loop3A_354 = arith.constant 16 : i32
      %parallel_loop3A_355 = arith.muli %parallel_loop3A_5, %parallel_loop3A_354 : i32
      %parallel_loop3A_356 = arith.constant 34 : i32
      %parallel_loop3A_357 = arith.index_cast %parallel_loop3A_356 : i32 to index
      %parallel_loop3A_358 = arith.index_cast %parallel_loop3A_355 : i32 to index
      %parallel_loop3A_359 = tpu.vector_load %arg8[%parallel_loop3A_357, %parallel_loop3A_358] {strides = array<i32>} : memref<64x576xf32, #tpu.memory_space<vmem>>, vector<16xf32>,
      tpu.vector_store %arg8[%parallel_loop3A_357, %parallel_loop3A_358], %parallel_loop3A_353 {strides = array<i32>} : memref<64x576xf32, #tpu.memory_space<vmem>>, vector<16xf32>,
      %parallel_loop3A_360 = arith.constant 35840 : i32
      %parallel_loop3A_361 = vector.broadcast %parallel_loop3A_360 : i32 to vector<16xi32>
      %parallel_loop3A_362 = arith.addi %parallel_loop3A_9, %parallel_loop3A_361 : vector<16xi32>
      %parallel_loop3A_363 = tpu.vector_load_idx %arg6[%parallel_loop3A_362] : memref<65536xf32, #tpu.memory_space<vmem>>[vector<16xi32>], vector<16xf32>,
      %parallel_loop3A_364 = arith.constant 16 : i32
      %parallel_loop3A_365 = arith.muli %parallel_loop3A_5, %parallel_loop3A_364 : i32
      %parallel_loop3A_366 = arith.constant 35 : i32
      %parallel_loop3A_367 = arith.index_cast %parallel_loop3A_366 : i32 to index
      %parallel_loop3A_368 = arith.index_cast %parallel_loop3A_365 : i32 to index
      %parallel_loop3A_369 = tpu.vector_load %arg8[%parallel_loop3A_367, %parallel_loop3A_368] {strides = array<i32>} : memref<64x576xf32, #tpu.memory_space<vmem>>, vector<16xf32>,
      tpu.vector_store %arg8[%parallel_loop3A_367, %parallel_loop3A_368], %parallel_loop3A_363 {strides = array<i32>} : memref<64x576xf32, #tpu.memory_space<vmem>>, vector<16xf32>,
      %parallel_loop3A_370 = arith.constant 36864 : i32
      %parallel_loop3A_371 = vector.broadcast %parallel_loop3A_370 : i32 to vector<16xi32>
      %parallel_loop3A_372 = arith.addi %parallel_loop3A_9, %parallel_loop3A_371 : vector<16xi32>
      %parallel_loop3A_373 = tpu.vector_load_idx %arg6[%parallel_loop3A_372] : memref<65536xf32, #tpu.memory_space<vmem>>[vector<16xi32>], vector<16xf32>,
      %parallel_loop3A_374 = arith.constant 16 : i32
      %parallel_loop3A_375 = arith.muli %parallel_loop3A_5, %parallel_loop3A_374 : i32
      %parallel_loop3A_376 = arith.constant 36 : i32
      %parallel_loop3A_377 = arith.index_cast %parallel_loop3A_376 : i32 to index
      %parallel_loop3A_378 = arith.index_cast %parallel_loop3A_375 : i32 to index
      %parallel_loop3A_379 = tpu.vector_load %arg8[%parallel_loop3A_377, %parallel_loop3A_378] {strides = array<i32>} : memref<64x576xf32, #tpu.memory_space<vmem>>, vector<16xf32>,
      tpu.vector_store %arg8[%parallel_loop3A_377, %parallel_loop3A_378], %parallel_loop3A_373 {strides = array<i32>} : memref<64x576xf32, #tpu.memory_space<vmem>>, vector<16xf32>,
      %parallel_loop3A_380 = arith.constant 37888 : i32
      %parallel_loop3A_381 = vector.broadcast %parallel_loop3A_380 : i32 to vector<16xi32>
      %parallel_loop3A_382 = arith.addi %parallel_loop3A_9, %parallel_loop3A_381 : vector<16xi32>
      %parallel_loop3A_383 = tpu.vector_load_idx %arg6[%parallel_loop3A_382] : memref<65536xf32, #tpu.memory_space<vmem>>[vector<16xi32>], vector<16xf32>,
      %parallel_loop3A_384 = arith.constant 16 : i32
      %parallel_loop3A_385 = arith.muli %parallel_loop3A_5, %parallel_loop3A_384 : i32
      %parallel_loop3A_386 = arith.constant 37 : i32
      %parallel_loop3A_387 = arith.index_cast %parallel_loop3A_386 : i32 to index
      %parallel_loop3A_388 = arith.index_cast %parallel_loop3A_385 : i32 to index
      %parallel_loop3A_389 = tpu.vector_load %arg8[%parallel_loop3A_387, %parallel_loop3A_388] {strides = array<i32>} : memref<64x576xf32, #tpu.memory_space<vmem>>, vector<16xf32>,
      tpu.vector_store %arg8[%parallel_loop3A_387, %parallel_loop3A_388], %parallel_loop3A_383 {strides = array<i32>} : memref<64x576xf32, #tpu.memory_space<vmem>>, vector<16xf32>,
      %parallel_loop3A_390 = arith.constant 38912 : i32
      %parallel_loop3A_391 = vector.broadcast %parallel_loop3A_390 : i32 to vector<16xi32>
      %parallel_loop3A_392 = arith.addi %parallel_loop3A_9, %parallel_loop3A_391 : vector<16xi32>
      %parallel_loop3A_393 = tpu.vector_load_idx %arg6[%parallel_loop3A_392] : memref<65536xf32, #tpu.memory_space<vmem>>[vector<16xi32>], vector<16xf32>,
      %parallel_loop3A_394 = arith.constant 16 : i32
      %parallel_loop3A_395 = arith.muli %parallel_loop3A_5, %parallel_loop3A_394 : i32
      %parallel_loop3A_396 = arith.constant 38 : i32
      %parallel_loop3A_397 = arith.index_cast %parallel_loop3A_396 : i32 to index
      %parallel_loop3A_398 = arith.index_cast %parallel_loop3A_395 : i32 to index
      %parallel_loop3A_399 = tpu.vector_load %arg8[%parallel_loop3A_397, %parallel_loop3A_398] {strides = array<i32>} : memref<64x576xf32, #tpu.memory_space<vmem>>, vector<16xf32>,
      tpu.vector_store %arg8[%parallel_loop3A_397, %parallel_loop3A_398], %parallel_loop3A_393 {strides = array<i32>} : memref<64x576xf32, #tpu.memory_space<vmem>>, vector<16xf32>,
      %parallel_loop3A_400 = arith.constant 39936 : i32
      %parallel_loop3A_401 = vector.broadcast %parallel_loop3A_400 : i32 to vector<16xi32>
      %parallel_loop3A_402 = arith.addi %parallel_loop3A_9, %parallel_loop3A_401 : vector<16xi32>
      %parallel_loop3A_403 = tpu.vector_load_idx %arg6[%parallel_loop3A_402] : memref<65536xf32, #tpu.memory_space<vmem>>[vector<16xi32>], vector<16xf32>,
      %parallel_loop3A_404 = arith.constant 16 : i32
      %parallel_loop3A_405 = arith.muli %parallel_loop3A_5, %parallel_loop3A_404 : i32
      %parallel_loop3A_406 = arith.constant 39 : i32
      %parallel_loop3A_407 = arith.index_cast %parallel_loop3A_406 : i32 to index
      %parallel_loop3A_408 = arith.index_cast %parallel_loop3A_405 : i32 to index
      %parallel_loop3A_409 = tpu.vector_load %arg8[%parallel_loop3A_407, %parallel_loop3A_408] {strides = array<i32>} : memref<64x576xf32, #tpu.memory_space<vmem>>, vector<16xf32>,
      tpu.vector_store %arg8[%parallel_loop3A_407, %parallel_loop3A_408], %parallel_loop3A_403 {strides = array<i32>} : memref<64x576xf32, #tpu.memory_space<vmem>>, vector<16xf32>,
      %parallel_loop3A_410 = arith.constant 40960 : i32
      %parallel_loop3A_411 = vector.broadcast %parallel_loop3A_410 : i32 to vector<16xi32>
      %parallel_loop3A_412 = arith.addi %parallel_loop3A_9, %parallel_loop3A_411 : vector<16xi32>
      %parallel_loop3A_413 = tpu.vector_load_idx %arg6[%parallel_loop3A_412] : memref<65536xf32, #tpu.memory_space<vmem>>[vector<16xi32>], vector<16xf32>,
      %parallel_loop3A_414 = arith.constant 16 : i32
      %parallel_loop3A_415 = arith.muli %parallel_loop3A_5, %parallel_loop3A_414 : i32
      %parallel_loop3A_416 = arith.constant 40 : i32
      %parallel_loop3A_417 = arith.index_cast %parallel_loop3A_416 : i32 to index
      %parallel_loop3A_418 = arith.index_cast %parallel_loop3A_415 : i32 to index
      %parallel_loop3A_419 = tpu.vector_load %arg8[%parallel_loop3A_417, %parallel_loop3A_418] {strides = array<i32>} : memref<64x576xf32, #tpu.memory_space<vmem>>, vector<16xf32>,
      tpu.vector_store %arg8[%parallel_loop3A_417, %parallel_loop3A_418], %parallel_loop3A_413 {strides = array<i32>} : memref<64x576xf32, #tpu.memory_space<vmem>>, vector<16xf32>,
      %parallel_loop3A_420 = arith.constant 41984 : i32
      %parallel_loop3A_421 = vector.broadcast %parallel_loop3A_420 : i32 to vector<16xi32>
      %parallel_loop3A_422 = arith.addi %parallel_loop3A_9, %parallel_loop3A_421 : vector<16xi32>
      %parallel_loop3A_423 = tpu.vector_load_idx %arg6[%parallel_loop3A_422] : memref<65536xf32, #tpu.memory_space<vmem>>[vector<16xi32>], vector<16xf32>,
      %parallel_loop3A_424 = arith.constant 16 : i32
      %parallel_loop3A_425 = arith.muli %parallel_loop3A_5, %parallel_loop3A_424 : i32
      %parallel_loop3A_426 = arith.constant 41 : i32
      %parallel_loop3A_427 = arith.index_cast %parallel_loop3A_426 : i32 to index
      %parallel_loop3A_428 = arith.index_cast %parallel_loop3A_425 : i32 to index
      %parallel_loop3A_429 = tpu.vector_load %arg8[%parallel_loop3A_427, %parallel_loop3A_428] {strides = array<i32>} : memref<64x576xf32, #tpu.memory_space<vmem>>, vector<16xf32>,
      tpu.vector_store %arg8[%parallel_loop3A_427, %parallel_loop3A_428], %parallel_loop3A_423 {strides = array<i32>} : memref<64x576xf32, #tpu.memory_space<vmem>>, vector<16xf32>,
      %parallel_loop3A_430 = arith.constant 43008 : i32
      %parallel_loop3A_431 = vector.broadcast %parallel_loop3A_430 : i32 to vector<16xi32>
      %parallel_loop3A_432 = arith.addi %parallel_loop3A_9, %parallel_loop3A_431 : vector<16xi32>
      %parallel_loop3A_433 = tpu.vector_load_idx %arg6[%parallel_loop3A_432] : memref<65536xf32, #tpu.memory_space<vmem>>[vector<16xi32>], vector<16xf32>,
      %parallel_loop3A_434 = arith.constant 16 : i32
      %parallel_loop3A_435 = arith.muli %parallel_loop3A_5, %parallel_loop3A_434 : i32
      %parallel_loop3A_436 = arith.constant 42 : i32
      %parallel_loop3A_437 = arith.index_cast %parallel_loop3A_436 : i32 to index
      %parallel_loop3A_438 = arith.index_cast %parallel_loop3A_435 : i32 to index
      %parallel_loop3A_439 = tpu.vector_load %arg8[%parallel_loop3A_437, %parallel_loop3A_438] {strides = array<i32>} : memref<64x576xf32, #tpu.memory_space<vmem>>, vector<16xf32>,
      tpu.vector_store %arg8[%parallel_loop3A_437, %parallel_loop3A_438], %parallel_loop3A_433 {strides = array<i32>} : memref<64x576xf32, #tpu.memory_space<vmem>>, vector<16xf32>,
      %parallel_loop3A_440 = arith.constant 44032 : i32
      %parallel_loop3A_441 = vector.broadcast %parallel_loop3A_440 : i32 to vector<16xi32>
      %parallel_loop3A_442 = arith.addi %parallel_loop3A_9, %parallel_loop3A_441 : vector<16xi32>
      %parallel_loop3A_443 = tpu.vector_load_idx %arg6[%parallel_loop3A_442] : memref<65536xf32, #tpu.memory_space<vmem>>[vector<16xi32>], vector<16xf32>,
      %parallel_loop3A_444 = arith.constant 16 : i32
      %parallel_loop3A_445 = arith.muli %parallel_loop3A_5, %parallel_loop3A_444 : i32
      %parallel_loop3A_446 = arith.constant 43 : i32
      %parallel_loop3A_447 = arith.index_cast %parallel_loop3A_446 : i32 to index
      %parallel_loop3A_448 = arith.index_cast %parallel_loop3A_445 : i32 to index
      %parallel_loop3A_449 = tpu.vector_load %arg8[%parallel_loop3A_447, %parallel_loop3A_448] {strides = array<i32>} : memref<64x576xf32, #tpu.memory_space<vmem>>, vector<16xf32>,
      tpu.vector_store %arg8[%parallel_loop3A_447, %parallel_loop3A_448], %parallel_loop3A_443 {strides = array<i32>} : memref<64x576xf32, #tpu.memory_space<vmem>>, vector<16xf32>,
      %parallel_loop3A_450 = arith.constant 45056 : i32
      %parallel_loop3A_451 = vector.broadcast %parallel_loop3A_450 : i32 to vector<16xi32>
      %parallel_loop3A_452 = arith.addi %parallel_loop3A_9, %parallel_loop3A_451 : vector<16xi32>
      %parallel_loop3A_453 = tpu.vector_load_idx %arg6[%parallel_loop3A_452] : memref<65536xf32, #tpu.memory_space<vmem>>[vector<16xi32>], vector<16xf32>,
      %parallel_loop3A_454 = arith.constant 16 : i32
      %parallel_loop3A_455 = arith.muli %parallel_loop3A_5, %parallel_loop3A_454 : i32
      %parallel_loop3A_456 = arith.constant 44 : i32
      %parallel_loop3A_457 = arith.index_cast %parallel_loop3A_456 : i32 to index
      %parallel_loop3A_458 = arith.index_cast %parallel_loop3A_455 : i32 to index
      %parallel_loop3A_459 = tpu.vector_load %arg8[%parallel_loop3A_457, %parallel_loop3A_458] {strides = array<i32>} : memref<64x576xf32, #tpu.memory_space<vmem>>, vector<16xf32>,
      tpu.vector_store %arg8[%parallel_loop3A_457, %parallel_loop3A_458], %parallel_loop3A_453 {strides = array<i32>} : memref<64x576xf32, #tpu.memory_space<vmem>>, vector<16xf32>,
      %parallel_loop3A_460 = arith.constant 46080 : i32
      %parallel_loop3A_461 = vector.broadcast %parallel_loop3A_460 : i32 to vector<16xi32>
      %parallel_loop3A_462 = arith.addi %parallel_loop3A_9, %parallel_loop3A_461 : vector<16xi32>
      %parallel_loop3A_463 = tpu.vector_load_idx %arg6[%parallel_loop3A_462] : memref<65536xf32, #tpu.memory_space<vmem>>[vector<16xi32>], vector<16xf32>,
      %parallel_loop3A_464 = arith.constant 16 : i32
      %parallel_loop3A_465 = arith.muli %parallel_loop3A_5, %parallel_loop3A_464 : i32
      %parallel_loop3A_466 = arith.constant 45 : i32
      %parallel_loop3A_467 = arith.index_cast %parallel_loop3A_466 : i32 to index
      %parallel_loop3A_468 = arith.index_cast %parallel_loop3A_465 : i32 to index
      %parallel_loop3A_469 = tpu.vector_load %arg8[%parallel_loop3A_467, %parallel_loop3A_468] {strides = array<i32>} : memref<64x576xf32, #tpu.memory_space<vmem>>, vector<16xf32>,
      tpu.vector_store %arg8[%parallel_loop3A_467, %parallel_loop3A_468], %parallel_loop3A_463 {strides = array<i32>} : memref<64x576xf32, #tpu.memory_space<vmem>>, vector<16xf32>,
      %parallel_loop3A_470 = arith.constant 47104 : i32
      %parallel_loop3A_471 = vector.broadcast %parallel_loop3A_470 : i32 to vector<16xi32>
      %parallel_loop3A_472 = arith.addi %parallel_loop3A_9, %parallel_loop3A_471 : vector<16xi32>
      %parallel_loop3A_473 = tpu.vector_load_idx %arg6[%parallel_loop3A_472] : memref<65536xf32, #tpu.memory_space<vmem>>[vector<16xi32>], vector<16xf32>,
      %parallel_loop3A_474 = arith.constant 16 : i32
      %parallel_loop3A_475 = arith.muli %parallel_loop3A_5, %parallel_loop3A_474 : i32
      %parallel_loop3A_476 = arith.constant 46 : i32
      %parallel_loop3A_477 = arith.index_cast %parallel_loop3A_476 : i32 to index
      %parallel_loop3A_478 = arith.index_cast %parallel_loop3A_475 : i32 to index
      %parallel_loop3A_479 = tpu.vector_load %arg8[%parallel_loop3A_477, %parallel_loop3A_478] {strides = array<i32>} : memref<64x576xf32, #tpu.memory_space<vmem>>, vector<16xf32>,
      tpu.vector_store %arg8[%parallel_loop3A_477, %parallel_loop3A_478], %parallel_loop3A_473 {strides = array<i32>} : memref<64x576xf32, #tpu.memory_space<vmem>>, vector<16xf32>,
      %parallel_loop3A_480 = arith.constant 48128 : i32
      %parallel_loop3A_481 = vector.broadcast %parallel_loop3A_480 : i32 to vector<16xi32>
      %parallel_loop3A_482 = arith.addi %parallel_loop3A_9, %parallel_loop3A_481 : vector<16xi32>
      %parallel_loop3A_483 = tpu.vector_load_idx %arg6[%parallel_loop3A_482] : memref<65536xf32, #tpu.memory_space<vmem>>[vector<16xi32>], vector<16xf32>,
      %parallel_loop3A_484 = arith.constant 16 : i32
      %parallel_loop3A_485 = arith.muli %parallel_loop3A_5, %parallel_loop3A_484 : i32
      %parallel_loop3A_486 = arith.constant 47 : i32
      %parallel_loop3A_487 = arith.index_cast %parallel_loop3A_486 : i32 to index
      %parallel_loop3A_488 = arith.index_cast %parallel_loop3A_485 : i32 to index
      %parallel_loop3A_489 = tpu.vector_load %arg8[%parallel_loop3A_487, %parallel_loop3A_488] {strides = array<i32>} : memref<64x576xf32, #tpu.memory_space<vmem>>, vector<16xf32>,
      tpu.vector_store %arg8[%parallel_loop3A_487, %parallel_loop3A_488], %parallel_loop3A_483 {strides = array<i32>} : memref<64x576xf32, #tpu.memory_space<vmem>>, vector<16xf32>,
      %parallel_loop3A_490 = arith.constant 49152 : i32
      %parallel_loop3A_491 = vector.broadcast %parallel_loop3A_490 : i32 to vector<16xi32>
      %parallel_loop3A_492 = arith.addi %parallel_loop3A_9, %parallel_loop3A_491 : vector<16xi32>
      %parallel_loop3A_493 = tpu.vector_load_idx %arg6[%parallel_loop3A_492] : memref<65536xf32, #tpu.memory_space<vmem>>[vector<16xi32>], vector<16xf32>,
      %parallel_loop3A_494 = arith.constant 16 : i32
      %parallel_loop3A_495 = arith.muli %parallel_loop3A_5, %parallel_loop3A_494 : i32
      %parallel_loop3A_496 = arith.constant 48 : i32
      %parallel_loop3A_497 = arith.index_cast %parallel_loop3A_496 : i32 to index
      %parallel_loop3A_498 = arith.index_cast %parallel_loop3A_495 : i32 to index
      %parallel_loop3A_499 = tpu.vector_load %arg8[%parallel_loop3A_497, %parallel_loop3A_498] {strides = array<i32>} : memref<64x576xf32, #tpu.memory_space<vmem>>, vector<16xf32>,
      tpu.vector_store %arg8[%parallel_loop3A_497, %parallel_loop3A_498], %parallel_loop3A_493 {strides = array<i32>} : memref<64x576xf32, #tpu.memory_space<vmem>>, vector<16xf32>,
      %parallel_loop3A_500 = arith.constant 50176 : i32
      %parallel_loop3A_501 = vector.broadcast %parallel_loop3A_500 : i32 to vector<16xi32>
      %parallel_loop3A_502 = arith.addi %parallel_loop3A_9, %parallel_loop3A_501 : vector<16xi32>
      %parallel_loop3A_503 = tpu.vector_load_idx %arg6[%parallel_loop3A_502] : memref<65536xf32, #tpu.memory_space<vmem>>[vector<16xi32>], vector<16xf32>,
      %parallel_loop3A_504 = arith.constant 16 : i32
      %parallel_loop3A_505 = arith.muli %parallel_loop3A_5, %parallel_loop3A_504 : i32
      %parallel_loop3A_506 = arith.constant 49 : i32
      %parallel_loop3A_507 = arith.index_cast %parallel_loop3A_506 : i32 to index
      %parallel_loop3A_508 = arith.index_cast %parallel_loop3A_505 : i32 to index
      %parallel_loop3A_509 = tpu.vector_load %arg8[%parallel_loop3A_507, %parallel_loop3A_508] {strides = array<i32>} : memref<64x576xf32, #tpu.memory_space<vmem>>, vector<16xf32>,
      tpu.vector_store %arg8[%parallel_loop3A_507, %parallel_loop3A_508], %parallel_loop3A_503 {strides = array<i32>} : memref<64x576xf32, #tpu.memory_space<vmem>>, vector<16xf32>,
      %parallel_loop3A_510 = arith.constant 51200 : i32
      %parallel_loop3A_511 = vector.broadcast %parallel_loop3A_510 : i32 to vector<16xi32>
      %parallel_loop3A_512 = arith.addi %parallel_loop3A_9, %parallel_loop3A_511 : vector<16xi32>
      %parallel_loop3A_513 = tpu.vector_load_idx %arg6[%parallel_loop3A_512] : memref<65536xf32, #tpu.memory_space<vmem>>[vector<16xi32>], vector<16xf32>,
      %parallel_loop3A_514 = arith.constant 16 : i32
      %parallel_loop3A_515 = arith.muli %parallel_loop3A_5, %parallel_loop3A_514 : i32
      %parallel_loop3A_516 = arith.constant 50 : i32
      %parallel_loop3A_517 = arith.index_cast %parallel_loop3A_516 : i32 to index
      %parallel_loop3A_518 = arith.index_cast %parallel_loop3A_515 : i32 to index
      %parallel_loop3A_519 = tpu.vector_load %arg8[%parallel_loop3A_517, %parallel_loop3A_518] {strides = array<i32>} : memref<64x576xf32, #tpu.memory_space<vmem>>, vector<16xf32>,
      tpu.vector_store %arg8[%parallel_loop3A_517, %parallel_loop3A_518], %parallel_loop3A_513 {strides = array<i32>} : memref<64x576xf32, #tpu.memory_space<vmem>>, vector<16xf32>,
      %parallel_loop3A_520 = arith.constant 52224 : i32
      %parallel_loop3A_521 = vector.broadcast %parallel_loop3A_520 : i32 to vector<16xi32>
      %parallel_loop3A_522 = arith.addi %parallel_loop3A_9, %parallel_loop3A_521 : vector<16xi32>
      %parallel_loop3A_523 = tpu.vector_load_idx %arg6[%parallel_loop3A_522] : memref<65536xf32, #tpu.memory_space<vmem>>[vector<16xi32>], vector<16xf32>,
      %parallel_loop3A_524 = arith.constant 16 : i32
      %parallel_loop3A_525 = arith.muli %parallel_loop3A_5, %parallel_loop3A_524 : i32
      %parallel_loop3A_526 = arith.constant 51 : i32
      %parallel_loop3A_527 = arith.index_cast %parallel_loop3A_526 : i32 to index
      %parallel_loop3A_528 = arith.index_cast %parallel_loop3A_525 : i32 to index
      %parallel_loop3A_529 = tpu.vector_load %arg8[%parallel_loop3A_527, %parallel_loop3A_528] {strides = array<i32>} : memref<64x576xf32, #tpu.memory_space<vmem>>, vector<16xf32>,
      tpu.vector_store %arg8[%parallel_loop3A_527, %parallel_loop3A_528], %parallel_loop3A_523 {strides = array<i32>} : memref<64x576xf32, #tpu.memory_space<vmem>>, vector<16xf32>,
      %parallel_loop3A_530 = arith.constant 53248 : i32
      %parallel_loop3A_531 = vector.broadcast %parallel_loop3A_530 : i32 to vector<16xi32>
      %parallel_loop3A_532 = arith.addi %parallel_loop3A_9, %parallel_loop3A_531 : vector<16xi32>
      %parallel_loop3A_533 = tpu.vector_load_idx %arg6[%parallel_loop3A_532] : memref<65536xf32, #tpu.memory_space<vmem>>[vector<16xi32>], vector<16xf32>,
      %parallel_loop3A_534 = arith.constant 16 : i32
      %parallel_loop3A_535 = arith.muli %parallel_loop3A_5, %parallel_loop3A_534 : i32
      %parallel_loop3A_536 = arith.constant 52 : i32
      %parallel_loop3A_537 = arith.index_cast %parallel_loop3A_536 : i32 to index
      %parallel_loop3A_538 = arith.index_cast %parallel_loop3A_535 : i32 to index
      %parallel_loop3A_539 = tpu.vector_load %arg8[%parallel_loop3A_537, %parallel_loop3A_538] {strides = array<i32>} : memref<64x576xf32, #tpu.memory_space<vmem>>, vector<16xf32>,
      tpu.vector_store %arg8[%parallel_loop3A_537, %parallel_loop3A_538], %parallel_loop3A_533 {strides = array<i32>} : memref<64x576xf32, #tpu.memory_space<vmem>>, vector<16xf32>,
      %parallel_loop3A_540 = arith.constant 54272 : i32
      %parallel_loop3A_541 = vector.broadcast %parallel_loop3A_540 : i32 to vector<16xi32>
      %parallel_loop3A_542 = arith.addi %parallel_loop3A_9, %parallel_loop3A_541 : vector<16xi32>
      %parallel_loop3A_543 = tpu.vector_load_idx %arg6[%parallel_loop3A_542] : memref<65536xf32, #tpu.memory_space<vmem>>[vector<16xi32>], vector<16xf32>,
      %parallel_loop3A_544 = arith.constant 16 : i32
      %parallel_loop3A_545 = arith.muli %parallel_loop3A_5, %parallel_loop3A_544 : i32
      %parallel_loop3A_546 = arith.constant 53 : i32
      %parallel_loop3A_547 = arith.index_cast %parallel_loop3A_546 : i32 to index
      %parallel_loop3A_548 = arith.index_cast %parallel_loop3A_545 : i32 to index
      %parallel_loop3A_549 = tpu.vector_load %arg8[%parallel_loop3A_547, %parallel_loop3A_548] {strides = array<i32>} : memref<64x576xf32, #tpu.memory_space<vmem>>, vector<16xf32>,
      tpu.vector_store %arg8[%parallel_loop3A_547, %parallel_loop3A_548], %parallel_loop3A_543 {strides = array<i32>} : memref<64x576xf32, #tpu.memory_space<vmem>>, vector<16xf32>,
      %parallel_loop3A_550 = arith.constant 55296 : i32
      %parallel_loop3A_551 = vector.broadcast %parallel_loop3A_550 : i32 to vector<16xi32>
      %parallel_loop3A_552 = arith.addi %parallel_loop3A_9, %parallel_loop3A_551 : vector<16xi32>
      %parallel_loop3A_553 = tpu.vector_load_idx %arg6[%parallel_loop3A_552] : memref<65536xf32, #tpu.memory_space<vmem>>[vector<16xi32>], vector<16xf32>,
      %parallel_loop3A_554 = arith.constant 16 : i32
      %parallel_loop3A_555 = arith.muli %parallel_loop3A_5, %parallel_loop3A_554 : i32
      %parallel_loop3A_556 = arith.constant 54 : i32
      %parallel_loop3A_557 = arith.index_cast %parallel_loop3A_556 : i32 to index
      %parallel_loop3A_558 = arith.index_cast %parallel_loop3A_555 : i32 to index
      %parallel_loop3A_559 = tpu.vector_load %arg8[%parallel_loop3A_557, %parallel_loop3A_558] {strides = array<i32>} : memref<64x576xf32, #tpu.memory_space<vmem>>, vector<16xf32>,
      tpu.vector_store %arg8[%parallel_loop3A_557, %parallel_loop3A_558], %parallel_loop3A_553 {strides = array<i32>} : memref<64x576xf32, #tpu.memory_space<vmem>>, vector<16xf32>,
      %parallel_loop3A_560 = arith.constant 56320 : i32
      %parallel_loop3A_561 = vector.broadcast %parallel_loop3A_560 : i32 to vector<16xi32>
      %parallel_loop3A_562 = arith.addi %parallel_loop3A_9, %parallel_loop3A_561 : vector<16xi32>
      %parallel_loop3A_563 = tpu.vector_load_idx %arg6[%parallel_loop3A_562] : memref<65536xf32, #tpu.memory_space<vmem>>[vector<16xi32>], vector<16xf32>,
      %parallel_loop3A_564 = arith.constant 16 : i32
      %parallel_loop3A_565 = arith.muli %parallel_loop3A_5, %parallel_loop3A_564 : i32
      %parallel_loop3A_566 = arith.constant 55 : i32
      %parallel_loop3A_567 = arith.index_cast %parallel_loop3A_566 : i32 to index
      %parallel_loop3A_568 = arith.index_cast %parallel_loop3A_565 : i32 to index
      %parallel_loop3A_569 = tpu.vector_load %arg8[%parallel_loop3A_567, %parallel_loop3A_568] {strides = array<i32>} : memref<64x576xf32, #tpu.memory_space<vmem>>, vector<16xf32>,
      tpu.vector_store %arg8[%parallel_loop3A_567, %parallel_loop3A_568], %parallel_loop3A_563 {strides = array<i32>} : memref<64x576xf32, #tpu.memory_space<vmem>>, vector<16xf32>,
      %parallel_loop3A_570 = arith.constant 57344 : i32
      %parallel_loop3A_571 = vector.broadcast %parallel_loop3A_570 : i32 to vector<16xi32>
      %parallel_loop3A_572 = arith.addi %parallel_loop3A_9, %parallel_loop3A_571 : vector<16xi32>
      %parallel_loop3A_573 = tpu.vector_load_idx %arg6[%parallel_loop3A_572] : memref<65536xf32, #tpu.memory_space<vmem>>[vector<16xi32>], vector<16xf32>,
      %parallel_loop3A_574 = arith.constant 16 : i32
      %parallel_loop3A_575 = arith.muli %parallel_loop3A_5, %parallel_loop3A_574 : i32
      %parallel_loop3A_576 = arith.constant 56 : i32
      %parallel_loop3A_577 = arith.index_cast %parallel_loop3A_576 : i32 to index
      %parallel_loop3A_578 = arith.index_cast %parallel_loop3A_575 : i32 to index
      %parallel_loop3A_579 = tpu.vector_load %arg8[%parallel_loop3A_577, %parallel_loop3A_578] {strides = array<i32>} : memref<64x576xf32, #tpu.memory_space<vmem>>, vector<16xf32>,
      tpu.vector_store %arg8[%parallel_loop3A_577, %parallel_loop3A_578], %parallel_loop3A_573 {strides = array<i32>} : memref<64x576xf32, #tpu.memory_space<vmem>>, vector<16xf32>,
      %parallel_loop3A_580 = arith.constant 58368 : i32
      %parallel_loop3A_581 = vector.broadcast %parallel_loop3A_580 : i32 to vector<16xi32>
      %parallel_loop3A_582 = arith.addi %parallel_loop3A_9, %parallel_loop3A_581 : vector<16xi32>
      %parallel_loop3A_583 = tpu.vector_load_idx %arg6[%parallel_loop3A_582] : memref<65536xf32, #tpu.memory_space<vmem>>[vector<16xi32>], vector<16xf32>,
      %parallel_loop3A_584 = arith.constant 16 : i32
      %parallel_loop3A_585 = arith.muli %parallel_loop3A_5, %parallel_loop3A_584 : i32
      %parallel_loop3A_586 = arith.constant 57 : i32
      %parallel_loop3A_587 = arith.index_cast %parallel_loop3A_586 : i32 to index
      %parallel_loop3A_588 = arith.index_cast %parallel_loop3A_585 : i32 to index
      %parallel_loop3A_589 = tpu.vector_load %arg8[%parallel_loop3A_587, %parallel_loop3A_588] {strides = array<i32>} : memref<64x576xf32, #tpu.memory_space<vmem>>, vector<16xf32>,
      tpu.vector_store %arg8[%parallel_loop3A_587, %parallel_loop3A_588], %parallel_loop3A_583 {strides = array<i32>} : memref<64x576xf32, #tpu.memory_space<vmem>>, vector<16xf32>,
      %parallel_loop3A_590 = arith.constant 59392 : i32
      %parallel_loop3A_591 = vector.broadcast %parallel_loop3A_590 : i32 to vector<16xi32>
      %parallel_loop3A_592 = arith.addi %parallel_loop3A_9, %parallel_loop3A_591 : vector<16xi32>
      %parallel_loop3A_593 = tpu.vector_load_idx %arg6[%parallel_loop3A_592] : memref<65536xf32, #tpu.memory_space<vmem>>[vector<16xi32>], vector<16xf32>,
      %parallel_loop3A_594 = arith.constant 16 : i32
      %parallel_loop3A_595 = arith.muli %parallel_loop3A_5, %parallel_loop3A_594 : i32
      %parallel_loop3A_596 = arith.constant 58 : i32
      %parallel_loop3A_597 = arith.index_cast %parallel_loop3A_596 : i32 to index
      %parallel_loop3A_598 = arith.index_cast %parallel_loop3A_595 : i32 to index
      %parallel_loop3A_599 = tpu.vector_load %arg8[%parallel_loop3A_597, %parallel_loop3A_598] {strides = array<i32>} : memref<64x576xf32, #tpu.memory_space<vmem>>, vector<16xf32>,
      tpu.vector_store %arg8[%parallel_loop3A_597, %parallel_loop3A_598], %parallel_loop3A_593 {strides = array<i32>} : memref<64x576xf32, #tpu.memory_space<vmem>>, vector<16xf32>,
      %parallel_loop3A_600 = arith.constant 60416 : i32
      %parallel_loop3A_601 = vector.broadcast %parallel_loop3A_600 : i32 to vector<16xi32>
      %parallel_loop3A_602 = arith.addi %parallel_loop3A_9, %parallel_loop3A_601 : vector<16xi32>
      %parallel_loop3A_603 = tpu.vector_load_idx %arg6[%parallel_loop3A_602] : memref<65536xf32, #tpu.memory_space<vmem>>[vector<16xi32>], vector<16xf32>,
      %parallel_loop3A_604 = arith.constant 16 : i32
      %parallel_loop3A_605 = arith.muli %parallel_loop3A_5, %parallel_loop3A_604 : i32
      %parallel_loop3A_606 = arith.constant 59 : i32
      %parallel_loop3A_607 = arith.index_cast %parallel_loop3A_606 : i32 to index
      %parallel_loop3A_608 = arith.index_cast %parallel_loop3A_605 : i32 to index
      %parallel_loop3A_609 = tpu.vector_load %arg8[%parallel_loop3A_607, %parallel_loop3A_608] {strides = array<i32>} : memref<64x576xf32, #tpu.memory_space<vmem>>, vector<16xf32>,
      tpu.vector_store %arg8[%parallel_loop3A_607, %parallel_loop3A_608], %parallel_loop3A_603 {strides = array<i32>} : memref<64x576xf32, #tpu.memory_space<vmem>>, vector<16xf32>,
      %parallel_loop3A_610 = arith.constant 61440 : i32
      %parallel_loop3A_611 = vector.broadcast %parallel_loop3A_610 : i32 to vector<16xi32>
      %parallel_loop3A_612 = arith.addi %parallel_loop3A_9, %parallel_loop3A_611 : vector<16xi32>
      %parallel_loop3A_613 = tpu.vector_load_idx %arg6[%parallel_loop3A_612] : memref<65536xf32, #tpu.memory_space<vmem>>[vector<16xi32>], vector<16xf32>,
      %parallel_loop3A_614 = arith.constant 16 : i32
      %parallel_loop3A_615 = arith.muli %parallel_loop3A_5, %parallel_loop3A_614 : i32
      %parallel_loop3A_616 = arith.constant 60 : i32
      %parallel_loop3A_617 = arith.index_cast %parallel_loop3A_616 : i32 to index
      %parallel_loop3A_618 = arith.index_cast %parallel_loop3A_615 : i32 to index
      %parallel_loop3A_619 = tpu.vector_load %arg8[%parallel_loop3A_617, %parallel_loop3A_618] {strides = array<i32>} : memref<64x576xf32, #tpu.memory_space<vmem>>, vector<16xf32>,
      tpu.vector_store %arg8[%parallel_loop3A_617, %parallel_loop3A_618], %parallel_loop3A_613 {strides = array<i32>} : memref<64x576xf32, #tpu.memory_space<vmem>>, vector<16xf32>,
      %parallel_loop3A_620 = arith.constant 62464 : i32
      %parallel_loop3A_621 = vector.broadcast %parallel_loop3A_620 : i32 to vector<16xi32>
      %parallel_loop3A_622 = arith.addi %parallel_loop3A_9, %parallel_loop3A_621 : vector<16xi32>
      %parallel_loop3A_623 = tpu.vector_load_idx %arg6[%parallel_loop3A_622] : memref<65536xf32, #tpu.memory_space<vmem>>[vector<16xi32>], vector<16xf32>,
      %parallel_loop3A_624 = arith.constant 16 : i32
      %parallel_loop3A_625 = arith.muli %parallel_loop3A_5, %parallel_loop3A_624 : i32
      %parallel_loop3A_626 = arith.constant 61 : i32
      %parallel_loop3A_627 = arith.index_cast %parallel_loop3A_626 : i32 to index
      %parallel_loop3A_628 = arith.index_cast %parallel_loop3A_625 : i32 to index
      %parallel_loop3A_629 = tpu.vector_load %arg8[%parallel_loop3A_627, %parallel_loop3A_628] {strides = array<i32>} : memref<64x576xf32, #tpu.memory_space<vmem>>, vector<16xf32>,
      tpu.vector_store %arg8[%parallel_loop3A_627, %parallel_loop3A_628], %parallel_loop3A_623 {strides = array<i32>} : memref<64x576xf32, #tpu.memory_space<vmem>>, vector<16xf32>,
      %parallel_loop3A_630 = arith.constant 63488 : i32
      %parallel_loop3A_631 = vector.broadcast %parallel_loop3A_630 : i32 to vector<16xi32>
      %parallel_loop3A_632 = arith.addi %parallel_loop3A_9, %parallel_loop3A_631 : vector<16xi32>
      %parallel_loop3A_633 = tpu.vector_load_idx %arg6[%parallel_loop3A_632] : memref<65536xf32, #tpu.memory_space<vmem>>[vector<16xi32>], vector<16xf32>,
      %parallel_loop3A_634 = arith.constant 16 : i32
      %parallel_loop3A_635 = arith.muli %parallel_loop3A_5, %parallel_loop3A_634 : i32
      %parallel_loop3A_636 = arith.constant 62 : i32
      %parallel_loop3A_637 = arith.index_cast %parallel_loop3A_636 : i32 to index
      %parallel_loop3A_638 = arith.index_cast %parallel_loop3A_635 : i32 to index
      %parallel_loop3A_639 = tpu.vector_load %arg8[%parallel_loop3A_637, %parallel_loop3A_638] {strides = array<i32>} : memref<64x576xf32, #tpu.memory_space<vmem>>, vector<16xf32>,
      tpu.vector_store %arg8[%parallel_loop3A_637, %parallel_loop3A_638], %parallel_loop3A_633 {strides = array<i32>} : memref<64x576xf32, #tpu.memory_space<vmem>>, vector<16xf32>,
      %parallel_loop3A_640 = arith.constant 64512 : i32
      %parallel_loop3A_641 = vector.broadcast %parallel_loop3A_640 : i32 to vector<16xi32>
      %parallel_loop3A_642 = arith.addi %parallel_loop3A_9, %parallel_loop3A_641 : vector<16xi32>
      %parallel_loop3A_643 = tpu.vector_load_idx %arg6[%parallel_loop3A_642] : memref<65536xf32, #tpu.memory_space<vmem>>[vector<16xi32>], vector<16xf32>,
      %parallel_loop3A_644 = arith.constant 16 : i32
      %parallel_loop3A_645 = arith.muli %parallel_loop3A_5, %parallel_loop3A_644 : i32
      %parallel_loop3A_646 = arith.constant 63 : i32
      %parallel_loop3A_647 = arith.index_cast %parallel_loop3A_646 : i32 to index
      %parallel_loop3A_648 = arith.index_cast %parallel_loop3A_645 : i32 to index
      %parallel_loop3A_649 = tpu.vector_load %arg8[%parallel_loop3A_647, %parallel_loop3A_648] {strides = array<i32>} : memref<64x576xf32, #tpu.memory_space<vmem>>, vector<16xf32>,
      tpu.vector_store %arg8[%parallel_loop3A_647, %parallel_loop3A_648], %parallel_loop3A_643 {strides = array<i32>} : memref<64x576xf32, #tpu.memory_space<vmem>>, vector<16xf32>,
    } {sc.loop_unroll_factor = 8 : i64, sc.parallel_access}
    "tpu.region"() ({
      %run_scoped3A = tpu.sem_alloc : memref<!tpu.dma_semaphore, #tpu.memory_space<semaphore_mem>>
      %dma_start3A = arith.constant 0 : i32
      %dma_start3A_5 = arith.constant 0 : i32
      %dma_start3A_6 = tpu.memref_slice %arg4[%add3A, %dma_start3A, %dma_start3A_5] : memref<32x64x576xf32, #tpu.memory_space<hbm>> -> memref<1x64x576xf32, #tpu.memory_space<hbm>>
      %dma_start3A_7 = tpu.memref_squeeze %dma_start3A_6 : memref<1x64x576xf32, #tpu.memory_space<hbm>> -> memref<64x576xf32, #tpu.memory_space<hbm>>
      %dma_start3A_8 = arith.constant 0 : i32
      %dma_start3A_9 = arith.constant 0 : i32
      %dma_start3A_10 = tpu.memref_slice %arg4[%add3A, %dma_start3A_8, %dma_start3A_9] : memref<32x64x576xf32, #tpu.memory_space<hbm>> -> memref<1x64x576xf32, #tpu.memory_space<hbm>>
      %dma_start3A_11 = tpu.memref_squeeze %dma_start3A_10 : memref<1x64x576xf32, #tpu.memory_space<hbm>> -> memref<64x576xf32, #tpu.memory_space<hbm>>
      tpu.enqueue_dma source(%arg8 : memref<64x576xf32, #tpu.memory_space<vmem>>) target(%dma_start3A_11 : memref<64x576xf32, #tpu.memory_space<hbm>>) target_semaphore(%run_scoped3A : memref<!tpu.dma_semaphore, #tpu.memory_space<semaphore_mem>>)
      %dma_wait3A = arith.constant 0 : i32
      %dma_wait3A_12 = arith.constant 0 : i32
      %dma_wait3A_13 = tpu.memref_slice %arg4[%add3A, %dma_wait3A, %dma_wait3A_12] : memref<32x64x576xf32, #tpu.memory_space<hbm>> -> memref<1x64x576xf32, #tpu.memory_space<hbm>>
      %dma_wait3A_14 = tpu.memref_squeeze %dma_wait3A_13 : memref<1x64x576xf32, #tpu.memory_space<hbm>> -> memref<64x576xf32, #tpu.memory_space<hbm>>
      %dma_wait3A_15 = arith.constant 0 : i32
      %dma_wait3A_16 = arith.constant 0 : i32
      %dma_wait3A_17 = tpu.memref_slice %arg4[%add3A, %dma_wait3A_15, %dma_wait3A_16] : memref<32x64x576xf32, #tpu.memory_space<hbm>> -> memref<1x64x576xf32, #tpu.memory_space<hbm>>
      %dma_wait3A_18 = tpu.memref_squeeze %dma_wait3A_17 : memref<1x64x576xf32, #tpu.memory_space<hbm>> -> memref<64x576xf32, #tpu.memory_space<hbm>>
      tpu.wait_dma2 semaphore(%run_scoped3A : memref<!tpu.dma_semaphore, #tpu.memory_space<semaphore_mem>>) src(%arg8 : memref<64x576xf32, #tpu.memory_space<vmem>>) dst(%dma_wait3A_18 : memref<64x576xf32, #tpu.memory_space<hbm>>)
      tpu.yield
    }) : () -> ()
    return
  }
}

module attributes {stable_mosaic.version = 14 : i64} {
  func.func @_vq_tc_body(%arg0: i32, %arg1: memref<16x64x576xf32, #tpu.memory_space<vmem>>, %arg2: memref<1024x64xf32, #tpu.memory_space<vmem>>, %arg3: memref<16x1x576xi32, #tpu.memory_space<vmem>>, %arg4: memref<64x1024xf32, #tpu.memory_space<vmem>>, %arg5: memref<1x1xf32, #tpu.memory_space<smem>>) attributes {dimension_semantics = [#tpu.dimension_semantics<arbitrary>], iteration_bounds = array<i64: 2>, scalar_prefetch = 0 : i64, scratch_operands = 0 : i64, tpu.core_type = #tpu.core_type<tc>, window_params = [{transform_indices = @transform_0, window_bounds = array<i64: 16, 64, 576>}, {pipeline_mode = #tpu.pipeline_mode<synchronous>, transform_indices = @transform_1, window_bounds = array<i64: 1024, 64>}, {transform_indices = @transform_2, window_bounds = array<i64: 16, 1, 576>}, {pipeline_mode = #tpu.pipeline_mode<synchronous>, transform_indices = @transform_3, window_bounds = array<i64: 64, 1024>}, {transform_indices = @transform_4, window_bounds = array<i64: 1, 1>}]} {
    %eq3A = arith.constant 0 : i32
    %eq3A_0 = arith.cmpi eq, %arg0, %eq3A : i32
    %convert_element_type3A = arith.extui %eq3A_0 : i1 to i32
    %cond3A = arith.constant 0 : i32
    %cond3A_1 = arith.cmpi ne, %convert_element_type3A, %cond3A : i32
    scf.if %cond3A_1 {
      %get3A_534 = arith.constant 0 : index
      %get3A_535 = arith.constant 0 : index
      %get3A_536 = vector.load %arg2[%get3A_534, %get3A_535] : memref<1024x64xf32, #tpu.memory_space<vmem>>, vector<1024x64xf32>
      %mul3A_537 = arith.mulf %get3A_536, %get3A_536 : vector<1024x64xf32>
      %reduce_sum3A_538 = arith.constant dense<0.000000e+00> : vector<1024xf32>
      %reduce_sum3A_539 = vector.multi_reduction <add>, %mul3A_537, %reduce_sum3A_538 [1] : vector<1024x64xf32> to vector<1024xf32>
      %broadcast_in_dim3A_540 = vector.shape_cast %reduce_sum3A_539 : vector<1024xf32> to vector<1024x1xf32>
      %sqrt3A_541 = math.sqrt %broadcast_in_dim3A_540 : vector<1024x1xf32>
      %max3A_542 = arith.constant 9.99999996E-13 : f32
      %max3A_543 = vector.broadcast %max3A_542 : f32 to vector<1024x1xf32>
      %max3A_544 = arith.maximumf %sqrt3A_541, %max3A_543 : vector<1024x1xf32>
      %div3A_545 = vector.broadcast %max3A_544 : vector<1024x1xf32> to vector<1024x64xf32>
      %div3A_546 = arith.divf %get3A_536, %div3A_545 : vector<1024x64xf32>
      %transpose3A = tpu.transpose %div3A_546, [1, 0] : vector<1024x64xf32> -> vector<64x1024xf32>
      %swap3A_547 = arith.constant 0 : index
      %swap3A_548 = arith.constant 0 : index
      %swap3A_549 = vector.load %arg4[%swap3A_547, %swap3A_548] : memref<64x1024xf32, #tpu.memory_space<vmem>>, vector<64x1024xf32>
      tpu.vector_store %arg4[%swap3A_547, %swap3A_548], %transpose3A {strides = array<i32>} : memref<64x1024xf32, #tpu.memory_space<vmem>>, vector<64x1024xf32>,
      %swap3A_550 = arith.constant 0.000000e+00 : f32
      %swap3A_551 = arith.constant 0 : index
      %swap3A_552 = arith.constant 0 : index
      %swap3A_553 = memref.load %arg5[%swap3A_551, %swap3A_552] : memref<1x1xf32, #tpu.memory_space<smem>>
      memref.store %swap3A_550, %arg5[%swap3A_551, %swap3A_552] : memref<1x1xf32, #tpu.memory_space<smem>>
    } else {
    }
    %get3A = arith.constant 0 : index
    %get3A_2 = arith.constant 0 : index
    %get3A_3 = vector.load %arg4[%get3A, %get3A_2] : memref<64x1024xf32, #tpu.memory_space<vmem>>, vector<64x1024xf32>
    %get3A_4 = arith.constant 0 : index
    %get3A_5 = arith.constant 0 : index
    %get3A_6 = arith.constant 0 : index
    %get3A_7 = vector.load %arg1[%get3A_4, %get3A_5, %get3A_6] : memref<16x64x576xf32, #tpu.memory_space<vmem>>, vector<1x64x576xf32>
    %get3A_8 = vector.shape_cast %get3A_7 : vector<1x64x576xf32> to vector<64x576xf32>
    %mul3A = arith.mulf %get3A_8, %get3A_8 : vector<64x576xf32>
    %reduce_sum3A = arith.constant dense<0.000000e+00> : vector<576xf32>
    %reduce_sum3A_9 = vector.multi_reduction <add>, %mul3A, %reduce_sum3A [0] : vector<64x576xf32> to vector<576xf32>
    %broadcast_in_dim3A = vector.shape_cast %reduce_sum3A_9 : vector<576xf32> to vector<1x576xf32>
    %sqrt3A = math.sqrt %broadcast_in_dim3A : vector<1x576xf32>
    %max3A = arith.constant 9.99999996E-13 : f32
    %max3A_10 = vector.broadcast %max3A : f32 to vector<1x576xf32>
    %max3A_11 = arith.maximumf %sqrt3A, %max3A_10 : vector<1x576xf32>
    %div3A = vector.broadcast %max3A_11 : vector<1x576xf32> to vector<64x576xf32>
    %div3A_12 = arith.divf %get3A_8, %div3A : vector<64x576xf32>
    %dot_general3A = arith.constant dense<0.000000e+00> : vector<1024x576xf32>
    %dot_general3A_13 = tpu.matmul %get3A_3, %div3A_12, %dot_general3A {dimension_numbers = #tpu.dot_dimension_numbers<[0], [0], [1], [1], [0, 1, 1, 1], [], []>, transpose_lhs_hint = false} : vector<64x1024xf32>, vector<64x576xf32>, vector<1024x576xf32> -> vector<1024x576xf32>
    %reduce_max3A = arith.constant dense<0xFF800000> : vector<576xf32>
    %reduce_max3A_14 = vector.multi_reduction <maximumf>, %dot_general3A_13, %reduce_max3A [0] : vector<1024x576xf32> to vector<576xf32>
    %broadcast_in_dim3A_15 = vector.shape_cast %reduce_max3A_14 : vector<576xf32> to vector<1x576xf32>
    %argmax3A = tpu.reduce_index %dot_general3A_13 {axis = 0 : i32, kind = #tpu.reduction_kind<arg_max>} : vector<1024x576xf32> -> vector<576xi32>
    %swap3A = arith.constant 0 : index
    %swap3A_16 = arith.constant 0 : index
    %swap3A_17 = arith.constant 0 : index
    %swap3A_18 = vector.load %arg3[%swap3A, %swap3A_16, %swap3A_17] : memref<16x1x576xi32, #tpu.memory_space<vmem>>, vector<1x1x576xi32>
    %swap3A_19 = vector.shape_cast %swap3A_18 : vector<1x1x576xi32> to vector<576xi32>
    %swap3A_20 = vector.shape_cast %argmax3A : vector<576xi32> to vector<1x1x576xi32>
    tpu.vector_store %arg3[%swap3A, %swap3A_16, %swap3A_17], %swap3A_20 {strides = array<i32>} : memref<16x1x576xi32, #tpu.memory_space<vmem>>, vector<1x1x576xi32>,
    %reduce_sum3A_21 = vector.shape_cast %broadcast_in_dim3A_15 : vector<1x576xf32> to vector<1x1x576xf32>
    %reduce_sum3A_22 = arith.constant dense<0.000000e+00> : vector<1xf32>
    %reduce_sum3A_23 = vector.multi_reduction <add>, %reduce_sum3A_21, %reduce_sum3A_22 [1, 2] : vector<1x1x576xf32> to vector<1xf32>
    %reduce_sum3A_24 = vector.shape_cast %reduce_sum3A_23 : vector<1xf32> to vector<1x1x1xf32>
    %reduce_sum3A_25 = vector.extract %reduce_sum3A_24[0, 0, 0] : f32 from vector<1x1x1xf32>
    %add3A = arith.constant 0.000000e+00 : f32
    %add3A_26 = arith.addf %add3A, %reduce_sum3A_25 : f32
    %get3A_27 = arith.constant 1 : index
    %get3A_28 = arith.constant 0 : index
    %get3A_29 = arith.constant 0 : index
    %get3A_30 = vector.load %arg1[%get3A_27, %get3A_28, %get3A_29] : memref<16x64x576xf32, #tpu.memory_space<vmem>>, vector<1x64x576xf32>
    %get3A_31 = vector.shape_cast %get3A_30 : vector<1x64x576xf32> to vector<64x576xf32>
    %mul3A_32 = arith.mulf %get3A_31, %get3A_31 : vector<64x576xf32>
    %reduce_sum3A_33 = arith.constant dense<0.000000e+00> : vector<576xf32>
    %reduce_sum3A_34 = vector.multi_reduction <add>, %mul3A_32, %reduce_sum3A_33 [0] : vector<64x576xf32> to vector<576xf32>
    %broadcast_in_dim3A_35 = vector.shape_cast %reduce_sum3A_34 : vector<576xf32> to vector<1x576xf32>
    %sqrt3A_36 = math.sqrt %broadcast_in_dim3A_35 : vector<1x576xf32>
    %max3A_37 = arith.constant 9.99999996E-13 : f32
    %max3A_38 = vector.broadcast %max3A_37 : f32 to vector<1x576xf32>
    %max3A_39 = arith.maximumf %sqrt3A_36, %max3A_38 : vector<1x576xf32>
    %div3A_40 = vector.broadcast %max3A_39 : vector<1x576xf32> to vector<64x576xf32>
    %div3A_41 = arith.divf %get3A_31, %div3A_40 : vector<64x576xf32>
    %dot_general3A_42 = arith.constant dense<0.000000e+00> : vector<1024x576xf32>
    %dot_general3A_43 = tpu.matmul %get3A_3, %div3A_41, %dot_general3A_42 {dimension_numbers = #tpu.dot_dimension_numbers<[0], [0], [1], [1], [0, 1, 1, 1], [], []>, transpose_lhs_hint = false} : vector<64x1024xf32>, vector<64x576xf32>, vector<1024x576xf32> -> vector<1024x576xf32>
    %reduce_max3A_44 = arith.constant dense<0xFF800000> : vector<576xf32>
    %reduce_max3A_45 = vector.multi_reduction <maximumf>, %dot_general3A_43, %reduce_max3A_44 [0] : vector<1024x576xf32> to vector<576xf32>
    %broadcast_in_dim3A_46 = vector.shape_cast %reduce_max3A_45 : vector<576xf32> to vector<1x576xf32>
    %argmax3A_47 = tpu.reduce_index %dot_general3A_43 {axis = 0 : i32, kind = #tpu.reduction_kind<arg_max>} : vector<1024x576xf32> -> vector<576xi32>
    %swap3A_48 = arith.constant 1 : index
    %swap3A_49 = arith.constant 0 : index
    %swap3A_50 = arith.constant 0 : index
    %swap3A_51 = vector.load %arg3[%swap3A_48, %swap3A_49, %swap3A_50] : memref<16x1x576xi32, #tpu.memory_space<vmem>>, vector<1x1x576xi32>
    %swap3A_52 = vector.shape_cast %swap3A_51 : vector<1x1x576xi32> to vector<576xi32>
    %swap3A_53 = vector.shape_cast %argmax3A_47 : vector<576xi32> to vector<1x1x576xi32>
    tpu.vector_store %arg3[%swap3A_48, %swap3A_49, %swap3A_50], %swap3A_53 {strides = array<i32>} : memref<16x1x576xi32, #tpu.memory_space<vmem>>, vector<1x1x576xi32>,
    %reduce_sum3A_54 = vector.shape_cast %broadcast_in_dim3A_46 : vector<1x576xf32> to vector<1x1x576xf32>
    %reduce_sum3A_55 = arith.constant dense<0.000000e+00> : vector<1xf32>
    %reduce_sum3A_56 = vector.multi_reduction <add>, %reduce_sum3A_54, %reduce_sum3A_55 [1, 2] : vector<1x1x576xf32> to vector<1xf32>
    %reduce_sum3A_57 = vector.shape_cast %reduce_sum3A_56 : vector<1xf32> to vector<1x1x1xf32>
    %reduce_sum3A_58 = vector.extract %reduce_sum3A_57[0, 0, 0] : f32 from vector<1x1x1xf32>
    %add3A_59 = arith.addf %add3A_26, %reduce_sum3A_58 : f32
    %get3A_60 = arith.constant 2 : index
    %get3A_61 = arith.constant 0 : index
    %get3A_62 = arith.constant 0 : index
    %get3A_63 = vector.load %arg1[%get3A_60, %get3A_61, %get3A_62] : memref<16x64x576xf32, #tpu.memory_space<vmem>>, vector<1x64x576xf32>
    %get3A_64 = vector.shape_cast %get3A_63 : vector<1x64x576xf32> to vector<64x576xf32>
    %mul3A_65 = arith.mulf %get3A_64, %get3A_64 : vector<64x576xf32>
    %reduce_sum3A_66 = arith.constant dense<0.000000e+00> : vector<576xf32>
    %reduce_sum3A_67 = vector.multi_reduction <add>, %mul3A_65, %reduce_sum3A_66 [0] : vector<64x576xf32> to vector<576xf32>
    %broadcast_in_dim3A_68 = vector.shape_cast %reduce_sum3A_67 : vector<576xf32> to vector<1x576xf32>
    %sqrt3A_69 = math.sqrt %broadcast_in_dim3A_68 : vector<1x576xf32>
    %max3A_70 = arith.constant 9.99999996E-13 : f32
    %max3A_71 = vector.broadcast %max3A_70 : f32 to vector<1x576xf32>
    %max3A_72 = arith.maximumf %sqrt3A_69, %max3A_71 : vector<1x576xf32>
    %div3A_73 = vector.broadcast %max3A_72 : vector<1x576xf32> to vector<64x576xf32>
    %div3A_74 = arith.divf %get3A_64, %div3A_73 : vector<64x576xf32>
    %dot_general3A_75 = arith.constant dense<0.000000e+00> : vector<1024x576xf32>
    %dot_general3A_76 = tpu.matmul %get3A_3, %div3A_74, %dot_general3A_75 {dimension_numbers = #tpu.dot_dimension_numbers<[0], [0], [1], [1], [0, 1, 1, 1], [], []>, transpose_lhs_hint = false} : vector<64x1024xf32>, vector<64x576xf32>, vector<1024x576xf32> -> vector<1024x576xf32>
    %reduce_max3A_77 = arith.constant dense<0xFF800000> : vector<576xf32>
    %reduce_max3A_78 = vector.multi_reduction <maximumf>, %dot_general3A_76, %reduce_max3A_77 [0] : vector<1024x576xf32> to vector<576xf32>
    %broadcast_in_dim3A_79 = vector.shape_cast %reduce_max3A_78 : vector<576xf32> to vector<1x576xf32>
    %argmax3A_80 = tpu.reduce_index %dot_general3A_76 {axis = 0 : i32, kind = #tpu.reduction_kind<arg_max>} : vector<1024x576xf32> -> vector<576xi32>
    %swap3A_81 = arith.constant 2 : index
    %swap3A_82 = arith.constant 0 : index
    %swap3A_83 = arith.constant 0 : index
    %swap3A_84 = vector.load %arg3[%swap3A_81, %swap3A_82, %swap3A_83] : memref<16x1x576xi32, #tpu.memory_space<vmem>>, vector<1x1x576xi32>
    %swap3A_85 = vector.shape_cast %swap3A_84 : vector<1x1x576xi32> to vector<576xi32>
    %swap3A_86 = vector.shape_cast %argmax3A_80 : vector<576xi32> to vector<1x1x576xi32>
    tpu.vector_store %arg3[%swap3A_81, %swap3A_82, %swap3A_83], %swap3A_86 {strides = array<i32>} : memref<16x1x576xi32, #tpu.memory_space<vmem>>, vector<1x1x576xi32>,
    %reduce_sum3A_87 = vector.shape_cast %broadcast_in_dim3A_79 : vector<1x576xf32> to vector<1x1x576xf32>
    %reduce_sum3A_88 = arith.constant dense<0.000000e+00> : vector<1xf32>
    %reduce_sum3A_89 = vector.multi_reduction <add>, %reduce_sum3A_87, %reduce_sum3A_88 [1, 2] : vector<1x1x576xf32> to vector<1xf32>
    %reduce_sum3A_90 = vector.shape_cast %reduce_sum3A_89 : vector<1xf32> to vector<1x1x1xf32>
    %reduce_sum3A_91 = vector.extract %reduce_sum3A_90[0, 0, 0] : f32 from vector<1x1x1xf32>
    %add3A_92 = arith.addf %add3A_59, %reduce_sum3A_91 : f32
    %get3A_93 = arith.constant 3 : index
    %get3A_94 = arith.constant 0 : index
    %get3A_95 = arith.constant 0 : index
    %get3A_96 = vector.load %arg1[%get3A_93, %get3A_94, %get3A_95] : memref<16x64x576xf32, #tpu.memory_space<vmem>>, vector<1x64x576xf32>
    %get3A_97 = vector.shape_cast %get3A_96 : vector<1x64x576xf32> to vector<64x576xf32>
    %mul3A_98 = arith.mulf %get3A_97, %get3A_97 : vector<64x576xf32>
    %reduce_sum3A_99 = arith.constant dense<0.000000e+00> : vector<576xf32>
    %reduce_sum3A_100 = vector.multi_reduction <add>, %mul3A_98, %reduce_sum3A_99 [0] : vector<64x576xf32> to vector<576xf32>
    %broadcast_in_dim3A_101 = vector.shape_cast %reduce_sum3A_100 : vector<576xf32> to vector<1x576xf32>
    %sqrt3A_102 = math.sqrt %broadcast_in_dim3A_101 : vector<1x576xf32>
    %max3A_103 = arith.constant 9.99999996E-13 : f32
    %max3A_104 = vector.broadcast %max3A_103 : f32 to vector<1x576xf32>
    %max3A_105 = arith.maximumf %sqrt3A_102, %max3A_104 : vector<1x576xf32>
    %div3A_106 = vector.broadcast %max3A_105 : vector<1x576xf32> to vector<64x576xf32>
    %div3A_107 = arith.divf %get3A_97, %div3A_106 : vector<64x576xf32>
    %dot_general3A_108 = arith.constant dense<0.000000e+00> : vector<1024x576xf32>
    %dot_general3A_109 = tpu.matmul %get3A_3, %div3A_107, %dot_general3A_108 {dimension_numbers = #tpu.dot_dimension_numbers<[0], [0], [1], [1], [0, 1, 1, 1], [], []>, transpose_lhs_hint = false} : vector<64x1024xf32>, vector<64x576xf32>, vector<1024x576xf32> -> vector<1024x576xf32>
    %reduce_max3A_110 = arith.constant dense<0xFF800000> : vector<576xf32>
    %reduce_max3A_111 = vector.multi_reduction <maximumf>, %dot_general3A_109, %reduce_max3A_110 [0] : vector<1024x576xf32> to vector<576xf32>
    %broadcast_in_dim3A_112 = vector.shape_cast %reduce_max3A_111 : vector<576xf32> to vector<1x576xf32>
    %argmax3A_113 = tpu.reduce_index %dot_general3A_109 {axis = 0 : i32, kind = #tpu.reduction_kind<arg_max>} : vector<1024x576xf32> -> vector<576xi32>
    %swap3A_114 = arith.constant 3 : index
    %swap3A_115 = arith.constant 0 : index
    %swap3A_116 = arith.constant 0 : index
    %swap3A_117 = vector.load %arg3[%swap3A_114, %swap3A_115, %swap3A_116] : memref<16x1x576xi32, #tpu.memory_space<vmem>>, vector<1x1x576xi32>
    %swap3A_118 = vector.shape_cast %swap3A_117 : vector<1x1x576xi32> to vector<576xi32>
    %swap3A_119 = vector.shape_cast %argmax3A_113 : vector<576xi32> to vector<1x1x576xi32>
    tpu.vector_store %arg3[%swap3A_114, %swap3A_115, %swap3A_116], %swap3A_119 {strides = array<i32>} : memref<16x1x576xi32, #tpu.memory_space<vmem>>, vector<1x1x576xi32>,
    %reduce_sum3A_120 = vector.shape_cast %broadcast_in_dim3A_112 : vector<1x576xf32> to vector<1x1x576xf32>
    %reduce_sum3A_121 = arith.constant dense<0.000000e+00> : vector<1xf32>
    %reduce_sum3A_122 = vector.multi_reduction <add>, %reduce_sum3A_120, %reduce_sum3A_121 [1, 2] : vector<1x1x576xf32> to vector<1xf32>
    %reduce_sum3A_123 = vector.shape_cast %reduce_sum3A_122 : vector<1xf32> to vector<1x1x1xf32>
    %reduce_sum3A_124 = vector.extract %reduce_sum3A_123[0, 0, 0] : f32 from vector<1x1x1xf32>
    %add3A_125 = arith.addf %add3A_92, %reduce_sum3A_124 : f32
    %get3A_126 = arith.constant 4 : index
    %get3A_127 = arith.constant 0 : index
    %get3A_128 = arith.constant 0 : index
    %get3A_129 = vector.load %arg1[%get3A_126, %get3A_127, %get3A_128] : memref<16x64x576xf32, #tpu.memory_space<vmem>>, vector<1x64x576xf32>
    %get3A_130 = vector.shape_cast %get3A_129 : vector<1x64x576xf32> to vector<64x576xf32>
    %mul3A_131 = arith.mulf %get3A_130, %get3A_130 : vector<64x576xf32>
    %reduce_sum3A_132 = arith.constant dense<0.000000e+00> : vector<576xf32>
    %reduce_sum3A_133 = vector.multi_reduction <add>, %mul3A_131, %reduce_sum3A_132 [0] : vector<64x576xf32> to vector<576xf32>
    %broadcast_in_dim3A_134 = vector.shape_cast %reduce_sum3A_133 : vector<576xf32> to vector<1x576xf32>
    %sqrt3A_135 = math.sqrt %broadcast_in_dim3A_134 : vector<1x576xf32>
    %max3A_136 = arith.constant 9.99999996E-13 : f32
    %max3A_137 = vector.broadcast %max3A_136 : f32 to vector<1x576xf32>
    %max3A_138 = arith.maximumf %sqrt3A_135, %max3A_137 : vector<1x576xf32>
    %div3A_139 = vector.broadcast %max3A_138 : vector<1x576xf32> to vector<64x576xf32>
    %div3A_140 = arith.divf %get3A_130, %div3A_139 : vector<64x576xf32>
    %dot_general3A_141 = arith.constant dense<0.000000e+00> : vector<1024x576xf32>
    %dot_general3A_142 = tpu.matmul %get3A_3, %div3A_140, %dot_general3A_141 {dimension_numbers = #tpu.dot_dimension_numbers<[0], [0], [1], [1], [0, 1, 1, 1], [], []>, transpose_lhs_hint = false} : vector<64x1024xf32>, vector<64x576xf32>, vector<1024x576xf32> -> vector<1024x576xf32>
    %reduce_max3A_143 = arith.constant dense<0xFF800000> : vector<576xf32>
    %reduce_max3A_144 = vector.multi_reduction <maximumf>, %dot_general3A_142, %reduce_max3A_143 [0] : vector<1024x576xf32> to vector<576xf32>
    %broadcast_in_dim3A_145 = vector.shape_cast %reduce_max3A_144 : vector<576xf32> to vector<1x576xf32>
    %argmax3A_146 = tpu.reduce_index %dot_general3A_142 {axis = 0 : i32, kind = #tpu.reduction_kind<arg_max>} : vector<1024x576xf32> -> vector<576xi32>
    %swap3A_147 = arith.constant 4 : index
    %swap3A_148 = arith.constant 0 : index
    %swap3A_149 = arith.constant 0 : index
    %swap3A_150 = vector.load %arg3[%swap3A_147, %swap3A_148, %swap3A_149] : memref<16x1x576xi32, #tpu.memory_space<vmem>>, vector<1x1x576xi32>
    %swap3A_151 = vector.shape_cast %swap3A_150 : vector<1x1x576xi32> to vector<576xi32>
    %swap3A_152 = vector.shape_cast %argmax3A_146 : vector<576xi32> to vector<1x1x576xi32>
    tpu.vector_store %arg3[%swap3A_147, %swap3A_148, %swap3A_149], %swap3A_152 {strides = array<i32>} : memref<16x1x576xi32, #tpu.memory_space<vmem>>, vector<1x1x576xi32>,
    %reduce_sum3A_153 = vector.shape_cast %broadcast_in_dim3A_145 : vector<1x576xf32> to vector<1x1x576xf32>
    %reduce_sum3A_154 = arith.constant dense<0.000000e+00> : vector<1xf32>
    %reduce_sum3A_155 = vector.multi_reduction <add>, %reduce_sum3A_153, %reduce_sum3A_154 [1, 2] : vector<1x1x576xf32> to vector<1xf32>
    %reduce_sum3A_156 = vector.shape_cast %reduce_sum3A_155 : vector<1xf32> to vector<1x1x1xf32>
    %reduce_sum3A_157 = vector.extract %reduce_sum3A_156[0, 0, 0] : f32 from vector<1x1x1xf32>
    %add3A_158 = arith.addf %add3A_125, %reduce_sum3A_157 : f32
    %get3A_159 = arith.constant 5 : index
    %get3A_160 = arith.constant 0 : index
    %get3A_161 = arith.constant 0 : index
    %get3A_162 = vector.load %arg1[%get3A_159, %get3A_160, %get3A_161] : memref<16x64x576xf32, #tpu.memory_space<vmem>>, vector<1x64x576xf32>
    %get3A_163 = vector.shape_cast %get3A_162 : vector<1x64x576xf32> to vector<64x576xf32>
    %mul3A_164 = arith.mulf %get3A_163, %get3A_163 : vector<64x576xf32>
    %reduce_sum3A_165 = arith.constant dense<0.000000e+00> : vector<576xf32>
    %reduce_sum3A_166 = vector.multi_reduction <add>, %mul3A_164, %reduce_sum3A_165 [0] : vector<64x576xf32> to vector<576xf32>
    %broadcast_in_dim3A_167 = vector.shape_cast %reduce_sum3A_166 : vector<576xf32> to vector<1x576xf32>
    %sqrt3A_168 = math.sqrt %broadcast_in_dim3A_167 : vector<1x576xf32>
    %max3A_169 = arith.constant 9.99999996E-13 : f32
    %max3A_170 = vector.broadcast %max3A_169 : f32 to vector<1x576xf32>
    %max3A_171 = arith.maximumf %sqrt3A_168, %max3A_170 : vector<1x576xf32>
    %div3A_172 = vector.broadcast %max3A_171 : vector<1x576xf32> to vector<64x576xf32>
    %div3A_173 = arith.divf %get3A_163, %div3A_172 : vector<64x576xf32>
    %dot_general3A_174 = arith.constant dense<0.000000e+00> : vector<1024x576xf32>
    %dot_general3A_175 = tpu.matmul %get3A_3, %div3A_173, %dot_general3A_174 {dimension_numbers = #tpu.dot_dimension_numbers<[0], [0], [1], [1], [0, 1, 1, 1], [], []>, transpose_lhs_hint = false} : vector<64x1024xf32>, vector<64x576xf32>, vector<1024x576xf32> -> vector<1024x576xf32>
    %reduce_max3A_176 = arith.constant dense<0xFF800000> : vector<576xf32>
    %reduce_max3A_177 = vector.multi_reduction <maximumf>, %dot_general3A_175, %reduce_max3A_176 [0] : vector<1024x576xf32> to vector<576xf32>
    %broadcast_in_dim3A_178 = vector.shape_cast %reduce_max3A_177 : vector<576xf32> to vector<1x576xf32>
    %argmax3A_179 = tpu.reduce_index %dot_general3A_175 {axis = 0 : i32, kind = #tpu.reduction_kind<arg_max>} : vector<1024x576xf32> -> vector<576xi32>
    %swap3A_180 = arith.constant 5 : index
    %swap3A_181 = arith.constant 0 : index
    %swap3A_182 = arith.constant 0 : index
    %swap3A_183 = vector.load %arg3[%swap3A_180, %swap3A_181, %swap3A_182] : memref<16x1x576xi32, #tpu.memory_space<vmem>>, vector<1x1x576xi32>
    %swap3A_184 = vector.shape_cast %swap3A_183 : vector<1x1x576xi32> to vector<576xi32>
    %swap3A_185 = vector.shape_cast %argmax3A_179 : vector<576xi32> to vector<1x1x576xi32>
    tpu.vector_store %arg3[%swap3A_180, %swap3A_181, %swap3A_182], %swap3A_185 {strides = array<i32>} : memref<16x1x576xi32, #tpu.memory_space<vmem>>, vector<1x1x576xi32>,
    %reduce_sum3A_186 = vector.shape_cast %broadcast_in_dim3A_178 : vector<1x576xf32> to vector<1x1x576xf32>
    %reduce_sum3A_187 = arith.constant dense<0.000000e+00> : vector<1xf32>
    %reduce_sum3A_188 = vector.multi_reduction <add>, %reduce_sum3A_186, %reduce_sum3A_187 [1, 2] : vector<1x1x576xf32> to vector<1xf32>
    %reduce_sum3A_189 = vector.shape_cast %reduce_sum3A_188 : vector<1xf32> to vector<1x1x1xf32>
    %reduce_sum3A_190 = vector.extract %reduce_sum3A_189[0, 0, 0] : f32 from vector<1x1x1xf32>
    %add3A_191 = arith.addf %add3A_158, %reduce_sum3A_190 : f32
    %get3A_192 = arith.constant 6 : index
    %get3A_193 = arith.constant 0 : index
    %get3A_194 = arith.constant 0 : index
    %get3A_195 = vector.load %arg1[%get3A_192, %get3A_193, %get3A_194] : memref<16x64x576xf32, #tpu.memory_space<vmem>>, vector<1x64x576xf32>
    %get3A_196 = vector.shape_cast %get3A_195 : vector<1x64x576xf32> to vector<64x576xf32>
    %mul3A_197 = arith.mulf %get3A_196, %get3A_196 : vector<64x576xf32>
    %reduce_sum3A_198 = arith.constant dense<0.000000e+00> : vector<576xf32>
    %reduce_sum3A_199 = vector.multi_reduction <add>, %mul3A_197, %reduce_sum3A_198 [0] : vector<64x576xf32> to vector<576xf32>
    %broadcast_in_dim3A_200 = vector.shape_cast %reduce_sum3A_199 : vector<576xf32> to vector<1x576xf32>
    %sqrt3A_201 = math.sqrt %broadcast_in_dim3A_200 : vector<1x576xf32>
    %max3A_202 = arith.constant 9.99999996E-13 : f32
    %max3A_203 = vector.broadcast %max3A_202 : f32 to vector<1x576xf32>
    %max3A_204 = arith.maximumf %sqrt3A_201, %max3A_203 : vector<1x576xf32>
    %div3A_205 = vector.broadcast %max3A_204 : vector<1x576xf32> to vector<64x576xf32>
    %div3A_206 = arith.divf %get3A_196, %div3A_205 : vector<64x576xf32>
    %dot_general3A_207 = arith.constant dense<0.000000e+00> : vector<1024x576xf32>
    %dot_general3A_208 = tpu.matmul %get3A_3, %div3A_206, %dot_general3A_207 {dimension_numbers = #tpu.dot_dimension_numbers<[0], [0], [1], [1], [0, 1, 1, 1], [], []>, transpose_lhs_hint = false} : vector<64x1024xf32>, vector<64x576xf32>, vector<1024x576xf32> -> vector<1024x576xf32>
    %reduce_max3A_209 = arith.constant dense<0xFF800000> : vector<576xf32>
    %reduce_max3A_210 = vector.multi_reduction <maximumf>, %dot_general3A_208, %reduce_max3A_209 [0] : vector<1024x576xf32> to vector<576xf32>
    %broadcast_in_dim3A_211 = vector.shape_cast %reduce_max3A_210 : vector<576xf32> to vector<1x576xf32>
    %argmax3A_212 = tpu.reduce_index %dot_general3A_208 {axis = 0 : i32, kind = #tpu.reduction_kind<arg_max>} : vector<1024x576xf32> -> vector<576xi32>
    %swap3A_213 = arith.constant 6 : index
    %swap3A_214 = arith.constant 0 : index
    %swap3A_215 = arith.constant 0 : index
    %swap3A_216 = vector.load %arg3[%swap3A_213, %swap3A_214, %swap3A_215] : memref<16x1x576xi32, #tpu.memory_space<vmem>>, vector<1x1x576xi32>
    %swap3A_217 = vector.shape_cast %swap3A_216 : vector<1x1x576xi32> to vector<576xi32>
    %swap3A_218 = vector.shape_cast %argmax3A_212 : vector<576xi32> to vector<1x1x576xi32>
    tpu.vector_store %arg3[%swap3A_213, %swap3A_214, %swap3A_215], %swap3A_218 {strides = array<i32>} : memref<16x1x576xi32, #tpu.memory_space<vmem>>, vector<1x1x576xi32>,
    %reduce_sum3A_219 = vector.shape_cast %broadcast_in_dim3A_211 : vector<1x576xf32> to vector<1x1x576xf32>
    %reduce_sum3A_220 = arith.constant dense<0.000000e+00> : vector<1xf32>
    %reduce_sum3A_221 = vector.multi_reduction <add>, %reduce_sum3A_219, %reduce_sum3A_220 [1, 2] : vector<1x1x576xf32> to vector<1xf32>
    %reduce_sum3A_222 = vector.shape_cast %reduce_sum3A_221 : vector<1xf32> to vector<1x1x1xf32>
    %reduce_sum3A_223 = vector.extract %reduce_sum3A_222[0, 0, 0] : f32 from vector<1x1x1xf32>
    %add3A_224 = arith.addf %add3A_191, %reduce_sum3A_223 : f32
    %get3A_225 = arith.constant 7 : index
    %get3A_226 = arith.constant 0 : index
    %get3A_227 = arith.constant 0 : index
    %get3A_228 = vector.load %arg1[%get3A_225, %get3A_226, %get3A_227] : memref<16x64x576xf32, #tpu.memory_space<vmem>>, vector<1x64x576xf32>
    %get3A_229 = vector.shape_cast %get3A_228 : vector<1x64x576xf32> to vector<64x576xf32>
    %mul3A_230 = arith.mulf %get3A_229, %get3A_229 : vector<64x576xf32>
    %reduce_sum3A_231 = arith.constant dense<0.000000e+00> : vector<576xf32>
    %reduce_sum3A_232 = vector.multi_reduction <add>, %mul3A_230, %reduce_sum3A_231 [0] : vector<64x576xf32> to vector<576xf32>
    %broadcast_in_dim3A_233 = vector.shape_cast %reduce_sum3A_232 : vector<576xf32> to vector<1x576xf32>
    %sqrt3A_234 = math.sqrt %broadcast_in_dim3A_233 : vector<1x576xf32>
    %max3A_235 = arith.constant 9.99999996E-13 : f32
    %max3A_236 = vector.broadcast %max3A_235 : f32 to vector<1x576xf32>
    %max3A_237 = arith.maximumf %sqrt3A_234, %max3A_236 : vector<1x576xf32>
    %div3A_238 = vector.broadcast %max3A_237 : vector<1x576xf32> to vector<64x576xf32>
    %div3A_239 = arith.divf %get3A_229, %div3A_238 : vector<64x576xf32>
    %dot_general3A_240 = arith.constant dense<0.000000e+00> : vector<1024x576xf32>
    %dot_general3A_241 = tpu.matmul %get3A_3, %div3A_239, %dot_general3A_240 {dimension_numbers = #tpu.dot_dimension_numbers<[0], [0], [1], [1], [0, 1, 1, 1], [], []>, transpose_lhs_hint = false} : vector<64x1024xf32>, vector<64x576xf32>, vector<1024x576xf32> -> vector<1024x576xf32>
    %reduce_max3A_242 = arith.constant dense<0xFF800000> : vector<576xf32>
    %reduce_max3A_243 = vector.multi_reduction <maximumf>, %dot_general3A_241, %reduce_max3A_242 [0] : vector<1024x576xf32> to vector<576xf32>
    %broadcast_in_dim3A_244 = vector.shape_cast %reduce_max3A_243 : vector<576xf32> to vector<1x576xf32>
    %argmax3A_245 = tpu.reduce_index %dot_general3A_241 {axis = 0 : i32, kind = #tpu.reduction_kind<arg_max>} : vector<1024x576xf32> -> vector<576xi32>
    %swap3A_246 = arith.constant 7 : index
    %swap3A_247 = arith.constant 0 : index
    %swap3A_248 = arith.constant 0 : index
    %swap3A_249 = vector.load %arg3[%swap3A_246, %swap3A_247, %swap3A_248] : memref<16x1x576xi32, #tpu.memory_space<vmem>>, vector<1x1x576xi32>
    %swap3A_250 = vector.shape_cast %swap3A_249 : vector<1x1x576xi32> to vector<576xi32>
    %swap3A_251 = vector.shape_cast %argmax3A_245 : vector<576xi32> to vector<1x1x576xi32>
    tpu.vector_store %arg3[%swap3A_246, %swap3A_247, %swap3A_248], %swap3A_251 {strides = array<i32>} : memref<16x1x576xi32, #tpu.memory_space<vmem>>, vector<1x1x576xi32>,
    %reduce_sum3A_252 = vector.shape_cast %broadcast_in_dim3A_244 : vector<1x576xf32> to vector<1x1x576xf32>
    %reduce_sum3A_253 = arith.constant dense<0.000000e+00> : vector<1xf32>
    %reduce_sum3A_254 = vector.multi_reduction <add>, %reduce_sum3A_252, %reduce_sum3A_253 [1, 2] : vector<1x1x576xf32> to vector<1xf32>
    %reduce_sum3A_255 = vector.shape_cast %reduce_sum3A_254 : vector<1xf32> to vector<1x1x1xf32>
    %reduce_sum3A_256 = vector.extract %reduce_sum3A_255[0, 0, 0] : f32 from vector<1x1x1xf32>
    %add3A_257 = arith.addf %add3A_224, %reduce_sum3A_256 : f32
    %get3A_258 = arith.constant 8 : index
    %get3A_259 = arith.constant 0 : index
    %get3A_260 = arith.constant 0 : index
    %get3A_261 = vector.load %arg1[%get3A_258, %get3A_259, %get3A_260] : memref<16x64x576xf32, #tpu.memory_space<vmem>>, vector<1x64x576xf32>
    %get3A_262 = vector.shape_cast %get3A_261 : vector<1x64x576xf32> to vector<64x576xf32>
    %mul3A_263 = arith.mulf %get3A_262, %get3A_262 : vector<64x576xf32>
    %reduce_sum3A_264 = arith.constant dense<0.000000e+00> : vector<576xf32>
    %reduce_sum3A_265 = vector.multi_reduction <add>, %mul3A_263, %reduce_sum3A_264 [0] : vector<64x576xf32> to vector<576xf32>
    %broadcast_in_dim3A_266 = vector.shape_cast %reduce_sum3A_265 : vector<576xf32> to vector<1x576xf32>
    %sqrt3A_267 = math.sqrt %broadcast_in_dim3A_266 : vector<1x576xf32>
    %max3A_268 = arith.constant 9.99999996E-13 : f32
    %max3A_269 = vector.broadcast %max3A_268 : f32 to vector<1x576xf32>
    %max3A_270 = arith.maximumf %sqrt3A_267, %max3A_269 : vector<1x576xf32>
    %div3A_271 = vector.broadcast %max3A_270 : vector<1x576xf32> to vector<64x576xf32>
    %div3A_272 = arith.divf %get3A_262, %div3A_271 : vector<64x576xf32>
    %dot_general3A_273 = arith.constant dense<0.000000e+00> : vector<1024x576xf32>
    %dot_general3A_274 = tpu.matmul %get3A_3, %div3A_272, %dot_general3A_273 {dimension_numbers = #tpu.dot_dimension_numbers<[0], [0], [1], [1], [0, 1, 1, 1], [], []>, transpose_lhs_hint = false} : vector<64x1024xf32>, vector<64x576xf32>, vector<1024x576xf32> -> vector<1024x576xf32>
    %reduce_max3A_275 = arith.constant dense<0xFF800000> : vector<576xf32>
    %reduce_max3A_276 = vector.multi_reduction <maximumf>, %dot_general3A_274, %reduce_max3A_275 [0] : vector<1024x576xf32> to vector<576xf32>
    %broadcast_in_dim3A_277 = vector.shape_cast %reduce_max3A_276 : vector<576xf32> to vector<1x576xf32>
    %argmax3A_278 = tpu.reduce_index %dot_general3A_274 {axis = 0 : i32, kind = #tpu.reduction_kind<arg_max>} : vector<1024x576xf32> -> vector<576xi32>
    %swap3A_279 = arith.constant 8 : index
    %swap3A_280 = arith.constant 0 : index
    %swap3A_281 = arith.constant 0 : index
    %swap3A_282 = vector.load %arg3[%swap3A_279, %swap3A_280, %swap3A_281] : memref<16x1x576xi32, #tpu.memory_space<vmem>>, vector<1x1x576xi32>
    %swap3A_283 = vector.shape_cast %swap3A_282 : vector<1x1x576xi32> to vector<576xi32>
    %swap3A_284 = vector.shape_cast %argmax3A_278 : vector<576xi32> to vector<1x1x576xi32>
    tpu.vector_store %arg3[%swap3A_279, %swap3A_280, %swap3A_281], %swap3A_284 {strides = array<i32>} : memref<16x1x576xi32, #tpu.memory_space<vmem>>, vector<1x1x576xi32>,
    %reduce_sum3A_285 = vector.shape_cast %broadcast_in_dim3A_277 : vector<1x576xf32> to vector<1x1x576xf32>
    %reduce_sum3A_286 = arith.constant dense<0.000000e+00> : vector<1xf32>
    %reduce_sum3A_287 = vector.multi_reduction <add>, %reduce_sum3A_285, %reduce_sum3A_286 [1, 2] : vector<1x1x576xf32> to vector<1xf32>
    %reduce_sum3A_288 = vector.shape_cast %reduce_sum3A_287 : vector<1xf32> to vector<1x1x1xf32>
    %reduce_sum3A_289 = vector.extract %reduce_sum3A_288[0, 0, 0] : f32 from vector<1x1x1xf32>
    %add3A_290 = arith.addf %add3A_257, %reduce_sum3A_289 : f32
    %get3A_291 = arith.constant 9 : index
    %get3A_292 = arith.constant 0 : index
    %get3A_293 = arith.constant 0 : index
    %get3A_294 = vector.load %arg1[%get3A_291, %get3A_292, %get3A_293] : memref<16x64x576xf32, #tpu.memory_space<vmem>>, vector<1x64x576xf32>
    %get3A_295 = vector.shape_cast %get3A_294 : vector<1x64x576xf32> to vector<64x576xf32>
    %mul3A_296 = arith.mulf %get3A_295, %get3A_295 : vector<64x576xf32>
    %reduce_sum3A_297 = arith.constant dense<0.000000e+00> : vector<576xf32>
    %reduce_sum3A_298 = vector.multi_reduction <add>, %mul3A_296, %reduce_sum3A_297 [0] : vector<64x576xf32> to vector<576xf32>
    %broadcast_in_dim3A_299 = vector.shape_cast %reduce_sum3A_298 : vector<576xf32> to vector<1x576xf32>
    %sqrt3A_300 = math.sqrt %broadcast_in_dim3A_299 : vector<1x576xf32>
    %max3A_301 = arith.constant 9.99999996E-13 : f32
    %max3A_302 = vector.broadcast %max3A_301 : f32 to vector<1x576xf32>
    %max3A_303 = arith.maximumf %sqrt3A_300, %max3A_302 : vector<1x576xf32>
    %div3A_304 = vector.broadcast %max3A_303 : vector<1x576xf32> to vector<64x576xf32>
    %div3A_305 = arith.divf %get3A_295, %div3A_304 : vector<64x576xf32>
    %dot_general3A_306 = arith.constant dense<0.000000e+00> : vector<1024x576xf32>
    %dot_general3A_307 = tpu.matmul %get3A_3, %div3A_305, %dot_general3A_306 {dimension_numbers = #tpu.dot_dimension_numbers<[0], [0], [1], [1], [0, 1, 1, 1], [], []>, transpose_lhs_hint = false} : vector<64x1024xf32>, vector<64x576xf32>, vector<1024x576xf32> -> vector<1024x576xf32>
    %reduce_max3A_308 = arith.constant dense<0xFF800000> : vector<576xf32>
    %reduce_max3A_309 = vector.multi_reduction <maximumf>, %dot_general3A_307, %reduce_max3A_308 [0] : vector<1024x576xf32> to vector<576xf32>
    %broadcast_in_dim3A_310 = vector.shape_cast %reduce_max3A_309 : vector<576xf32> to vector<1x576xf32>
    %argmax3A_311 = tpu.reduce_index %dot_general3A_307 {axis = 0 : i32, kind = #tpu.reduction_kind<arg_max>} : vector<1024x576xf32> -> vector<576xi32>
    %swap3A_312 = arith.constant 9 : index
    %swap3A_313 = arith.constant 0 : index
    %swap3A_314 = arith.constant 0 : index
    %swap3A_315 = vector.load %arg3[%swap3A_312, %swap3A_313, %swap3A_314] : memref<16x1x576xi32, #tpu.memory_space<vmem>>, vector<1x1x576xi32>
    %swap3A_316 = vector.shape_cast %swap3A_315 : vector<1x1x576xi32> to vector<576xi32>
    %swap3A_317 = vector.shape_cast %argmax3A_311 : vector<576xi32> to vector<1x1x576xi32>
    tpu.vector_store %arg3[%swap3A_312, %swap3A_313, %swap3A_314], %swap3A_317 {strides = array<i32>} : memref<16x1x576xi32, #tpu.memory_space<vmem>>, vector<1x1x576xi32>,
    %reduce_sum3A_318 = vector.shape_cast %broadcast_in_dim3A_310 : vector<1x576xf32> to vector<1x1x576xf32>
    %reduce_sum3A_319 = arith.constant dense<0.000000e+00> : vector<1xf32>
    %reduce_sum3A_320 = vector.multi_reduction <add>, %reduce_sum3A_318, %reduce_sum3A_319 [1, 2] : vector<1x1x576xf32> to vector<1xf32>
    %reduce_sum3A_321 = vector.shape_cast %reduce_sum3A_320 : vector<1xf32> to vector<1x1x1xf32>
    %reduce_sum3A_322 = vector.extract %reduce_sum3A_321[0, 0, 0] : f32 from vector<1x1x1xf32>
    %add3A_323 = arith.addf %add3A_290, %reduce_sum3A_322 : f32
    %get3A_324 = arith.constant 10 : index
    %get3A_325 = arith.constant 0 : index
    %get3A_326 = arith.constant 0 : index
    %get3A_327 = vector.load %arg1[%get3A_324, %get3A_325, %get3A_326] : memref<16x64x576xf32, #tpu.memory_space<vmem>>, vector<1x64x576xf32>
    %get3A_328 = vector.shape_cast %get3A_327 : vector<1x64x576xf32> to vector<64x576xf32>
    %mul3A_329 = arith.mulf %get3A_328, %get3A_328 : vector<64x576xf32>
    %reduce_sum3A_330 = arith.constant dense<0.000000e+00> : vector<576xf32>
    %reduce_sum3A_331 = vector.multi_reduction <add>, %mul3A_329, %reduce_sum3A_330 [0] : vector<64x576xf32> to vector<576xf32>
    %broadcast_in_dim3A_332 = vector.shape_cast %reduce_sum3A_331 : vector<576xf32> to vector<1x576xf32>
    %sqrt3A_333 = math.sqrt %broadcast_in_dim3A_332 : vector<1x576xf32>
    %max3A_334 = arith.constant 9.99999996E-13 : f32
    %max3A_335 = vector.broadcast %max3A_334 : f32 to vector<1x576xf32>
    %max3A_336 = arith.maximumf %sqrt3A_333, %max3A_335 : vector<1x576xf32>
    %div3A_337 = vector.broadcast %max3A_336 : vector<1x576xf32> to vector<64x576xf32>
    %div3A_338 = arith.divf %get3A_328, %div3A_337 : vector<64x576xf32>
    %dot_general3A_339 = arith.constant dense<0.000000e+00> : vector<1024x576xf32>
    %dot_general3A_340 = tpu.matmul %get3A_3, %div3A_338, %dot_general3A_339 {dimension_numbers = #tpu.dot_dimension_numbers<[0], [0], [1], [1], [0, 1, 1, 1], [], []>, transpose_lhs_hint = false} : vector<64x1024xf32>, vector<64x576xf32>, vector<1024x576xf32> -> vector<1024x576xf32>
    %reduce_max3A_341 = arith.constant dense<0xFF800000> : vector<576xf32>
    %reduce_max3A_342 = vector.multi_reduction <maximumf>, %dot_general3A_340, %reduce_max3A_341 [0] : vector<1024x576xf32> to vector<576xf32>
    %broadcast_in_dim3A_343 = vector.shape_cast %reduce_max3A_342 : vector<576xf32> to vector<1x576xf32>
    %argmax3A_344 = tpu.reduce_index %dot_general3A_340 {axis = 0 : i32, kind = #tpu.reduction_kind<arg_max>} : vector<1024x576xf32> -> vector<576xi32>
    %swap3A_345 = arith.constant 10 : index
    %swap3A_346 = arith.constant 0 : index
    %swap3A_347 = arith.constant 0 : index
    %swap3A_348 = vector.load %arg3[%swap3A_345, %swap3A_346, %swap3A_347] : memref<16x1x576xi32, #tpu.memory_space<vmem>>, vector<1x1x576xi32>
    %swap3A_349 = vector.shape_cast %swap3A_348 : vector<1x1x576xi32> to vector<576xi32>
    %swap3A_350 = vector.shape_cast %argmax3A_344 : vector<576xi32> to vector<1x1x576xi32>
    tpu.vector_store %arg3[%swap3A_345, %swap3A_346, %swap3A_347], %swap3A_350 {strides = array<i32>} : memref<16x1x576xi32, #tpu.memory_space<vmem>>, vector<1x1x576xi32>,
    %reduce_sum3A_351 = vector.shape_cast %broadcast_in_dim3A_343 : vector<1x576xf32> to vector<1x1x576xf32>
    %reduce_sum3A_352 = arith.constant dense<0.000000e+00> : vector<1xf32>
    %reduce_sum3A_353 = vector.multi_reduction <add>, %reduce_sum3A_351, %reduce_sum3A_352 [1, 2] : vector<1x1x576xf32> to vector<1xf32>
    %reduce_sum3A_354 = vector.shape_cast %reduce_sum3A_353 : vector<1xf32> to vector<1x1x1xf32>
    %reduce_sum3A_355 = vector.extract %reduce_sum3A_354[0, 0, 0] : f32 from vector<1x1x1xf32>
    %add3A_356 = arith.addf %add3A_323, %reduce_sum3A_355 : f32
    %get3A_357 = arith.constant 11 : index
    %get3A_358 = arith.constant 0 : index
    %get3A_359 = arith.constant 0 : index
    %get3A_360 = vector.load %arg1[%get3A_357, %get3A_358, %get3A_359] : memref<16x64x576xf32, #tpu.memory_space<vmem>>, vector<1x64x576xf32>
    %get3A_361 = vector.shape_cast %get3A_360 : vector<1x64x576xf32> to vector<64x576xf32>
    %mul3A_362 = arith.mulf %get3A_361, %get3A_361 : vector<64x576xf32>
    %reduce_sum3A_363 = arith.constant dense<0.000000e+00> : vector<576xf32>
    %reduce_sum3A_364 = vector.multi_reduction <add>, %mul3A_362, %reduce_sum3A_363 [0] : vector<64x576xf32> to vector<576xf32>
    %broadcast_in_dim3A_365 = vector.shape_cast %reduce_sum3A_364 : vector<576xf32> to vector<1x576xf32>
    %sqrt3A_366 = math.sqrt %broadcast_in_dim3A_365 : vector<1x576xf32>
    %max3A_367 = arith.constant 9.99999996E-13 : f32
    %max3A_368 = vector.broadcast %max3A_367 : f32 to vector<1x576xf32>
    %max3A_369 = arith.maximumf %sqrt3A_366, %max3A_368 : vector<1x576xf32>
    %div3A_370 = vector.broadcast %max3A_369 : vector<1x576xf32> to vector<64x576xf32>
    %div3A_371 = arith.divf %get3A_361, %div3A_370 : vector<64x576xf32>
    %dot_general3A_372 = arith.constant dense<0.000000e+00> : vector<1024x576xf32>
    %dot_general3A_373 = tpu.matmul %get3A_3, %div3A_371, %dot_general3A_372 {dimension_numbers = #tpu.dot_dimension_numbers<[0], [0], [1], [1], [0, 1, 1, 1], [], []>, transpose_lhs_hint = false} : vector<64x1024xf32>, vector<64x576xf32>, vector<1024x576xf32> -> vector<1024x576xf32>
    %reduce_max3A_374 = arith.constant dense<0xFF800000> : vector<576xf32>
    %reduce_max3A_375 = vector.multi_reduction <maximumf>, %dot_general3A_373, %reduce_max3A_374 [0] : vector<1024x576xf32> to vector<576xf32>
    %broadcast_in_dim3A_376 = vector.shape_cast %reduce_max3A_375 : vector<576xf32> to vector<1x576xf32>
    %argmax3A_377 = tpu.reduce_index %dot_general3A_373 {axis = 0 : i32, kind = #tpu.reduction_kind<arg_max>} : vector<1024x576xf32> -> vector<576xi32>
    %swap3A_378 = arith.constant 11 : index
    %swap3A_379 = arith.constant 0 : index
    %swap3A_380 = arith.constant 0 : index
    %swap3A_381 = vector.load %arg3[%swap3A_378, %swap3A_379, %swap3A_380] : memref<16x1x576xi32, #tpu.memory_space<vmem>>, vector<1x1x576xi32>
    %swap3A_382 = vector.shape_cast %swap3A_381 : vector<1x1x576xi32> to vector<576xi32>
    %swap3A_383 = vector.shape_cast %argmax3A_377 : vector<576xi32> to vector<1x1x576xi32>
    tpu.vector_store %arg3[%swap3A_378, %swap3A_379, %swap3A_380], %swap3A_383 {strides = array<i32>} : memref<16x1x576xi32, #tpu.memory_space<vmem>>, vector<1x1x576xi32>,
    %reduce_sum3A_384 = vector.shape_cast %broadcast_in_dim3A_376 : vector<1x576xf32> to vector<1x1x576xf32>
    %reduce_sum3A_385 = arith.constant dense<0.000000e+00> : vector<1xf32>
    %reduce_sum3A_386 = vector.multi_reduction <add>, %reduce_sum3A_384, %reduce_sum3A_385 [1, 2] : vector<1x1x576xf32> to vector<1xf32>
    %reduce_sum3A_387 = vector.shape_cast %reduce_sum3A_386 : vector<1xf32> to vector<1x1x1xf32>
    %reduce_sum3A_388 = vector.extract %reduce_sum3A_387[0, 0, 0] : f32 from vector<1x1x1xf32>
    %add3A_389 = arith.addf %add3A_356, %reduce_sum3A_388 : f32
    %get3A_390 = arith.constant 12 : index
    %get3A_391 = arith.constant 0 : index
    %get3A_392 = arith.constant 0 : index
    %get3A_393 = vector.load %arg1[%get3A_390, %get3A_391, %get3A_392] : memref<16x64x576xf32, #tpu.memory_space<vmem>>, vector<1x64x576xf32>
    %get3A_394 = vector.shape_cast %get3A_393 : vector<1x64x576xf32> to vector<64x576xf32>
    %mul3A_395 = arith.mulf %get3A_394, %get3A_394 : vector<64x576xf32>
    %reduce_sum3A_396 = arith.constant dense<0.000000e+00> : vector<576xf32>
    %reduce_sum3A_397 = vector.multi_reduction <add>, %mul3A_395, %reduce_sum3A_396 [0] : vector<64x576xf32> to vector<576xf32>
    %broadcast_in_dim3A_398 = vector.shape_cast %reduce_sum3A_397 : vector<576xf32> to vector<1x576xf32>
    %sqrt3A_399 = math.sqrt %broadcast_in_dim3A_398 : vector<1x576xf32>
    %max3A_400 = arith.constant 9.99999996E-13 : f32
    %max3A_401 = vector.broadcast %max3A_400 : f32 to vector<1x576xf32>
    %max3A_402 = arith.maximumf %sqrt3A_399, %max3A_401 : vector<1x576xf32>
    %div3A_403 = vector.broadcast %max3A_402 : vector<1x576xf32> to vector<64x576xf32>
    %div3A_404 = arith.divf %get3A_394, %div3A_403 : vector<64x576xf32>
    %dot_general3A_405 = arith.constant dense<0.000000e+00> : vector<1024x576xf32>
    %dot_general3A_406 = tpu.matmul %get3A_3, %div3A_404, %dot_general3A_405 {dimension_numbers = #tpu.dot_dimension_numbers<[0], [0], [1], [1], [0, 1, 1, 1], [], []>, transpose_lhs_hint = false} : vector<64x1024xf32>, vector<64x576xf32>, vector<1024x576xf32> -> vector<1024x576xf32>
    %reduce_max3A_407 = arith.constant dense<0xFF800000> : vector<576xf32>
    %reduce_max3A_408 = vector.multi_reduction <maximumf>, %dot_general3A_406, %reduce_max3A_407 [0] : vector<1024x576xf32> to vector<576xf32>
    %broadcast_in_dim3A_409 = vector.shape_cast %reduce_max3A_408 : vector<576xf32> to vector<1x576xf32>
    %argmax3A_410 = tpu.reduce_index %dot_general3A_406 {axis = 0 : i32, kind = #tpu.reduction_kind<arg_max>} : vector<1024x576xf32> -> vector<576xi32>
    %swap3A_411 = arith.constant 12 : index
    %swap3A_412 = arith.constant 0 : index
    %swap3A_413 = arith.constant 0 : index
    %swap3A_414 = vector.load %arg3[%swap3A_411, %swap3A_412, %swap3A_413] : memref<16x1x576xi32, #tpu.memory_space<vmem>>, vector<1x1x576xi32>
    %swap3A_415 = vector.shape_cast %swap3A_414 : vector<1x1x576xi32> to vector<576xi32>
    %swap3A_416 = vector.shape_cast %argmax3A_410 : vector<576xi32> to vector<1x1x576xi32>
    tpu.vector_store %arg3[%swap3A_411, %swap3A_412, %swap3A_413], %swap3A_416 {strides = array<i32>} : memref<16x1x576xi32, #tpu.memory_space<vmem>>, vector<1x1x576xi32>,
    %reduce_sum3A_417 = vector.shape_cast %broadcast_in_dim3A_409 : vector<1x576xf32> to vector<1x1x576xf32>
    %reduce_sum3A_418 = arith.constant dense<0.000000e+00> : vector<1xf32>
    %reduce_sum3A_419 = vector.multi_reduction <add>, %reduce_sum3A_417, %reduce_sum3A_418 [1, 2] : vector<1x1x576xf32> to vector<1xf32>
    %reduce_sum3A_420 = vector.shape_cast %reduce_sum3A_419 : vector<1xf32> to vector<1x1x1xf32>
    %reduce_sum3A_421 = vector.extract %reduce_sum3A_420[0, 0, 0] : f32 from vector<1x1x1xf32>
    %add3A_422 = arith.addf %add3A_389, %reduce_sum3A_421 : f32
    %get3A_423 = arith.constant 13 : index
    %get3A_424 = arith.constant 0 : index
    %get3A_425 = arith.constant 0 : index
    %get3A_426 = vector.load %arg1[%get3A_423, %get3A_424, %get3A_425] : memref<16x64x576xf32, #tpu.memory_space<vmem>>, vector<1x64x576xf32>
    %get3A_427 = vector.shape_cast %get3A_426 : vector<1x64x576xf32> to vector<64x576xf32>
    %mul3A_428 = arith.mulf %get3A_427, %get3A_427 : vector<64x576xf32>
    %reduce_sum3A_429 = arith.constant dense<0.000000e+00> : vector<576xf32>
    %reduce_sum3A_430 = vector.multi_reduction <add>, %mul3A_428, %reduce_sum3A_429 [0] : vector<64x576xf32> to vector<576xf32>
    %broadcast_in_dim3A_431 = vector.shape_cast %reduce_sum3A_430 : vector<576xf32> to vector<1x576xf32>
    %sqrt3A_432 = math.sqrt %broadcast_in_dim3A_431 : vector<1x576xf32>
    %max3A_433 = arith.constant 9.99999996E-13 : f32
    %max3A_434 = vector.broadcast %max3A_433 : f32 to vector<1x576xf32>
    %max3A_435 = arith.maximumf %sqrt3A_432, %max3A_434 : vector<1x576xf32>
    %div3A_436 = vector.broadcast %max3A_435 : vector<1x576xf32> to vector<64x576xf32>
    %div3A_437 = arith.divf %get3A_427, %div3A_436 : vector<64x576xf32>
    %dot_general3A_438 = arith.constant dense<0.000000e+00> : vector<1024x576xf32>
    %dot_general3A_439 = tpu.matmul %get3A_3, %div3A_437, %dot_general3A_438 {dimension_numbers = #tpu.dot_dimension_numbers<[0], [0], [1], [1], [0, 1, 1, 1], [], []>, transpose_lhs_hint = false} : vector<64x1024xf32>, vector<64x576xf32>, vector<1024x576xf32> -> vector<1024x576xf32>
    %reduce_max3A_440 = arith.constant dense<0xFF800000> : vector<576xf32>
    %reduce_max3A_441 = vector.multi_reduction <maximumf>, %dot_general3A_439, %reduce_max3A_440 [0] : vector<1024x576xf32> to vector<576xf32>
    %broadcast_in_dim3A_442 = vector.shape_cast %reduce_max3A_441 : vector<576xf32> to vector<1x576xf32>
    %argmax3A_443 = tpu.reduce_index %dot_general3A_439 {axis = 0 : i32, kind = #tpu.reduction_kind<arg_max>} : vector<1024x576xf32> -> vector<576xi32>
    %swap3A_444 = arith.constant 13 : index
    %swap3A_445 = arith.constant 0 : index
    %swap3A_446 = arith.constant 0 : index
    %swap3A_447 = vector.load %arg3[%swap3A_444, %swap3A_445, %swap3A_446] : memref<16x1x576xi32, #tpu.memory_space<vmem>>, vector<1x1x576xi32>
    %swap3A_448 = vector.shape_cast %swap3A_447 : vector<1x1x576xi32> to vector<576xi32>
    %swap3A_449 = vector.shape_cast %argmax3A_443 : vector<576xi32> to vector<1x1x576xi32>
    tpu.vector_store %arg3[%swap3A_444, %swap3A_445, %swap3A_446], %swap3A_449 {strides = array<i32>} : memref<16x1x576xi32, #tpu.memory_space<vmem>>, vector<1x1x576xi32>,
    %reduce_sum3A_450 = vector.shape_cast %broadcast_in_dim3A_442 : vector<1x576xf32> to vector<1x1x576xf32>
    %reduce_sum3A_451 = arith.constant dense<0.000000e+00> : vector<1xf32>
    %reduce_sum3A_452 = vector.multi_reduction <add>, %reduce_sum3A_450, %reduce_sum3A_451 [1, 2] : vector<1x1x576xf32> to vector<1xf32>
    %reduce_sum3A_453 = vector.shape_cast %reduce_sum3A_452 : vector<1xf32> to vector<1x1x1xf32>
    %reduce_sum3A_454 = vector.extract %reduce_sum3A_453[0, 0, 0] : f32 from vector<1x1x1xf32>
    %add3A_455 = arith.addf %add3A_422, %reduce_sum3A_454 : f32
    %get3A_456 = arith.constant 14 : index
    %get3A_457 = arith.constant 0 : index
    %get3A_458 = arith.constant 0 : index
    %get3A_459 = vector.load %arg1[%get3A_456, %get3A_457, %get3A_458] : memref<16x64x576xf32, #tpu.memory_space<vmem>>, vector<1x64x576xf32>
    %get3A_460 = vector.shape_cast %get3A_459 : vector<1x64x576xf32> to vector<64x576xf32>
    %mul3A_461 = arith.mulf %get3A_460, %get3A_460 : vector<64x576xf32>
    %reduce_sum3A_462 = arith.constant dense<0.000000e+00> : vector<576xf32>
    %reduce_sum3A_463 = vector.multi_reduction <add>, %mul3A_461, %reduce_sum3A_462 [0] : vector<64x576xf32> to vector<576xf32>
    %broadcast_in_dim3A_464 = vector.shape_cast %reduce_sum3A_463 : vector<576xf32> to vector<1x576xf32>
    %sqrt3A_465 = math.sqrt %broadcast_in_dim3A_464 : vector<1x576xf32>
    %max3A_466 = arith.constant 9.99999996E-13 : f32
    %max3A_467 = vector.broadcast %max3A_466 : f32 to vector<1x576xf32>
    %max3A_468 = arith.maximumf %sqrt3A_465, %max3A_467 : vector<1x576xf32>
    %div3A_469 = vector.broadcast %max3A_468 : vector<1x576xf32> to vector<64x576xf32>
    %div3A_470 = arith.divf %get3A_460, %div3A_469 : vector<64x576xf32>
    %dot_general3A_471 = arith.constant dense<0.000000e+00> : vector<1024x576xf32>
    %dot_general3A_472 = tpu.matmul %get3A_3, %div3A_470, %dot_general3A_471 {dimension_numbers = #tpu.dot_dimension_numbers<[0], [0], [1], [1], [0, 1, 1, 1], [], []>, transpose_lhs_hint = false} : vector<64x1024xf32>, vector<64x576xf32>, vector<1024x576xf32> -> vector<1024x576xf32>
    %reduce_max3A_473 = arith.constant dense<0xFF800000> : vector<576xf32>
    %reduce_max3A_474 = vector.multi_reduction <maximumf>, %dot_general3A_472, %reduce_max3A_473 [0] : vector<1024x576xf32> to vector<576xf32>
    %broadcast_in_dim3A_475 = vector.shape_cast %reduce_max3A_474 : vector<576xf32> to vector<1x576xf32>
    %argmax3A_476 = tpu.reduce_index %dot_general3A_472 {axis = 0 : i32, kind = #tpu.reduction_kind<arg_max>} : vector<1024x576xf32> -> vector<576xi32>
    %swap3A_477 = arith.constant 14 : index
    %swap3A_478 = arith.constant 0 : index
    %swap3A_479 = arith.constant 0 : index
    %swap3A_480 = vector.load %arg3[%swap3A_477, %swap3A_478, %swap3A_479] : memref<16x1x576xi32, #tpu.memory_space<vmem>>, vector<1x1x576xi32>
    %swap3A_481 = vector.shape_cast %swap3A_480 : vector<1x1x576xi32> to vector<576xi32>
    %swap3A_482 = vector.shape_cast %argmax3A_476 : vector<576xi32> to vector<1x1x576xi32>
    tpu.vector_store %arg3[%swap3A_477, %swap3A_478, %swap3A_479], %swap3A_482 {strides = array<i32>} : memref<16x1x576xi32, #tpu.memory_space<vmem>>, vector<1x1x576xi32>,
    %reduce_sum3A_483 = vector.shape_cast %broadcast_in_dim3A_475 : vector<1x576xf32> to vector<1x1x576xf32>
    %reduce_sum3A_484 = arith.constant dense<0.000000e+00> : vector<1xf32>
    %reduce_sum3A_485 = vector.multi_reduction <add>, %reduce_sum3A_483, %reduce_sum3A_484 [1, 2] : vector<1x1x576xf32> to vector<1xf32>
    %reduce_sum3A_486 = vector.shape_cast %reduce_sum3A_485 : vector<1xf32> to vector<1x1x1xf32>
    %reduce_sum3A_487 = vector.extract %reduce_sum3A_486[0, 0, 0] : f32 from vector<1x1x1xf32>
    %add3A_488 = arith.addf %add3A_455, %reduce_sum3A_487 : f32
    %get3A_489 = arith.constant 15 : index
    %get3A_490 = arith.constant 0 : index
    %get3A_491 = arith.constant 0 : index
    %get3A_492 = vector.load %arg1[%get3A_489, %get3A_490, %get3A_491] : memref<16x64x576xf32, #tpu.memory_space<vmem>>, vector<1x64x576xf32>
    %get3A_493 = vector.shape_cast %get3A_492 : vector<1x64x576xf32> to vector<64x576xf32>
    %mul3A_494 = arith.mulf %get3A_493, %get3A_493 : vector<64x576xf32>
    %reduce_sum3A_495 = arith.constant dense<0.000000e+00> : vector<576xf32>
    %reduce_sum3A_496 = vector.multi_reduction <add>, %mul3A_494, %reduce_sum3A_495 [0] : vector<64x576xf32> to vector<576xf32>
    %broadcast_in_dim3A_497 = vector.shape_cast %reduce_sum3A_496 : vector<576xf32> to vector<1x576xf32>
    %sqrt3A_498 = math.sqrt %broadcast_in_dim3A_497 : vector<1x576xf32>
    %max3A_499 = arith.constant 9.99999996E-13 : f32
    %max3A_500 = vector.broadcast %max3A_499 : f32 to vector<1x576xf32>
    %max3A_501 = arith.maximumf %sqrt3A_498, %max3A_500 : vector<1x576xf32>
    %div3A_502 = vector.broadcast %max3A_501 : vector<1x576xf32> to vector<64x576xf32>
    %div3A_503 = arith.divf %get3A_493, %div3A_502 : vector<64x576xf32>
    %dot_general3A_504 = arith.constant dense<0.000000e+00> : vector<1024x576xf32>
    %dot_general3A_505 = tpu.matmul %get3A_3, %div3A_503, %dot_general3A_504 {dimension_numbers = #tpu.dot_dimension_numbers<[0], [0], [1], [1], [0, 1, 1, 1], [], []>, transpose_lhs_hint = false} : vector<64x1024xf32>, vector<64x576xf32>, vector<1024x576xf32> -> vector<1024x576xf32>
    %reduce_max3A_506 = arith.constant dense<0xFF800000> : vector<576xf32>
    %reduce_max3A_507 = vector.multi_reduction <maximumf>, %dot_general3A_505, %reduce_max3A_506 [0] : vector<1024x576xf32> to vector<576xf32>
    %broadcast_in_dim3A_508 = vector.shape_cast %reduce_max3A_507 : vector<576xf32> to vector<1x576xf32>
    %argmax3A_509 = tpu.reduce_index %dot_general3A_505 {axis = 0 : i32, kind = #tpu.reduction_kind<arg_max>} : vector<1024x576xf32> -> vector<576xi32>
    %swap3A_510 = arith.constant 15 : index
    %swap3A_511 = arith.constant 0 : index
    %swap3A_512 = arith.constant 0 : index
    %swap3A_513 = vector.load %arg3[%swap3A_510, %swap3A_511, %swap3A_512] : memref<16x1x576xi32, #tpu.memory_space<vmem>>, vector<1x1x576xi32>
    %swap3A_514 = vector.shape_cast %swap3A_513 : vector<1x1x576xi32> to vector<576xi32>
    %swap3A_515 = vector.shape_cast %argmax3A_509 : vector<576xi32> to vector<1x1x576xi32>
    tpu.vector_store %arg3[%swap3A_510, %swap3A_511, %swap3A_512], %swap3A_515 {strides = array<i32>} : memref<16x1x576xi32, #tpu.memory_space<vmem>>, vector<1x1x576xi32>,
    %reduce_sum3A_516 = vector.shape_cast %broadcast_in_dim3A_508 : vector<1x576xf32> to vector<1x1x576xf32>
    %reduce_sum3A_517 = arith.constant dense<0.000000e+00> : vector<1xf32>
    %reduce_sum3A_518 = vector.multi_reduction <add>, %reduce_sum3A_516, %reduce_sum3A_517 [1, 2] : vector<1x1x576xf32> to vector<1xf32>
    %reduce_sum3A_519 = vector.shape_cast %reduce_sum3A_518 : vector<1xf32> to vector<1x1x1xf32>
    %reduce_sum3A_520 = vector.extract %reduce_sum3A_519[0, 0, 0] : f32 from vector<1x1x1xf32>
    %add3A_521 = arith.addf %add3A_488, %reduce_sum3A_520 : f32
    %get3A_522 = arith.constant 0 : index
    %get3A_523 = arith.constant 0 : index
    %get3A_524 = memref.load %arg5[%get3A_522, %get3A_523] : memref<1x1xf32, #tpu.memory_space<smem>>
    %add3A_525 = arith.addf %get3A_524, %add3A_521 : f32
    %swap3A_526 = arith.constant 0 : index
    %swap3A_527 = arith.constant 0 : index
    %swap3A_528 = memref.load %arg5[%swap3A_526, %swap3A_527] : memref<1x1xf32, #tpu.memory_space<smem>>
    memref.store %add3A_525, %arg5[%swap3A_526, %swap3A_527] : memref<1x1xf32, #tpu.memory_space<smem>>
    %eq3A_529 = arith.constant 1 : i32
    %eq3A_530 = arith.cmpi eq, %arg0, %eq3A_529 : i32
    %convert_element_type3A_531 = arith.extui %eq3A_530 : i1 to i32
    %cond3A_532 = arith.constant 0 : i32
    %cond3A_533 = arith.cmpi ne, %convert_element_type3A_531, %cond3A_532 : i32
    scf.if %cond3A_533 {
      %get3A_534 = arith.constant 0 : index
      %get3A_535 = arith.constant 0 : index
      %get3A_536 = memref.load %arg5[%get3A_534, %get3A_535] : memref<1x1xf32, #tpu.memory_space<smem>>
      %mul3A_537 = arith.constant 1.08506945E-4 : f32
      %mul3A_538 = arith.mulf %mul3A_537, %get3A_536 : f32
      %sub3A = arith.constant 2.000000e+00 : f32
      %sub3A_539 = arith.subf %sub3A, %mul3A_538 : f32
      %swap3A_540 = arith.constant 0 : index
      %swap3A_541 = arith.constant 0 : index
      %swap3A_542 = memref.load %arg5[%swap3A_540, %swap3A_541] : memref<1x1xf32, #tpu.memory_space<smem>>
      memref.store %sub3A_539, %arg5[%swap3A_540, %swap3A_541] : memref<1x1xf32, #tpu.memory_space<smem>>
    } else {
    }
    return
  }
  func.func @transform_0(%arg0: i32) -> (i32, i32, i32) {
    %c0_i32 = arith.constant 0 : i32
    %c0_i32_0 = arith.constant 0 : i32
    %c0_i32_1 = arith.constant 0 : i32
    return %arg0, %c0_i32, %c0_i32_0 : i32, i32, i32
  }
  func.func @transform_1(%arg0: i32) -> (i32, i32) {
    %c0_i32 = arith.constant 0 : i32
    %c0_i32_0 = arith.constant 0 : i32
    %c0_i32_1 = arith.constant 0 : i32
    return %c0_i32, %c0_i32_0 : i32, i32
  }
  func.func @transform_2(%arg0: i32) -> (i32, i32, i32) {
    %c0_i32 = arith.constant 0 : i32
    %c0_i32_0 = arith.constant 0 : i32
    %c0_i32_1 = arith.constant 0 : i32
    return %arg0, %c0_i32, %c0_i32_0 : i32, i32, i32
  }
  func.func @transform_3(%arg0: i32) -> (i32, i32) {
    %c0_i32 = arith.constant 0 : i32
    %c0_i32_0 = arith.constant 0 : i32
    %c0_i32_1 = arith.constant 0 : i32
    return %c0_i32, %c0_i32_0 : i32, i32
  }
  func.func @transform_4(%arg0: i32) -> (i32, i32) {
    %c0_i32 = arith.constant 0 : i32
    %c0_i32_0 = arith.constant 0 : i32
    %c0_i32_1 = arith.constant 0 : i32
    return %c0_i32, %c0_i32_0 : i32, i32
  }
}

</mosaic_0001>

<sc_bundles>
// kernel: kernel.4.cloned.1.call-start
scs
__scs_entry_jumppad:
0x0: {  	(pc) =	sbr.rel $0x88, $3  }
0x1: {  	(tag) =	ssettag $0x0;
	lr =	simm.s32 $0x1  }
0x2: {  	[smem:$0x3F9F] =	sst lr;
	_ =	strace $0xD0000000  }
0x3: {  	_ = 	snop  }
0x4: {  	_ = 	snop  }
0x5: {  	_ = 	snop  }
0x6: {  	_ = 	snop  }
0x7: {  	_ = 	snop  }
__scs_overlays_trampoline_lowered:
0x8: {  	[smem:$0x3FAE] =	sst s0  }
0x9: {  	[smem:$0x3FAF] =	sst s1  }
0xa: {  	[smem:$0x3FB0] =	sst s2  }
0xb: {  	[smem:$0x3FB1] =	sst s3  }
0xc: {  	[smem:$0x3FB2] =	sst s4  }
0xd: {  	[smem:$0x3FB3] =	sst s5  }
0xe: {  	[smem:$0x3FB4] =	sst s6  }
0xf: {  	[smem:$0x3FB5] =	sst s7  }
0x10: {  	[smem:$0x3FB6] =	sst s8  }
0x11: {  	[smem:$0x3FB7] =	sst s9;
	s0 =	simm.s32 @!p0 $0x0  }
0x12: {  	s1 =	sld [smem:$0x3F9D];
	s0 =	simm.s32 @p0 $0x1  }
0x13: {  	[smem:$0x3FB8] =	sst s0;
	s0 =	simm.s32 @!p1 $0x0  }
0x14: {  	s2 =	sld [smem:$0x3F9C];
	s0 =	simm.s32 @p1 $0x1  }
0x15: {  	[smem:$0x3FB9] =	sst s0;
	s0 =	simm.s32 @!p2 $0x0  }
0x16: {  	s3 =	sld [smem:$0x3FDB];
	s0 =	simm.s32 @p2 $0x1  }
0x17: {  	s4 =	simm.s32 $0x1BF5;
	[smem:$0x3FBB] =	sst s0  }
0x18: {  	s0 =	sld [smem:$0x3F9E];
	_ =	swait.ge [sflag:s4], $0x0  }
0x19: {  	s7 =	sld [smem:$0x3F9F]  }
0x1a: {  	s8 =	sadd.s32 $0xFFFFE003, lr  }
0x1b: {  	s9 =	sadd.s32 $0xFFFFFEF7, lr;
	s5 =	simm.s32 $0xFFFFFFFF;
	p2 =	slt.u32 s8, $0xFFFFF086  }
0x1c: {  	p1 =	slt.u32 s9, $0xF7A;
	s5 =	simm.s32 @!p2 $0x0  }
0x1d: {  	s5 =	simm.s32 @p1 $0x1;
	p0 =	seq.s32 s7, s2  }
0x1e: {  	s7 =	smul.u32 @!p0 $0xF7A, s2;
	p2 =	seq.s32 @!p0 s5, $0x0  }
0x1f: {  	s9 =	smul.u32 $0xF7A, s1;
	s8 =	simm.s32 @!p0 $0x1BF5;
	p2 =	por !p2, p0  }
0x20: {  	[sflag:s8] =	ssyncset.s32 @!p0 $0xFFFFF086;
	s6 =	sadd.s32 @!p0 s3, s7;
	s7 =	simm.s32 @!p0 $0x108  }
0x21: {  	s3 =	sadd.s32 s3, s9;
	s6 =	sadd.s32 @!p0 $0x88, s6;
	s7 =	simm.s32 @p2 $0x1082  }
0x22: {  	[simem:s7], [sflag:s8] =	dma.local @!p0 [hbm:s6], $0xF7A  }
0x23: {  	s9 =	sor.u32 $0xD0000000, s2;
	s6 =	simm.s32 $0x108;
	_ =	swait.ge @!p0 [sflag:s8], $0x0  }
0x24: {  	s3 =	sadd.s32 $0x88, s3;
	s6 =	simm.s32 @!p1 $0x1082;
	[sflag:s4] =	ssyncset.s32 $0xFFFFF086  }
0x25: {  	[simem:s6], [sflag:s4] =	dma.local [hbm:s3], $0xF7A  }
0x26: {  	[smem:$0x3F9F] =	sst s1;
	(tag) =	ssettag s2;
	_ =	strace s9  }
0x27: {  	s1 =	sld [smem:$0x3FAF]  }
0x28: {  	s2 =	sld [smem:$0x3FB0]  }
0x29: {  	s4 =	sld [smem:$0x3FB2]  }
0x2a: {  	p0 =	seq.s32 s5, $0x0;
	s5 =	sld [smem:$0x3FB3]  }
0x2b: {  	s6 =	sld [smem:$0x3FB4]  }
0x2c: {  	s7 =	sld [smem:$0x3FB5]  }
0x2d: {  	s3 =	simm.s32 $0x108;
	s8 =	sld [smem:$0x3FB6]  }
0x2e: {  	s3 =	simm.s32 @!p0 $0x1082;
	s9 =	sld [smem:$0x3FB7]  }
0x2f: {  	lr =	sadd.s32 s0, s3;
	s0 =	sld [smem:$0x3FAE]  }
0x30: {  	s3 =	sld [smem:$0x3FB1]  }
0x31: {  	[smem:$0x3FBA] =	sst s10  }
0x32: {  	s10 =	sld [smem:$0x3FB8];
	_ =	sdelay $0x3  }
0x33: {  	p0 =	seq.s32 s10, $0x1;
	s10 =	sld [smem:$0x3FBA];
	_ =	sdelay $0x3  }
0x34: {  	[smem:$0x3FBA] =	sst s10  }
0x35: {  	s10 =	sld [smem:$0x3FB9];
	_ =	sdelay $0x3  }
0x36: {  	p1 =	seq.s32 s10, $0x1;
	s10 =	sld [smem:$0x3FBA];
	_ =	sdelay $0x3  }
0x37: {  	[smem:$0x3FBA] =	sst s10  }
0x38: {  	s10 =	sld [smem:$0x3FBB]  }
0x39: {  	_ = 	snop;
	(pc) =	sbr.ind lr, $3  }
0x3a: {  	_ = 	snop  }
0x3b: {  	_ = 	snop  }
0x3c: {  	p2 =	seq.s32 s10, $0x1;
	s10 =	sld [smem:$0x3FBA]  }
0x3d: {  	_ =	shalt  }
0x3e: {  	_ =	shalt  }
0x3f: {  	_ =	shalt  }
0x40: {  	_ =	shalt  }
0x41: {  	_ =	shalt  }
0x42: {  	_ =	shalt  }
0x43: {  	_ =	shalt  }
0x44: {  	_ =	shalt  }
0x45: {  	_ =	shalt  }
0x46: {  	_ =	shalt  }
0x47: {  	_ =	shalt  }
0x48: {  	_ =	shalt  }
0x49: {  	_ =	shalt  }
0x4a: {  	_ =	shalt  }
0x4b: {  	_ =	shalt  }
0x4c: {  	_ =	shalt  }
0x4d: {  	_ =	shalt  }
0x4e: {  	_ =	shalt  }
0x4f: {  	_ =	shalt  }
0x50: {  	_ =	shalt  }
0x51: {  	_ =	shalt  }
0x52: {  	_ =	shalt  }
0x53: {  	_ =	shalt  }
0x54: {  	_ =	shalt  }
0x55: {  	_ =	shalt  }
0x56: {  	_ =	shalt  }
0x57: {  	_ =	shalt  }
0x58: {  	_ =	shalt  }
0x59: {  	_ =	shalt  }
0x5a: {  	_ =	shalt  }
0x5b: {  	_ =	shalt  }
0x5c: {  	_ =	shalt  }
0x5d: {  	_ =	shalt  }
0x5e: {  	_ =	shalt  }
0x5f: {  	_ =	shalt  }
0x60: {  	_ =	shalt  }
0x61: {  	_ =	shalt  }
0x62: {  	_ =	shalt  }
0x63: {  	_ =	shalt  }
0x64: {  	_ =	shalt  }
0x65: {  	_ =	shalt  }
0x66: {  	_ =	shalt  }
0x67: {  	_ =	shalt  }
0x68: {  	_ =	shalt  }
0x69: {  	_ =	shalt  }
0x6a: {  	_ =	shalt  }
0x6b: {  	_ =	shalt  }
0x6c: {  	_ =	shalt  }
0x6d: {  	_ =	shalt  }
0x6e: {  	_ =	shalt  }
0x6f: {  	_ =	shalt  }
0x70: {  	_ =	shalt  }
0x71: {  	_ =	shalt  }
0x72: {  	_ =	shalt  }
0x73: {  	_ =	shalt  }
0x74: {  	_ =	shalt  }
0x75: {  	_ =	shalt  }
0x76: {  	_ =	shalt  }
0x77: {  	_ =	shalt  }
0x78: {  	_ =	shalt  }
0x79: {  	_ =	shalt  }
0x7a: {  	_ =	shalt  }
0x7b: {  	_ =	shalt  }
0x7c: {  	_ =	shalt  }
0x7d: {  	_ =	shalt  }
0x7e: {  	_ =	shalt  }
0x7f: {  	_ =	shalt  }
0x80: {  	_ =	shalt  }
0x81: {  	_ =	shalt  }
0x82: {  	_ =	shalt  }
0x83: {  	_ =	shalt  }
0x84: {  	_ =	shalt  }
0x85: {  	_ =	shalt  }
0x86: {  	_ =	shalt  }
0x87: {  	_ =	shalt  }
.Lfunc_end0:
.L_simem_size_0:
called_computation_lowered:
.L_overlay_start_0:
0x88: {  	s2 =	sld [smem:$0x3FD9]  }
0x89: {  	s3 =	sld [smem:$0x3FFE];
	_ =	sdelay $0x1  }
0x8a: {  	s1 =	srdreg.scid  }
0x8b: {  	s0 =	sand.u32 $0x1, s1  }
0x8c: {  	s14 =	sshll.u32 s0, $0xA;
	s2 =	sadd.s32 s3, s2  }
0x8d: {  	s2 =	sadd.s32 s2, s14  }
0x8e: {  	[smem:$0x3FC6] =	sst s2  }
0x8f: {  	_ = 	snop  }
0x90: {  	s2 =	sld [smem:$0x3FD0];
	_ =	sdelay $0x2  }
0x91: {  	s15 =	simm.s32 $0xA;
	s4 =	simm.s32 $0x10  }
0x92: {  	[smem:s4], [sflag:s15] =	dma.local [hbm:s2], $0x1  }
0x93: {  	_ =	swait.eq [sflag:s15], $0x1  }
0x94: {  	[sflag:s15] =	ssyncset.done $0x0  }
0x95: {  	[sflag:s15] =	ssyncadd.s32 $0xFFFFFFFF  }
0x96: {  	s16 =	sld [smem:$0x10];
	(tm) =	ssettm $0x1  }
0x97: {  	s17 =	sld [smem:$0x3FFB];
	_ =	sdelay $0x3  }
0x98: {  	_ =	strace s17  }
0x99: {  	s3 =	sld [smem:$0x3FFC];
	_ =	sdelay $0x3  }
0x9a: {  	_ =	strace s3  }
0x9b: {  	s3 =	sld [smem:$0x3FFD];
	_ =	sdelay $0x3  }
0x9c: {  	_ =	strace s3  }
0x9d: {  	_ =	strace $0x8FFFFFFF  }
0x9e: {  	s18 =	sld [smem:$0x3FDB];
	_ =	sdelay $0x1  }
0x9f: {  	s19 =	simm.s32 $_scs_section_size  }
0xa0: {  	s5 =	simm.s32 $_size__tile_overlayer_lowered;
	s6 =	simm.s32 $_tile_overlayer_lowered  }
0xa1: {  	s22 =	simm.s32 $0x1BFF;
	s21 =	sshll.u32 s6, $0x1;
	s3 =	sadd.s32 s19, s18  }
0xa2: {  	s7 =	simm.s32 $0x0;
	s20 =	sshll.u32 s5, $0x1;
	s5 =	sadd.s32 s21, s3  }
0xa3: {  	[timem:s7], [sflag:s22] =	dma.local [hbm:s5], s20  }
0xa4: {  	_ =	swait.ge [sflag:s22], s20  }
0xa5: {  	s4 =	ssub.s32 $0x0, s20;
	[sflag:s22] =	ssyncset.done $0x0  }
0xa6: {  	[sflag:s22] =	ssyncadd.s32 s4;
	_ =	sdelay $0x1  }
0xa7: {  	s23 =	simm.s32 $0x1B8B  }
0xa8: {  	_ =	swait.ge [sflag:s23], $0x1  }
0xa9: {  	[sflag:s23] =	ssyncset.done $0x0  }
0xaa: {  	s25 =	simm.s32 $0x1B8E;
	s24 =	sld [smem:$0x3FFE];
	[sflag:s23] =	ssyncadd.s32 $0xFFFFFFFF  }
0xab: {  	s26 =	simm.s32 $execute0_lowered;
	[smem:$0x3FD2] =	sst s25  }
0xac: {  	s5 =	sshll.u32 s26, $0x1;
	_ =	strace $0x80000046;
	[dreg:$0x1] =	wrdreg $0xFFFFFFFF  }
0xad: {  	s28 =	simm.s32 $_size_execute0_lowered;
	s3 =	sadd.s32 s3, s5;
	[dreg:$0x0] =	wrdreg $0x0  }
0xae: {  	s5 =	sshll.u32 s28, $0x1;
	[dreg:$0x2] =	wrdreg s3  }
0xaf: {  	[dreg:$0x3] =	wrdreg s5  }
0xb0: {  	[dreg:$0x4] =	wrdreg $0xC0  }
0xb1: {  	_ =	task [dreg:s7], $0x5FFFF  }
0xb2: {  	[dreg:$0x1] =	wrdreg $0xFFFFFFFF  }
0xb3: {  	[dreg:$0x0] =	wrdreg $0x60  }
0xb4: {  	[dreg:$0x2] =	wrdreg s16  }
0xb5: {  	[dreg:$0x3] =	wrdreg s24  }
0xb6: {  	[dreg:$0x4] =	wrdreg $0x0  }
0xb7: {  	[dreg:$0x5] =	wrdreg $0x9  }
0xb8: {  	_ =	task.clear_ibuf [dreg:s7], $0x6FFFF;
	_ =	strace $0x90000046  }
0xb9: {  	s29 =	simm.s32 $0x9;
	_ =	strace $0x80000048  }
0xba: {  	_ =	swait.ge [sflag:s29], $0x1  }
0xbb: {  	[sflag:s29] =	ssyncadd.s32 $0xFFFFFFFF  }
0xbc: {  	_ =	strace $0x90000048  }
0xbd: {  	_ =	sfence  }
0xbe: {  	s30 =	sld [smem:$0x0];
	_ =	sdelay $0x2  }
0xbf: {  	s31 =	sshll.u32 s1, $0xD;
	s1 =	sshrl.u32 s1, $0x2  }
0xc0: {  	s3 =	sand.u32 $0x4000, s31;
	s1 =	sadd.s32 s1, s30  }
0xc1: {  	s0 =	sor.u32 s3, s0;
	s1 =	sshll.u32 s1, $0x11  }
0xc2: {  	s0 =	sor.u32 s1, s0  }
0xc3: {  	s0 =	sadd.s32 $0x8F2B, s0  }
0xc4: {  	[sflag:s0] =	ssyncadd.remote.s32 $0x1  }
0xc5: {  	_ =	sfence.sel $0xFFFF  }
0xc6: {  	[dreg:$0x0] =	wrdreg $0xFFFFFFFF;
	(pc) =	sbr.abs _section_cstart, $3  }
0xc7: {  	[dreg:$0x1] =	wrdreg $0xFFFFFFFF  }
0xc8: {  	_ =	task.clear_ibuf [dreg:s7], $0x2FFFF;
	_ =	strace $0x9FFFFFFF  }
0xc9: {  	(tm) =	ssettm $0x7FFFFFFF  }
tec
execute0_lowered:
.L_overlay_start_1:
0x0: {  	(tag) =	ssettag $0x1  }
0x1: {  	s0 =	rddreg [dreg:$0x0]  }
0x2: {  	s1 =	srdreg.scid;
	s4 =	rddreg [dreg:$0x1]  }
0x3: {  	s7 =	stileid.u32;
	s2 =	rddreg [dreg:$0x2]  }
0x4: {  	s3 =	simm.s32 $0x0;
	s5 =	sand.u32 $0x1, s1;
	s31 =	sshll.u32 s7, $0x1  }
0x5: {  	s10 =	simm.s32 $0x1000;
	s11 =	simm.s32 $0x11240;
	s6 =	sor.u32 s5, s31  }
0x6: {  	s12 =	simm.s32 $0x0;
	s1 =	rddreg [dreg:$0x3];
	s8 =	smul.u32 $0x48, s6  }
0x7: {  	[smem:$0x7FF] =	sst s3;
	p0 =	sne.s32 s7, $0x0;
	s6 =	smul.u32 $0x1200, s6  }
0x8: {  	s5 =	ssub.s32 $0x2, s5;
	_ =	strace $0x80000047;
	s7 =	sshrl.u32 @!p0 s2, $0x3  }
0x9: {  	s9 =	sshrl.u32 s5, $0x1;
	s8 =	sadd.s32 s8, s4;
	s6 =	sadd.s32 s6, s4  }
0xa: {  	s9 =	ssub.s32 s5, s9;
	s4 =	sadd.s32 $0x400, s8;
	s5 =	sadd.s32 $0xE00, s6  }
0xb: {  	s6 =	smax.u32 s9, $0x1;
	s8 =	simm.s32 $0x11000;
	s9 =	simm.s32 $0x1  }
.LBB2_1:
0xc: {  	s13 =	simm.s32 @!p0 $0x1C01  }
0xd: {  	[spmem:s7], [sflag:s13] =	dma.local @!p0 [hbm:s0], $0x2000  }
0xe: {  	s13 =	simm.s32 @!p0 $0x1  }
0xf: {  	_ =	swait.ge @!p0 [sflag:s13], $0x2000  }
0x10: {  	[sflag:s13] =	ssyncset.done @!p0 $0x0  }
0x11: {  	[sflag:s13] =	ssyncadd.s32 @!p0 $0xFFFFE000  }
0x12: {  	[tilespmem:s8], [sflag:$0x1] =	stream.linear.gather [hbm4b:s4+s3], $0x240, $0x38;
	[tilespmem:$0x1A240] =	vst v63  }
0x13: {  	_ =	swait.ge [sflag:s9], $0x240  }
0x14: {  	[sflag:s9] =	ssyncset.done $0x0  }
0x15: {  	[sflag:s9] =	ssyncadd.s32 $0xFFFFFDC0  }
0x16: {  	[bflag:$0x0] =	sbarrier.arrive $0xFFFF  }
0x17: {  	[tilespmem:s10], [sflag:$0x1] =	stream.linear.gather [spmem:s2], $0x10000, $0x38;
	[tilespmem:$0x1A240] =	vst v63  }
0x18: {  	_ =	swait.ge [sflag:s9], $0x10000  }
0x19: {  	[sflag:s9] =	ssyncset.done $0x0  }
0x1a: {  	s13 =	simm.s32 $0x0;
	[sflag:s9] =	ssyncadd.s32 $0xFFFF0000  }
.LBB2_2:
0x1b: {  	s14 =	sshll.u32 s13, $0x4  }
0x1c: {  	v1 =	vld [tilespmem:s14+$0x11000];
	_ =	sdelay $0x7  }
0x1d: {  	v0 =	vld.idx.msk [tilespmem:v1+s10+$0x0], $0xffff  }
0x1e: {  	v2 =	vadd.s32 $0x400, v1;
	_ =	sdelay $0x3  }
0x1f: {  	[tilespmem:s14+$0x11240] =	vst v0  }
0x20: {  	v0 =	vld.idx.msk [tilespmem:v2+s10+$0x0], $0xffff  }
0x21: {  	v26 =	vadd.s32 $0x800, v1;
	_ =	sdelay $0x3  }
0x22: {  	[tilespmem:s14+$0x11480] =	vst v0  }
0x23: {  	v0 =	vld.idx.msk [tilespmem:v26+s10+$0x0], $0xffff  }
0x24: {  	v27 =	vadd.s32 $0xC00, v1;
	_ =	sdelay $0x3  }
0x25: {  	[tilespmem:s14+$0x116C0] =	vst v0  }
0x26: {  	v0 =	vld.idx.msk [tilespmem:v27+s10+$0x0], $0xffff  }
0x27: {  	v28 =	vadd.s32 $0x1000, v1;
	_ =	sdelay $0x3  }
0x28: {  	[tilespmem:s14+$0x11900] =	vst v0  }
0x29: {  	v0 =	vld.idx.msk [tilespmem:v28+s10+$0x0], $0xffff  }
0x2a: {  	v29 =	vadd.s32 $0x1400, v1;
	_ =	sdelay $0x3  }
0x2b: {  	[tilespmem:s14+$0x11B40] =	vst v0  }
0x2c: {  	v0 =	vld.idx.msk [tilespmem:v29+s10+$0x0], $0xffff  }
0x2d: {  	v30 =	vadd.s32 $0x1800, v1;
	_ =	sdelay $0x3  }
0x2e: {  	[tilespmem:s14+$0x11D80] =	vst v0  }
0x2f: {  	v0 =	vld.idx.msk [tilespmem:v30+s10+$0x0], $0xffff  }
0x30: {  	v31 =	vadd.s32 $0x1C00, v1;
	_ =	sdelay $0x3  }
0x31: {  	[tilespmem:s14+$0x11FC0] =	vst v0  }
0x32: {  	v0 =	vld.idx.msk [tilespmem:v31+s10+$0x0], $0xffff  }
0x33: {  	v32 =	vadd.s32 $0x2000, v1;
	_ =	sdelay $0x3  }
0x34: {  	[tilespmem:s14+$0x12200] =	vst v0  }
0x35: {  	v0 =	vld.idx.msk [tilespmem:v32+s10+$0x0], $0xffff  }
0x36: {  	v33 =	vadd.s32 $0x2400, v1;
	_ =	sdelay $0x3  }
0x37: {  	[tilespmem:s14+$0x12440] =	vst v0  }
0x38: {  	v0 =	vld.idx.msk [tilespmem:v33+s10+$0x0], $0xffff  }
0x39: {  	v34 =	vadd.s32 $0x2800, v1;
	_ =	sdelay $0x3  }
0x3a: {  	[tilespmem:s14+$0x12680] =	vst v0  }
0x3b: {  	v0 =	vld.idx.msk [tilespmem:v34+s10+$0x0], $0xffff  }
0x3c: {  	v35 =	vadd.s32 $0x2C00, v1;
	_ =	sdelay $0x3  }
0x3d: {  	[tilespmem:s14+$0x128C0] =	vst v0  }
0x3e: {  	v0 =	vld.idx.msk [tilespmem:v35+s10+$0x0], $0xffff  }
0x3f: {  	v36 =	vadd.s32 $0x3000, v1;
	_ =	sdelay $0x3  }
0x40: {  	[tilespmem:s14+$0x12B00] =	vst v0  }
0x41: {  	v0 =	vld.idx.msk [tilespmem:v36+s10+$0x0], $0xffff  }
0x42: {  	v37 =	vadd.s32 $0x3400, v1;
	_ =	sdelay $0x3  }
0x43: {  	[tilespmem:s14+$0x12D40] =	vst v0  }
0x44: {  	v0 =	vld.idx.msk [tilespmem:v37+s10+$0x0], $0xffff  }
0x45: {  	v38 =	vadd.s32 $0x3800, v1;
	_ =	sdelay $0x3  }
0x46: {  	[tilespmem:s14+$0x12F80] =	vst v0  }
0x47: {  	v0 =	vld.idx.msk [tilespmem:v38+s10+$0x0], $0xffff  }
0x48: {  	v39 =	vadd.s32 $0x3C00, v1;
	_ =	sdelay $0x3  }
0x49: {  	[tilespmem:s14+$0x131C0] =	vst v0  }
0x4a: {  	v0 =	vld.idx.msk [tilespmem:v39+s10+$0x0], $0xffff;
	_ =	sdelay $0x4  }
0x4b: {  	[tilespmem:s14+$0x13400] =	vst v0  }
0x4c: {  	v4 =	vld [tilespmem:s14+$0x11010]  }
0x4d: {  	v2 =	vld [tilespmem:s14+$0x11030]  }
0x4e: {  	v3 =	vld [tilespmem:s14+$0x11020];
	_ =	sdelay $0x5  }
0x4f: {  	v0 =	vld.idx.msk [tilespmem:v4+s10+$0x0], $0xffff  }
0x50: {  	v5 =	vadd.s32 $0x400, v4;
	v8 =	vld.idx.msk [tilespmem:v2+s10+$0x0], $0xffff  }
0x51: {  	v9 =	vadd.s32 $0x400, v2;
	v6 =	vld.idx.msk [tilespmem:v3+s10+$0x0], $0xffff  }
0x52: {  	v7 =	vadd.s32 $0x400, v3;
	_ =	sdelay $0x1  }
0x53: {  	[tilespmem:s14+$0x11250] =	vst v0  }
0x54: {  	[tilespmem:s14+$0x11270] =	vst v8;
	v0 =	vld.idx.msk [tilespmem:v5+s10+$0x0], $0xffff  }
0x55: {  	v40 =	vadd.s32 $0x800, v4;
	[tilespmem:s14+$0x11260] =	vst v6;
	v8 =	vld.idx.msk [tilespmem:v9+s10+$0x0], $0xffff  }
0x56: {  	v42 =	vadd.s32 $0x800, v2;
	v6 =	vld.idx.msk [tilespmem:v7+s10+$0x0], $0xffff  }
0x57: {  	v41 =	vadd.s32 $0x800, v3;
	_ =	sdelay $0x1  }
0x58: {  	[tilespmem:s14+$0x11490] =	vst v0  }
0x59: {  	[tilespmem:s14+$0x114B0] =	vst v8;
	v0 =	vld.idx.msk [tilespmem:v40+s10+$0x0], $0xffff  }
0x5a: {  	v43 =	vadd.s32 $0xC00, v4;
	[tilespmem:s14+$0x114A0] =	vst v6;
	v8 =	vld.idx.msk [tilespmem:v42+s10+$0x0], $0xffff  }
0x5b: {  	v45 =	vadd.s32 $0xC00, v2;
	v6 =	vld.idx.msk [tilespmem:v41+s10+$0x0], $0xffff  }
0x5c: {  	v44 =	vadd.s32 $0xC00, v3;
	_ =	sdelay $0x1  }
0x5d: {  	[tilespmem:s14+$0x116D0] =	vst v0  }
0x5e: {  	[tilespmem:s14+$0x116F0] =	vst v8;
	v0 =	vld.idx.msk [tilespmem:v43+s10+$0x0], $0xffff  }
0x5f: {  	v46 =	vadd.s32 $0x1000, v4;
	[tilespmem:s14+$0x116E0] =	vst v6;
	v8 =	vld.idx.msk [tilespmem:v45+s10+$0x0], $0xffff  }
0x60: {  	v48 =	vadd.s32 $0x1000, v2;
	v6 =	vld.idx.msk [tilespmem:v44+s10+$0x0], $0xffff  }
0x61: {  	v47 =	vadd.s32 $0x1000, v3;
	_ =	sdelay $0x1  }
0x62: {  	[tilespmem:s14+$0x11910] =	vst v0  }
0x63: {  	[tilespmem:s14+$0x11930] =	vst v8;
	v0 =	vld.idx.msk [tilespmem:v46+s10+$0x0], $0xffff  }
0x64: {  	v49 =	vadd.s32 $0x1400, v4;
	[tilespmem:s14+$0x11920] =	vst v6;
	v8 =	vld.idx.msk [tilespmem:v48+s10+$0x0], $0xffff  }
0x65: {  	v51 =	vadd.s32 $0x1400, v2;
	v6 =	vld.idx.msk [tilespmem:v47+s10+$0x0], $0xffff  }
0x66: {  	v50 =	vadd.s32 $0x1400, v3;
	_ =	sdelay $0x1  }
0x67: {  	[tilespmem:s14+$0x11B50] =	vst v0  }
0x68: {  	[tilespmem:s14+$0x11B70] =	vst v8;
	v0 =	vld.idx.msk [tilespmem:v49+s10+$0x0], $0xffff  }
0x69: {  	v52 =	vadd.s32 $0x1800, v4;
	[tilespmem:s14+$0x11B60] =	vst v6;
	v8 =	vld.idx.msk [tilespmem:v51+s10+$0x0], $0xffff  }
0x6a: {  	v54 =	vadd.s32 $0x1800, v2;
	v6 =	vld.idx.msk [tilespmem:v50+s10+$0x0], $0xffff  }
0x6b: {  	v53 =	vadd.s32 $0x1800, v3;
	_ =	sdelay $0x1  }
0x6c: {  	[tilespmem:s14+$0x11D90] =	vst v0  }
0x6d: {  	[tilespmem:s14+$0x11DB0] =	vst v8;
	v0 =	vld.idx.msk [tilespmem:v52+s10+$0x0], $0xffff  }
0x6e: {  	v55 =	vadd.s32 $0x1C00, v4;
	[tilespmem:s14+$0x11DA0] =	vst v6;
	v8 =	vld.idx.msk [tilespmem:v54+s10+$0x0], $0xffff  }
0x6f: {  	v57 =	vadd.s32 $0x1C00, v2;
	v6 =	vld.idx.msk [tilespmem:v53+s10+$0x0], $0xffff  }
0x70: {  	v56 =	vadd.s32 $0x1C00, v3;
	_ =	sdelay $0x1  }
0x71: {  	[tilespmem:s14+$0x11FD0] =	vst v0  }
0x72: {  	[tilespmem:s14+$0x11FF0] =	vst v8;
	v0 =	vld.idx.msk [tilespmem:v55+s10+$0x0], $0xffff  }
0x73: {  	v58 =	vadd.s32 $0x2000, v4;
	[tilespmem:s14+$0x11FE0] =	vst v6;
	v8 =	vld.idx.msk [tilespmem:v57+s10+$0x0], $0xffff  }
0x74: {  	v60 =	vadd.s32 $0x2000, v2;
	v6 =	vld.idx.msk [tilespmem:v56+s10+$0x0], $0xffff  }
0x75: {  	v59 =	vadd.s32 $0x2000, v3;
	_ =	sdelay $0x1  }
0x76: {  	[tilespmem:s14+$0x12210] =	vst v0  }
0x77: {  	[tilespmem:s14+$0x12230] =	vst v8;
	v0 =	vld.idx.msk [tilespmem:v58+s10+$0x0], $0xffff  }
0x78: {  	v61 =	vadd.s32 $0x2400, v4;
	[tilespmem:s14+$0x12220] =	vst v6;
	v8 =	vld.idx.msk [tilespmem:v60+s10+$0x0], $0xffff  }
0x79: {  	v63 =	vadd.s32 $0x2400, v2;
	v6 =	vld.idx.msk [tilespmem:v59+s10+$0x0], $0xffff  }
0x7a: {  	v62 =	vadd.s32 $0x2400, v3;
	_ =	sdelay $0x1  }
0x7b: {  	[tilespmem:s14+$0x12450] =	vst v0  }
0x7c: {  	[tilespmem:s14+$0x12470] =	vst v8;
	v0 =	vld.idx.msk [tilespmem:v61+s10+$0x0], $0xffff  }
0x7d: {  	v12 =	vadd.s32 $0x2800, v4;
	[tilespmem:s14+$0x12460] =	vst v6;
	v8 =	vld.idx.msk [tilespmem:v63+s10+$0x0], $0xffff  }
0x7e: {  	v14 =	vadd.s32 $0x2800, v2;
	v6 =	vld.idx.msk [tilespmem:v62+s10+$0x0], $0xffff  }
0x7f: {  	v13 =	vadd.s32 $0x2800, v3;
	_ =	sdelay $0x1  }
0x80: {  	[tilespmem:s14+$0x12690] =	vst v0  }
0x81: {  	[tilespmem:s14+$0x126B0] =	vst v8;
	v0 =	vld.idx.msk [tilespmem:v12+s10+$0x0], $0xffff  }
0x82: {  	v15 =	vadd.s32 $0x2C00, v4;
	[tilespmem:s14+$0x126A0] =	vst v6;
	v8 =	vld.idx.msk [tilespmem:v14+s10+$0x0], $0xffff  }
0x83: {  	v17 =	vadd.s32 $0x2C00, v2;
	v6 =	vld.idx.msk [tilespmem:v13+s10+$0x0], $0xffff  }
0x84: {  	v16 =	vadd.s32 $0x2C00, v3;
	_ =	sdelay $0x1  }
0x85: {  	[tilespmem:s14+$0x128D0] =	vst v0  }
0x86: {  	[tilespmem:s14+$0x128F0] =	vst v8;
	v0 =	vld.idx.msk [tilespmem:v15+s10+$0x0], $0xffff  }
0x87: {  	v18 =	vadd.s32 $0x3000, v4;
	[tilespmem:s14+$0x128E0] =	vst v6;
	v8 =	vld.idx.msk [tilespmem:v17+s10+$0x0], $0xffff  }
0x88: {  	v20 =	vadd.s32 $0x3000, v2;
	v6 =	vld.idx.msk [tilespmem:v16+s10+$0x0], $0xffff  }
0x89: {  	v19 =	vadd.s32 $0x3000, v3;
	_ =	sdelay $0x1  }
0x8a: {  	[tilespmem:s14+$0x12B10] =	vst v0  }
0x8b: {  	[tilespmem:s14+$0x12B30] =	vst v8;
	v0 =	vld.idx.msk [tilespmem:v18+s10+$0x0], $0xffff  }
0x8c: {  	v21 =	vadd.s32 $0x3400, v4;
	[tilespmem:s14+$0x12B20] =	vst v6;
	v8 =	vld.idx.msk [tilespmem:v20+s10+$0x0], $0xffff  }
0x8d: {  	v23 =	vadd.s32 $0x3400, v2;
	v6 =	vld.idx.msk [tilespmem:v19+s10+$0x0], $0xffff  }
0x8e: {  	v22 =	vadd.s32 $0x3400, v3;
	_ =	sdelay $0x1  }
0x8f: {  	[tilespmem:s14+$0x12D50] =	vst v0  }
0x90: {  	[tilespmem:s14+$0x12D70] =	vst v8;
	v0 =	vld.idx.msk [tilespmem:v21+s10+$0x0], $0xffff  }
0x91: {  	v24 =	vadd.s32 $0x3800, v4;
	[tilespmem:s14+$0x12D60] =	vst v6;
	v8 =	vld.idx.msk [tilespmem:v23+s10+$0x0], $0xffff  }
0x92: {  	v26 =	vadd.s32 $0x3800, v2;
	v6 =	vld.idx.msk [tilespmem:v22+s10+$0x0], $0xffff  }
0x93: {  	v25 =	vadd.s32 $0x3800, v3;
	_ =	sdelay $0x1  }
0x94: {  	[tilespmem:s14+$0x12F90] =	vst v0  }
0x95: {  	[tilespmem:s14+$0x12FB0] =	vst v8;
	v0 =	vld.idx.msk [tilespmem:v24+s10+$0x0], $0xffff  }
0x96: {  	v27 =	vadd.s32 $0x3C00, v4;
	[tilespmem:s14+$0x12FA0] =	vst v6;
	v8 =	vld.idx.msk [tilespmem:v26+s10+$0x0], $0xffff  }
0x97: {  	v29 =	vadd.s32 $0x3C00, v2;
	v6 =	vld.idx.msk [tilespmem:v25+s10+$0x0], $0xffff  }
0x98: {  	v28 =	vadd.s32 $0x3C00, v3;
	_ =	sdelay $0x1  }
0x99: {  	[tilespmem:s14+$0x131D0] =	vst v0  }
0x9a: {  	v30 =	vadd.s32 $0x4000, v1;
	[tilespmem:s14+$0x131F0] =	vst v8;
	v5 =	vld.idx.msk [tilespmem:v27+s10+$0x0], $0xffff  }
0x9b: {  	v31 =	vadd.s32 $0x4000, v4;
	[tilespmem:s14+$0x131E0] =	vst v6;
	v8 =	vld.idx.msk [tilespmem:v29+s10+$0x0], $0xffff  }
0x9c: {  	v32 =	vadd.s32 $0x4000, v2;
	v7 =	vld.idx.msk [tilespmem:v28+s10+$0x0], $0xffff  }
0x9d: {  	v10 =	vadd.s32 $0x4000, v3;
	_ =	sdelay $0x1  }
0x9e: {  	v0 =	vld.idx.msk [tilespmem:v30+s10+$0x0], $0xffff;
	[tilespmem:s14+$0x13410] =	vst v5  }
0x9f: {  	v33 =	vadd.s32 $0x4400, v1;
	[tilespmem:s14+$0x13430] =	vst v8;
	v6 =	vld.idx.msk [tilespmem:v31+s10+$0x0], $0xffff  }
0xa0: {  	v34 =	vadd.s32 $0x4400, v4;
	[tilespmem:s14+$0x13420] =	vst v7;
	v8 =	vld.idx.msk [tilespmem:v32+s10+$0x0], $0xffff  }
0xa1: {  	v35 =	vadd.s32 $0x4400, v2;
	v10 =	vld.idx.msk [tilespmem:v10+s10+$0x0], $0xffff  }
0xa2: {  	v11 =	vadd.s32 $0x4400, v3  }
0xa3: {  	[tilespmem:s14+$0x13640] =	vst v0  }
0xa4: {  	v5 =	vld.idx.msk [tilespmem:v33+s10+$0x0], $0xffff;
	[tilespmem:s14+$0x13650] =	vst v6  }
0xa5: {  	v36 =	vadd.s32 $0x4800, v1;
	[tilespmem:s14+$0x13670] =	vst v8;
	v7 =	vld.idx.msk [tilespmem:v34+s10+$0x0], $0xffff  }
0xa6: {  	v37 =	vadd.s32 $0x4800, v4;
	[tilespmem:s14+$0x13660] =	vst v10;
	v0 =	vld.idx.msk [tilespmem:v35+s10+$0x0], $0xffff  }
0xa7: {  	v39 =	vadd.s32 $0x4800, v2;
	v10 =	vld.idx.msk [tilespmem:v11+s10+$0x0], $0xffff  }
0xa8: {  	v38 =	vadd.s32 $0x4800, v3  }
0xa9: {  	[tilespmem:s14+$0x13880] =	vst v5  }
0xaa: {  	v6 =	vld.idx.msk [tilespmem:v36+s10+$0x0], $0xffff;
	[tilespmem:s14+$0x13890] =	vst v7  }
0xab: {  	v40 =	vadd.s32 $0x4C00, v1;
	[tilespmem:s14+$0x138B0] =	vst v0;
	v41 =	vld.idx.msk [tilespmem:v37+s10+$0x0], $0xffff  }
0xac: {  	v42 =	vadd.s32 $0x4C00, v4;
	[tilespmem:s14+$0x138A0] =	vst v10;
	v0 =	vld.idx.msk [tilespmem:v39+s10+$0x0], $0xffff  }
0xad: {  	v44 =	vadd.s32 $0x4C00, v2;
	v10 =	vld.idx.msk [tilespmem:v38+s10+$0x0], $0xffff  }
0xae: {  	v43 =	vadd.s32 $0x4C00, v3  }
0xaf: {  	[tilespmem:s14+$0x13AC0] =	vst v6  }
0xb0: {  	v6 =	vld.idx.msk [tilespmem:v40+s10+$0x0], $0xffff;
	[tilespmem:s14+$0x13AD0] =	vst v41  }
0xb1: {  	v45 =	vadd.s32 $0x5000, v1;
	[tilespmem:s14+$0x13AF0] =	vst v0;
	v8 =	vld.idx.msk [tilespmem:v42+s10+$0x0], $0xffff  }
0xb2: {  	v46 =	vadd.s32 $0x5000, v4;
	[tilespmem:s14+$0x13AE0] =	vst v10;
	v0 =	vld.idx.msk [tilespmem:v44+s10+$0x0], $0xffff  }
0xb3: {  	v48 =	vadd.s32 $0x5000, v2;
	v10 =	vld.idx.msk [tilespmem:v43+s10+$0x0], $0xffff  }
0xb4: {  	v47 =	vadd.s32 $0x5000, v3  }
0xb5: {  	[tilespmem:s14+$0x13D00] =	vst v6  }
0xb6: {  	v6 =	vld.idx.msk [tilespmem:v45+s10+$0x0], $0xffff;
	[tilespmem:s14+$0x13D10] =	vst v8  }
0xb7: {  	v49 =	vadd.s32 $0x5400, v1;
	[tilespmem:s14+$0x13D30] =	vst v0;
	v8 =	vld.idx.msk [tilespmem:v46+s10+$0x0], $0xffff  }
0xb8: {  	v50 =	vadd.s32 $0x5400, v4;
	[tilespmem:s14+$0x13D20] =	vst v10;
	v0 =	vld.idx.msk [tilespmem:v48+s10+$0x0], $0xffff  }
0xb9: {  	v52 =	vadd.s32 $0x5400, v2;
	v10 =	vld.idx.msk [tilespmem:v47+s10+$0x0], $0xffff  }
0xba: {  	v51 =	vadd.s32 $0x5400, v3  }
0xbb: {  	[tilespmem:s14+$0x13F40] =	vst v6  }
0xbc: {  	v6 =	vld.idx.msk [tilespmem:v49+s10+$0x0], $0xffff;
	[tilespmem:s14+$0x13F50] =	vst v8  }
0xbd: {  	v53 =	vadd.s32 $0x5800, v1;
	[tilespmem:s14+$0x13F70] =	vst v0;
	v8 =	vld.idx.msk [tilespmem:v50+s10+$0x0], $0xffff  }
0xbe: {  	v54 =	vadd.s32 $0x5800, v4;
	[tilespmem:s14+$0x13F60] =	vst v10;
	v0 =	vld.idx.msk [tilespmem:v52+s10+$0x0], $0xffff  }
0xbf: {  	v56 =	vadd.s32 $0x5800, v2;
	v10 =	vld.idx.msk [tilespmem:v51+s10+$0x0], $0xffff  }
0xc0: {  	v55 =	vadd.s32 $0x5800, v3  }
0xc1: {  	[tilespmem:s14+$0x14180] =	vst v6  }
0xc2: {  	v6 =	vld.idx.msk [tilespmem:v53+s10+$0x0], $0xffff;
	[tilespmem:s14+$0x14190] =	vst v8  }
0xc3: {  	v57 =	vadd.s32 $0x5C00, v1;
	[tilespmem:s14+$0x141B0] =	vst v0;
	v8 =	vld.idx.msk [tilespmem:v54+s10+$0x0], $0xffff  }
0xc4: {  	v58 =	vadd.s32 $0x5C00, v4;
	[tilespmem:s14+$0x141A0] =	vst v10;
	v0 =	vld.idx.msk [tilespmem:v56+s10+$0x0], $0xffff  }
0xc5: {  	v60 =	vadd.s32 $0x5C00, v2;
	v10 =	vld.idx.msk [tilespmem:v55+s10+$0x0], $0xffff  }
0xc6: {  	v59 =	vadd.s32 $0x5C00, v3  }
0xc7: {  	[tilespmem:s14+$0x143C0] =	vst v6  }
0xc8: {  	v6 =	vld.idx.msk [tilespmem:v57+s10+$0x0], $0xffff;
	[tilespmem:s14+$0x143D0] =	vst v8  }
0xc9: {  	v61 =	vadd.s32 $0x6000, v1;
	[tilespmem:s14+$0x143F0] =	vst v0;
	v8 =	vld.idx.msk [tilespmem:v58+s10+$0x0], $0xffff  }
0xca: {  	v62 =	vadd.s32 $0x6000, v4;
	[tilespmem:s14+$0x143E0] =	vst v10;
	v0 =	vld.idx.msk [tilespmem:v60+s10+$0x0], $0xffff  }
0xcb: {  	v12 =	vadd.s32 $0x6000, v2;
	v10 =	vld.idx.msk [tilespmem:v59+s10+$0x0], $0xffff  }
0xcc: {  	v63 =	vadd.s32 $0x6000, v3  }
0xcd: {  	[tilespmem:s14+$0x14600] =	vst v6  }
0xce: {  	v6 =	vld.idx.msk [tilespmem:v61+s10+$0x0], $0xffff;
	[tilespmem:s14+$0x14610] =	vst v8  }
0xcf: {  	v13 =	vadd.s32 $0x6400, v1;
	[tilespmem:s14+$0x14630] =	vst v0;
	v8 =	vld.idx.msk [tilespmem:v62+s10+$0x0], $0xffff  }
0xd0: {  	v14 =	vadd.s32 $0x6400, v4;
	[tilespmem:s14+$0x14620] =	vst v10;
	v0 =	vld.idx.msk [tilespmem:v12+s10+$0x0], $0xffff  }
0xd1: {  	v16 =	vadd.s32 $0x6400, v2;
	v10 =	vld.idx.msk [tilespmem:v63+s10+$0x0], $0xffff  }
0xd2: {  	v15 =	vadd.s32 $0x6400, v3  }
0xd3: {  	[tilespmem:s14+$0x14840] =	vst v6  }
0xd4: {  	v6 =	vld.idx.msk [tilespmem:v13+s10+$0x0], $0xffff;
	[tilespmem:s14+$0x14850] =	vst v8  }
0xd5: {  	v17 =	vadd.s32 $0x6800, v1;
	[tilespmem:s14+$0x14870] =	vst v0;
	v8 =	vld.idx.msk [tilespmem:v14+s10+$0x0], $0xffff  }
0xd6: {  	v18 =	vadd.s32 $0x6800, v4;
	[tilespmem:s14+$0x14860] =	vst v10;
	v0 =	vld.idx.msk [tilespmem:v16+s10+$0x0], $0xffff  }
0xd7: {  	v20 =	vadd.s32 $0x6800, v2;
	v10 =	vld.idx.msk [tilespmem:v15+s10+$0x0], $0xffff  }
0xd8: {  	v19 =	vadd.s32 $0x6800, v3  }
0xd9: {  	[tilespmem:s14+$0x14A80] =	vst v6  }
0xda: {  	v6 =	vld.idx.msk [tilespmem:v17+s10+$0x0], $0xffff;
	[tilespmem:s14+$0x14A90] =	vst v8  }
0xdb: {  	v21 =	vadd.s32 $0x6C00, v1;
	[tilespmem:s14+$0x14AB0] =	vst v0;
	v8 =	vld.idx.msk [tilespmem:v18+s10+$0x0], $0xffff  }
0xdc: {  	v22 =	vadd.s32 $0x6C00, v4;
	[tilespmem:s14+$0x14AA0] =	vst v10;
	v0 =	vld.idx.msk [tilespmem:v20+s10+$0x0], $0xffff  }
0xdd: {  	v24 =	vadd.s32 $0x6C00, v2;
	v10 =	vld.idx.msk [tilespmem:v19+s10+$0x0], $0xffff  }
0xde: {  	v23 =	vadd.s32 $0x6C00, v3  }
0xdf: {  	[tilespmem:s14+$0x14CC0] =	vst v6  }
0xe0: {  	v6 =	vld.idx.msk [tilespmem:v21+s10+$0x0], $0xffff;
	[tilespmem:s14+$0x14CD0] =	vst v8  }
0xe1: {  	v25 =	vadd.s32 $0x7000, v1;
	[tilespmem:s14+$0x14CF0] =	vst v0;
	v8 =	vld.idx.msk [tilespmem:v22+s10+$0x0], $0xffff  }
0xe2: {  	v26 =	vadd.s32 $0x7000, v4;
	[tilespmem:s14+$0x14CE0] =	vst v10;
	v0 =	vld.idx.msk [tilespmem:v24+s10+$0x0], $0xffff  }
0xe3: {  	v28 =	vadd.s32 $0x7000, v2;
	v10 =	vld.idx.msk [tilespmem:v23+s10+$0x0], $0xffff  }
0xe4: {  	v27 =	vadd.s32 $0x7000, v3  }
0xe5: {  	[tilespmem:s14+$0x14F00] =	vst v6  }
0xe6: {  	v6 =	vld.idx.msk [tilespmem:v25+s10+$0x0], $0xffff;
	[tilespmem:s14+$0x14F10] =	vst v8  }
0xe7: {  	v29 =	vadd.s32 $0x7400, v1;
	[tilespmem:s14+$0x14F30] =	vst v0;
	v8 =	vld.idx.msk [tilespmem:v26+s10+$0x0], $0xffff  }
0xe8: {  	v30 =	vadd.s32 $0x7400, v4;
	[tilespmem:s14+$0x14F20] =	vst v10;
	v0 =	vld.idx.msk [tilespmem:v28+s10+$0x0], $0xffff  }
0xe9: {  	v32 =	vadd.s32 $0x7400, v2;
	v10 =	vld.idx.msk [tilespmem:v27+s10+$0x0], $0xffff  }
0xea: {  	v31 =	vadd.s32 $0x7400, v3  }
0xeb: {  	[tilespmem:s14+$0x15140] =	vst v6  }
0xec: {  	v6 =	vld.idx.msk [tilespmem:v29+s10+$0x0], $0xffff;
	[tilespmem:s14+$0x15150] =	vst v8  }
0xed: {  	v33 =	vadd.s32 $0x7800, v1;
	[tilespmem:s14+$0x15170] =	vst v0;
	v8 =	vld.idx.msk [tilespmem:v30+s10+$0x0], $0xffff  }
0xee: {  	v34 =	vadd.s32 $0x7800, v4;
	[tilespmem:s14+$0x15160] =	vst v10;
	v0 =	vld.idx.msk [tilespmem:v32+s10+$0x0], $0xffff  }
0xef: {  	v36 =	vadd.s32 $0x7800, v2;
	v10 =	vld.idx.msk [tilespmem:v31+s10+$0x0], $0xffff  }
0xf0: {  	v35 =	vadd.s32 $0x7800, v3  }
0xf1: {  	[tilespmem:s14+$0x15380] =	vst v6  }
0xf2: {  	v6 =	vld.idx.msk [tilespmem:v33+s10+$0x0], $0xffff;
	[tilespmem:s14+$0x15390] =	vst v8  }
0xf3: {  	v37 =	vadd.s32 $0x7C00, v1;
	[tilespmem:s14+$0x153B0] =	vst v0;
	v8 =	vld.idx.msk [tilespmem:v34+s10+$0x0], $0xffff  }
0xf4: {  	v38 =	vadd.s32 $0x7C00, v4;
	[tilespmem:s14+$0x153A0] =	vst v10;
	v0 =	vld.idx.msk [tilespmem:v36+s10+$0x0], $0xffff  }
0xf5: {  	v40 =	vadd.s32 $0x7C00, v2;
	v10 =	vld.idx.msk [tilespmem:v35+s10+$0x0], $0xffff  }
0xf6: {  	v39 =	vadd.s32 $0x7C00, v3  }
0xf7: {  	[tilespmem:s14+$0x155C0] =	vst v6  }
0xf8: {  	v6 =	vld.idx.msk [tilespmem:v37+s10+$0x0], $0xffff;
	[tilespmem:s14+$0x155D0] =	vst v8  }
0xf9: {  	v41 =	vadd.s32 $0x8000, v1;
	[tilespmem:s14+$0x155F0] =	vst v0;
	v8 =	vld.idx.msk [tilespmem:v38+s10+$0x0], $0xffff  }
0xfa: {  	v42 =	vadd.s32 $0x8000, v4;
	[tilespmem:s14+$0x155E0] =	vst v10;
	v0 =	vld.idx.msk [tilespmem:v40+s10+$0x0], $0xffff  }
0xfb: {  	v44 =	vadd.s32 $0x8000, v2;
	v10 =	vld.idx.msk [tilespmem:v39+s10+$0x0], $0xffff  }
0xfc: {  	v43 =	vadd.s32 $0x8000, v3  }
0xfd: {  	[tilespmem:s14+$0x15800] =	vst v6  }
0xfe: {  	v6 =	vld.idx.msk [tilespmem:v41+s10+$0x0], $0xffff;
	[tilespmem:s14+$0x15810] =	vst v8  }
0xff: {  	v45 =	vadd.s32 $0x8400, v1;
	[tilespmem:s14+$0x15830] =	vst v0;
	v8 =	vld.idx.msk [tilespmem:v42+s10+$0x0], $0xffff  }
0x100: {  	v46 =	vadd.s32 $0x8400, v4;
	[tilespmem:s14+$0x15820] =	vst v10;
	v0 =	vld.idx.msk [tilespmem:v44+s10+$0x0], $0xffff  }
0x101: {  	v48 =	vadd.s32 $0x8400, v2;
	v10 =	vld.idx.msk [tilespmem:v43+s10+$0x0], $0xffff  }
0x102: {  	v47 =	vadd.s32 $0x8400, v3  }
0x103: {  	[tilespmem:s14+$0x15A40] =	vst v6  }
0x104: {  	v6 =	vld.idx.msk [tilespmem:v45+s10+$0x0], $0xffff;
	[tilespmem:s14+$0x15A50] =	vst v8  }
0x105: {  	v49 =	vadd.s32 $0x8800, v1;
	[tilespmem:s14+$0x15A70] =	vst v0;
	v8 =	vld.idx.msk [tilespmem:v46+s10+$0x0], $0xffff  }
0x106: {  	v50 =	vadd.s32 $0x8800, v4;
	[tilespmem:s14+$0x15A60] =	vst v10;
	v0 =	vld.idx.msk [tilespmem:v48+s10+$0x0], $0xffff  }
0x107: {  	v52 =	vadd.s32 $0x8800, v2;
	v10 =	vld.idx.msk [tilespmem:v47+s10+$0x0], $0xffff  }
0x108: {  	v51 =	vadd.s32 $0x8800, v3  }
0x109: {  	[tilespmem:s14+$0x15C80] =	vst v6  }
0x10a: {  	v6 =	vld.idx.msk [tilespmem:v49+s10+$0x0], $0xffff;
	[tilespmem:s14+$0x15C90] =	vst v8  }
0x10b: {  	v53 =	vadd.s32 $0x8C00, v1;
	[tilespmem:s14+$0x15CB0] =	vst v0;
	v8 =	vld.idx.msk [tilespmem:v50+s10+$0x0], $0xffff  }
0x10c: {  	v54 =	vadd.s32 $0x8C00, v4;
	[tilespmem:s14+$0x15CA0] =	vst v10;
	v0 =	vld.idx.msk [tilespmem:v52+s10+$0x0], $0xffff  }
0x10d: {  	v56 =	vadd.s32 $0x8C00, v2;
	v10 =	vld.idx.msk [tilespmem:v51+s10+$0x0], $0xffff  }
0x10e: {  	v55 =	vadd.s32 $0x8C00, v3  }
0x10f: {  	[tilespmem:s14+$0x15EC0] =	vst v6  }
0x110: {  	v6 =	vld.idx.msk [tilespmem:v53+s10+$0x0], $0xffff;
	[tilespmem:s14+$0x15ED0] =	vst v8  }
0x111: {  	v57 =	vadd.s32 $0x9000, v1;
	[tilespmem:s14+$0x15EF0] =	vst v0;
	v8 =	vld.idx.msk [tilespmem:v54+s10+$0x0], $0xffff  }
0x112: {  	v58 =	vadd.s32 $0x9000, v4;
	[tilespmem:s14+$0x15EE0] =	vst v10;
	v0 =	vld.idx.msk [tilespmem:v56+s10+$0x0], $0xffff  }
0x113: {  	v60 =	vadd.s32 $0x9000, v2;
	v10 =	vld.idx.msk [tilespmem:v55+s10+$0x0], $0xffff  }
0x114: {  	v59 =	vadd.s32 $0x9000, v3  }
0x115: {  	[tilespmem:s14+$0x16100] =	vst v6  }
0x116: {  	v6 =	vld.idx.msk [tilespmem:v57+s10+$0x0], $0xffff;
	[tilespmem:s14+$0x16110] =	vst v8  }
0x117: {  	v61 =	vadd.s32 $0x9400, v1;
	[tilespmem:s14+$0x16130] =	vst v0;
	v8 =	vld.idx.msk [tilespmem:v58+s10+$0x0], $0xffff  }
0x118: {  	v62 =	vadd.s32 $0x9400, v4;
	[tilespmem:s14+$0x16120] =	vst v10;
	v0 =	vld.idx.msk [tilespmem:v60+s10+$0x0], $0xffff  }
0x119: {  	v12 =	vadd.s32 $0x9400, v2;
	v10 =	vld.idx.msk [tilespmem:v59+s10+$0x0], $0xffff  }
0x11a: {  	v63 =	vadd.s32 $0x9400, v3  }
0x11b: {  	[tilespmem:s14+$0x16340] =	vst v6  }
0x11c: {  	v6 =	vld.idx.msk [tilespmem:v61+s10+$0x0], $0xffff;
	[tilespmem:s14+$0x16350] =	vst v8  }
0x11d: {  	v13 =	vadd.s32 $0x9800, v1;
	[tilespmem:s14+$0x16370] =	vst v0;
	v8 =	vld.idx.msk [tilespmem:v62+s10+$0x0], $0xffff  }
0x11e: {  	v14 =	vadd.s32 $0x9800, v4;
	[tilespmem:s14+$0x16360] =	vst v10;
	v0 =	vld.idx.msk [tilespmem:v12+s10+$0x0], $0xffff  }
0x11f: {  	v16 =	vadd.s32 $0x9800, v2;
	v10 =	vld.idx.msk [tilespmem:v63+s10+$0x0], $0xffff  }
0x120: {  	v15 =	vadd.s32 $0x9800, v3  }
0x121: {  	[tilespmem:s14+$0x16580] =	vst v6  }
0x122: {  	v6 =	vld.idx.msk [tilespmem:v13+s10+$0x0], $0xffff;
	[tilespmem:s14+$0x16590] =	vst v8  }
0x123: {  	v17 =	vadd.s32 $0x9C00, v1;
	[tilespmem:s14+$0x165B0] =	vst v0;
	v8 =	vld.idx.msk [tilespmem:v14+s10+$0x0], $0xffff  }
0x124: {  	v18 =	vadd.s32 $0x9C00, v4;
	[tilespmem:s14+$0x165A0] =	vst v10;
	v0 =	vld.idx.msk [tilespmem:v16+s10+$0x0], $0xffff  }
0x125: {  	v20 =	vadd.s32 $0x9C00, v2;
	v10 =	vld.idx.msk [tilespmem:v15+s10+$0x0], $0xffff  }
0x126: {  	v19 =	vadd.s32 $0x9C00, v3  }
0x127: {  	[tilespmem:s14+$0x167C0] =	vst v6  }
0x128: {  	v6 =	vld.idx.msk [tilespmem:v17+s10+$0x0], $0xffff;
	[tilespmem:s14+$0x167D0] =	vst v8  }
0x129: {  	v21 =	vadd.s32 $0xA000, v1;
	[tilespmem:s14+$0x167F0] =	vst v0;
	v8 =	vld.idx.msk [tilespmem:v18+s10+$0x0], $0xffff  }
0x12a: {  	v22 =	vadd.s32 $0xA000, v4;
	[tilespmem:s14+$0x167E0] =	vst v10;
	v0 =	vld.idx.msk [tilespmem:v20+s10+$0x0], $0xffff  }
0x12b: {  	v24 =	vadd.s32 $0xA000, v2;
	v10 =	vld.idx.msk [tilespmem:v19+s10+$0x0], $0xffff  }
0x12c: {  	v23 =	vadd.s32 $0xA000, v3  }
0x12d: {  	[tilespmem:s14+$0x16A00] =	vst v6  }
0x12e: {  	v6 =	vld.idx.msk [tilespmem:v21+s10+$0x0], $0xffff;
	[tilespmem:s14+$0x16A10] =	vst v8  }
0x12f: {  	v25 =	vadd.s32 $0xA400, v1;
	[tilespmem:s14+$0x16A30] =	vst v0;
	v8 =	vld.idx.msk [tilespmem:v22+s10+$0x0], $0xffff  }
0x130: {  	v26 =	vadd.s32 $0xA400, v4;
	[tilespmem:s14+$0x16A20] =	vst v10;
	v0 =	vld.idx.msk [tilespmem:v24+s10+$0x0], $0xffff  }
0x131: {  	v28 =	vadd.s32 $0xA400, v2;
	v10 =	vld.idx.msk [tilespmem:v23+s10+$0x0], $0xffff  }
0x132: {  	v27 =	vadd.s32 $0xA400, v3  }
0x133: {  	[tilespmem:s14+$0x16C40] =	vst v6  }
0x134: {  	v6 =	vld.idx.msk [tilespmem:v25+s10+$0x0], $0xffff;
	[tilespmem:s14+$0x16C50] =	vst v8  }
0x135: {  	v29 =	vadd.s32 $0xA800, v1;
	[tilespmem:s14+$0x16C70] =	vst v0;
	v8 =	vld.idx.msk [tilespmem:v26+s10+$0x0], $0xffff  }
0x136: {  	v30 =	vadd.s32 $0xA800, v4;
	[tilespmem:s14+$0x16C60] =	vst v10;
	v0 =	vld.idx.msk [tilespmem:v28+s10+$0x0], $0xffff  }
0x137: {  	v32 =	vadd.s32 $0xA800, v2;
	v10 =	vld.idx.msk [tilespmem:v27+s10+$0x0], $0xffff  }
0x138: {  	v31 =	vadd.s32 $0xA800, v3  }
0x139: {  	[tilespmem:s14+$0x16E80] =	vst v6  }
0x13a: {  	v6 =	vld.idx.msk [tilespmem:v29+s10+$0x0], $0xffff;
	[tilespmem:s14+$0x16E90] =	vst v8  }
0x13b: {  	v33 =	vadd.s32 $0xAC00, v1;
	[tilespmem:s14+$0x16EB0] =	vst v0;
	v8 =	vld.idx.msk [tilespmem:v30+s10+$0x0], $0xffff  }
0x13c: {  	v34 =	vadd.s32 $0xAC00, v4;
	[tilespmem:s14+$0x16EA0] =	vst v10;
	v0 =	vld.idx.msk [tilespmem:v32+s10+$0x0], $0xffff  }
0x13d: {  	v36 =	vadd.s32 $0xAC00, v2;
	v10 =	vld.idx.msk [tilespmem:v31+s10+$0x0], $0xffff  }
0x13e: {  	v35 =	vadd.s32 $0xAC00, v3  }
0x13f: {  	[tilespmem:s14+$0x170C0] =	vst v6  }
0x140: {  	v6 =	vld.idx.msk [tilespmem:v33+s10+$0x0], $0xffff;
	[tilespmem:s14+$0x170D0] =	vst v8  }
0x141: {  	v37 =	vadd.s32 $0xB000, v1;
	[tilespmem:s14+$0x170F0] =	vst v0;
	v8 =	vld.idx.msk [tilespmem:v34+s10+$0x0], $0xffff  }
0x142: {  	v38 =	vadd.s32 $0xB000, v4;
	[tilespmem:s14+$0x170E0] =	vst v10;
	v0 =	vld.idx.msk [tilespmem:v36+s10+$0x0], $0xffff  }
0x143: {  	v40 =	vadd.s32 $0xB000, v2;
	v10 =	vld.idx.msk [tilespmem:v35+s10+$0x0], $0xffff  }
0x144: {  	v39 =	vadd.s32 $0xB000, v3  }
0x145: {  	[tilespmem:s14+$0x17300] =	vst v6  }
0x146: {  	v6 =	vld.idx.msk [tilespmem:v37+s10+$0x0], $0xffff;
	[tilespmem:s14+$0x17310] =	vst v8  }
0x147: {  	v41 =	vadd.s32 $0xB400, v1;
	[tilespmem:s14+$0x17330] =	vst v0;
	v8 =	vld.idx.msk [tilespmem:v38+s10+$0x0], $0xffff  }
0x148: {  	v42 =	vadd.s32 $0xB400, v4;
	[tilespmem:s14+$0x17320] =	vst v10;
	v0 =	vld.idx.msk [tilespmem:v40+s10+$0x0], $0xffff  }
0x149: {  	v44 =	vadd.s32 $0xB400, v2;
	v10 =	vld.idx.msk [tilespmem:v39+s10+$0x0], $0xffff  }
0x14a: {  	v43 =	vadd.s32 $0xB400, v3  }
0x14b: {  	[tilespmem:s14+$0x17540] =	vst v6  }
0x14c: {  	v6 =	vld.idx.msk [tilespmem:v41+s10+$0x0], $0xffff;
	[tilespmem:s14+$0x17550] =	vst v8  }
0x14d: {  	v45 =	vadd.s32 $0xB800, v1;
	[tilespmem:s14+$0x17570] =	vst v0;
	v8 =	vld.idx.msk [tilespmem:v42+s10+$0x0], $0xffff  }
0x14e: {  	v46 =	vadd.s32 $0xB800, v4;
	[tilespmem:s14+$0x17560] =	vst v10;
	v0 =	vld.idx.msk [tilespmem:v44+s10+$0x0], $0xffff  }
0x14f: {  	v48 =	vadd.s32 $0xB800, v2;
	v10 =	vld.idx.msk [tilespmem:v43+s10+$0x0], $0xffff  }
0x150: {  	v47 =	vadd.s32 $0xB800, v3  }
0x151: {  	[tilespmem:s14+$0x17780] =	vst v6  }
0x152: {  	v6 =	vld.idx.msk [tilespmem:v45+s10+$0x0], $0xffff;
	[tilespmem:s14+$0x17790] =	vst v8  }
0x153: {  	v49 =	vadd.s32 $0xBC00, v1;
	[tilespmem:s14+$0x177B0] =	vst v0;
	v8 =	vld.idx.msk [tilespmem:v46+s10+$0x0], $0xffff  }
0x154: {  	v50 =	vadd.s32 $0xBC00, v4;
	[tilespmem:s14+$0x177A0] =	vst v10;
	v0 =	vld.idx.msk [tilespmem:v48+s10+$0x0], $0xffff  }
0x155: {  	v52 =	vadd.s32 $0xBC00, v2;
	v10 =	vld.idx.msk [tilespmem:v47+s10+$0x0], $0xffff  }
0x156: {  	v51 =	vadd.s32 $0xBC00, v3  }
0x157: {  	[tilespmem:s14+$0x179C0] =	vst v6  }
0x158: {  	v6 =	vld.idx.msk [tilespmem:v49+s10+$0x0], $0xffff;
	[tilespmem:s14+$0x179D0] =	vst v8  }
0x159: {  	v53 =	vadd.s32 $0xC000, v1;
	[tilespmem:s14+$0x179F0] =	vst v0;
	v8 =	vld.idx.msk [tilespmem:v50+s10+$0x0], $0xffff  }
0x15a: {  	v54 =	vadd.s32 $0xC000, v4;
	[tilespmem:s14+$0x179E0] =	vst v10;
	v0 =	vld.idx.msk [tilespmem:v52+s10+$0x0], $0xffff  }
0x15b: {  	v56 =	vadd.s32 $0xC000, v2;
	v10 =	vld.idx.msk [tilespmem:v51+s10+$0x0], $0xffff  }
0x15c: {  	v55 =	vadd.s32 $0xC000, v3  }
0x15d: {  	[tilespmem:s14+$0x17C00] =	vst v6  }
0x15e: {  	v6 =	vld.idx.msk [tilespmem:v53+s10+$0x0], $0xffff;
	[tilespmem:s14+$0x17C10] =	vst v8  }
0x15f: {  	v57 =	vadd.s32 $0xC400, v1;
	[tilespmem:s14+$0x17C30] =	vst v0;
	v8 =	vld.idx.msk [tilespmem:v54+s10+$0x0], $0xffff  }
0x160: {  	v58 =	vadd.s32 $0xC400, v4;
	[tilespmem:s14+$0x17C20] =	vst v10;
	v0 =	vld.idx.msk [tilespmem:v56+s10+$0x0], $0xffff  }
0x161: {  	v60 =	vadd.s32 $0xC400, v2;
	v10 =	vld.idx.msk [tilespmem:v55+s10+$0x0], $0xffff  }
0x162: {  	v59 =	vadd.s32 $0xC400, v3  }
0x163: {  	[tilespmem:s14+$0x17E40] =	vst v6  }
0x164: {  	v6 =	vld.idx.msk [tilespmem:v57+s10+$0x0], $0xffff;
	[tilespmem:s14+$0x17E50] =	vst v8  }
0x165: {  	v61 =	vadd.s32 $0xC800, v1;
	[tilespmem:s14+$0x17E70] =	vst v0;
	v8 =	vld.idx.msk [tilespmem:v58+s10+$0x0], $0xffff  }
0x166: {  	v62 =	vadd.s32 $0xC800, v4;
	[tilespmem:s14+$0x17E60] =	vst v10;
	v0 =	vld.idx.msk [tilespmem:v60+s10+$0x0], $0xffff  }
0x167: {  	v12 =	vadd.s32 $0xC800, v2;
	v10 =	vld.idx.msk [tilespmem:v59+s10+$0x0], $0xffff  }
0x168: {  	v63 =	vadd.s32 $0xC800, v3  }
0x169: {  	[tilespmem:s14+$0x18080] =	vst v6  }
0x16a: {  	v6 =	vld.idx.msk [tilespmem:v61+s10+$0x0], $0xffff;
	[tilespmem:s14+$0x18090] =	vst v8  }
0x16b: {  	v13 =	vadd.s32 $0xCC00, v1;
	[tilespmem:s14+$0x180B0] =	vst v0;
	v8 =	vld.idx.msk [tilespmem:v62+s10+$0x0], $0xffff  }
0x16c: {  	v14 =	vadd.s32 $0xCC00, v4;
	[tilespmem:s14+$0x180A0] =	vst v10;
	v0 =	vld.idx.msk [tilespmem:v12+s10+$0x0], $0xffff  }
0x16d: {  	v16 =	vadd.s32 $0xCC00, v2;
	v10 =	vld.idx.msk [tilespmem:v63+s10+$0x0], $0xffff  }
0x16e: {  	v15 =	vadd.s32 $0xCC00, v3  }
0x16f: {  	[tilespmem:s14+$0x182C0] =	vst v6  }
0x170: {  	v6 =	vld.idx.msk [tilespmem:v13+s10+$0x0], $0xffff;
	[tilespmem:s14+$0x182D0] =	vst v8  }
0x171: {  	v17 =	vadd.s32 $0xD000, v1;
	[tilespmem:s14+$0x182F0] =	vst v0;
	v8 =	vld.idx.msk [tilespmem:v14+s10+$0x0], $0xffff  }
0x172: {  	v18 =	vadd.s32 $0xD000, v4;
	[tilespmem:s14+$0x182E0] =	vst v10;
	v0 =	vld.idx.msk [tilespmem:v16+s10+$0x0], $0xffff  }
0x173: {  	v20 =	vadd.s32 $0xD000, v2;
	v10 =	vld.idx.msk [tilespmem:v15+s10+$0x0], $0xffff  }
0x174: {  	v19 =	vadd.s32 $0xD000, v3  }
0x175: {  	[tilespmem:s14+$0x18500] =	vst v6  }
0x176: {  	v6 =	vld.idx.msk [tilespmem:v17+s10+$0x0], $0xffff;
	[tilespmem:s14+$0x18510] =	vst v8  }
0x177: {  	v21 =	vadd.s32 $0xD400, v1;
	[tilespmem:s14+$0x18530] =	vst v0;
	v8 =	vld.idx.msk [tilespmem:v18+s10+$0x0], $0xffff  }
0x178: {  	v22 =	vadd.s32 $0xD400, v4;
	[tilespmem:s14+$0x18520] =	vst v10;
	v0 =	vld.idx.msk [tilespmem:v20+s10+$0x0], $0xffff  }
0x179: {  	v24 =	vadd.s32 $0xD400, v2;
	v10 =	vld.idx.msk [tilespmem:v19+s10+$0x0], $0xffff  }
0x17a: {  	v23 =	vadd.s32 $0xD400, v3  }
0x17b: {  	[tilespmem:s14+$0x18740] =	vst v6  }
0x17c: {  	v6 =	vld.idx.msk [tilespmem:v21+s10+$0x0], $0xffff;
	[tilespmem:s14+$0x18750] =	vst v8  }
0x17d: {  	v25 =	vadd.s32 $0xD800, v1;
	[tilespmem:s14+$0x18770] =	vst v0;
	v8 =	vld.idx.msk [tilespmem:v22+s10+$0x0], $0xffff  }
0x17e: {  	v26 =	vadd.s32 $0xD800, v4;
	[tilespmem:s14+$0x18760] =	vst v10;
	v0 =	vld.idx.msk [tilespmem:v24+s10+$0x0], $0xffff  }
0x17f: {  	v28 =	vadd.s32 $0xD800, v2;
	v10 =	vld.idx.msk [tilespmem:v23+s10+$0x0], $0xffff  }
0x180: {  	v27 =	vadd.s32 $0xD800, v3  }
0x181: {  	[tilespmem:s14+$0x18980] =	vst v6  }
0x182: {  	v6 =	vld.idx.msk [tilespmem:v25+s10+$0x0], $0xffff;
	[tilespmem:s14+$0x18990] =	vst v8  }
0x183: {  	v29 =	vadd.s32 $0xDC00, v1;
	[tilespmem:s14+$0x189B0] =	vst v0;
	v8 =	vld.idx.msk [tilespmem:v26+s10+$0x0], $0xffff  }
0x184: {  	[tilespmem:s14+$0x189A0] =	vst v10;
	v0 =	vld.idx.msk [tilespmem:v28+s10+$0x0], $0xffff  }
0x185: {  	v30 =	vadd.s32 $0xDC00, v4;
	v10 =	vld.idx.msk [tilespmem:v27+s10+$0x0], $0xffff  }
0x186: {  	v31 =	vadd.s32 $0xDC00, v3  }
0x187: {  	v32 =	vadd.s32 $0xDC00, v2;
	[tilespmem:s14+$0x18BC0] =	vst v6  }
0x188: {  	v6 =	vld.idx.msk [tilespmem:v29+s10+$0x0], $0xffff;
	[tilespmem:s14+$0x18BD0] =	vst v8  }
0x189: {  	[tilespmem:s14+$0x18BF0] =	vst v0;
	v0 =	vld [tilespmem:s14+$0x11040]  }
0x18a: {  	v34 =	vadd.s32 $0xE000, v1;
	[tilespmem:s14+$0x18BE0] =	vst v10;
	v33 =	vld.idx.msk [tilespmem:v30+s10+$0x0], $0xffff  }
0x18b: {  	v36 =	vadd.s32 $0xE000, v4;
	v35 =	vld.idx.msk [tilespmem:v31+s10+$0x0], $0xffff  }
0x18c: {  	v37 =	vadd.s32 $0xE000, v3;
	v5 =	vld.idx.msk [tilespmem:v32+s10+$0x0], $0xffff  }
0x18d: {  	v12 =	vadd.s32 $0xE000, v2  }
0x18e: {  	[tilespmem:s14+$0x18E00] =	vst v6  }
0x18f: {  	v6 =	vld.idx.msk [tilespmem:v34+s10+$0x0], $0xffff;
	[tilespmem:s14+$0x18E10] =	vst v33  }
0x190: {  	v38 =	vadd.s32 $0xE400, v1;
	[tilespmem:s14+$0x18E20] =	vst v35;
	v39 =	vld.idx.msk [tilespmem:v36+s10+$0x0], $0xffff  }
0x191: {  	v40 =	vadd.s32 $0xE400, v4;
	[tilespmem:s14+$0x18E30] =	vst v5;
	v41 =	vld.idx.msk [tilespmem:v37+s10+$0x0], $0xffff  }
0x192: {  	v42 =	vadd.s32 $0xE400, v3;
	v43 =	vld.idx.msk [tilespmem:v12+s10+$0x0], $0xffff  }
0x193: {  	v44 =	vadd.s32 $0xE400, v2;
	v13 =	vld.idx.msk [tilespmem:v0+s10+$0x0], $0xffff  }
0x194: {  	[tilespmem:s14+$0x19040] =	vst v6;
	v45 =	vadd.s32 $0x400, v0  }
0x195: {  	v7 =	vld.idx.msk [tilespmem:v38+s10+$0x0], $0xffff;
	[tilespmem:s14+$0x19050] =	vst v39  }
0x196: {  	v46 =	vadd.s32 $0xE800, v1;
	[tilespmem:s14+$0x19060] =	vst v41;
	v9 =	vld.idx.msk [tilespmem:v40+s10+$0x0], $0xffff  }
0x197: {  	v47 =	vadd.s32 $0xE800, v4;
	[tilespmem:s14+$0x19070] =	vst v43;
	v5 =	vld.idx.msk [tilespmem:v42+s10+$0x0], $0xffff  }
0x198: {  	v48 =	vadd.s32 $0xE800, v3;
	v12 =	vld.idx.msk [tilespmem:v44+s10+$0x0], $0xffff;
	[tilespmem:s14+$0x11280] =	vst v13  }
0x199: {  	v49 =	vadd.s32 $0xE800, v2;
	v6 =	vld.idx.msk [tilespmem:v45+s10+$0x0], $0xffff  }
0x19a: {  	v50 =	vadd.s32 $0x800, v0;
	[tilespmem:s14+$0x19280] =	vst v7  }
0x19b: {  	v8 =	vld.idx.msk [tilespmem:v46+s10+$0x0], $0xffff;
	[tilespmem:s14+$0x19290] =	vst v9  }
0x19c: {  	v51 =	vadd.s32 $0xEC00, v1;
	[tilespmem:s14+$0x192A0] =	vst v5;
	v10 =	vld.idx.msk [tilespmem:v47+s10+$0x0], $0xffff  }
0x19d: {  	v52 =	vadd.s32 $0xEC00, v4;
	[tilespmem:s14+$0x192B0] =	vst v12;
	v11 =	vld.idx.msk [tilespmem:v48+s10+$0x0], $0xffff  }
0x19e: {  	v53 =	vadd.s32 $0xEC00, v3;
	v13 =	vld.idx.msk [tilespmem:v49+s10+$0x0], $0xffff;
	[tilespmem:s14+$0x114C0] =	vst v6  }
0x19f: {  	v54 =	vadd.s32 $0xEC00, v2;
	v7 =	vld.idx.msk [tilespmem:v50+s10+$0x0], $0xffff  }
0x1a0: {  	v55 =	vadd.s32 $0xC00, v0;
	[tilespmem:s14+$0x194C0] =	vst v8  }
0x1a1: {  	v9 =	vld.idx.msk [tilespmem:v51+s10+$0x0], $0xffff;
	[tilespmem:s14+$0x194D0] =	vst v10  }
0x1a2: {  	v56 =	vadd.s32 $0xF000, v1;
	[tilespmem:s14+$0x194E0] =	vst v11;
	v5 =	vld.idx.msk [tilespmem:v52+s10+$0x0], $0xffff  }
0x1a3: {  	v57 =	vadd.s32 $0xF000, v4;
	[tilespmem:s14+$0x194F0] =	vst v13;
	v12 =	vld.idx.msk [tilespmem:v53+s10+$0x0], $0xffff  }
0x1a4: {  	v58 =	vadd.s32 $0xF000, v3;
	v6 =	vld.idx.msk [tilespmem:v54+s10+$0x0], $0xffff;
	[tilespmem:s14+$0x11700] =	vst v7  }
0x1a5: {  	v59 =	vadd.s32 $0xF000, v2;
	v8 =	vld.idx.msk [tilespmem:v55+s10+$0x0], $0xffff  }
0x1a6: {  	v60 =	vadd.s32 $0x1000, v0;
	[tilespmem:s14+$0x19700] =	vst v9  }
0x1a7: {  	v10 =	vld.idx.msk [tilespmem:v56+s10+$0x0], $0xffff;
	[tilespmem:s14+$0x19710] =	vst v5  }
0x1a8: {  	v61 =	vadd.s32 $0xF400, v1;
	[tilespmem:s14+$0x19720] =	vst v12;
	v11 =	vld.idx.msk [tilespmem:v57+s10+$0x0], $0xffff  }
0x1a9: {  	v62 =	vadd.s32 $0xF400, v4;
	[tilespmem:s14+$0x19730] =	vst v6;
	v13 =	vld.idx.msk [tilespmem:v58+s10+$0x0], $0xffff  }
0x1aa: {  	v63 =	vadd.s32 $0xF400, v3;
	v7 =	vld.idx.msk [tilespmem:v59+s10+$0x0], $0xffff;
	[tilespmem:s14+$0x11940] =	vst v8  }
0x1ab: {  	v16 =	vadd.s32 $0xF400, v2;
	v9 =	vld.idx.msk [tilespmem:v60+s10+$0x0], $0xffff  }
0x1ac: {  	v17 =	vadd.s32 $0x1400, v0;
	[tilespmem:s14+$0x19940] =	vst v10  }
0x1ad: {  	v5 =	vld.idx.msk [tilespmem:v61+s10+$0x0], $0xffff;
	[tilespmem:s14+$0x19950] =	vst v11  }
0x1ae: {  	v18 =	vadd.s32 $0xF800, v1;
	[tilespmem:s14+$0x19960] =	vst v13;
	v12 =	vld.idx.msk [tilespmem:v62+s10+$0x0], $0xffff  }
0x1af: {  	v19 =	vadd.s32 $0xF800, v4;
	[tilespmem:s14+$0x19970] =	vst v7;
	v6 =	vld.idx.msk [tilespmem:v63+s10+$0x0], $0xffff  }
0x1b0: {  	v20 =	vadd.s32 $0xF800, v3;
	v8 =	vld.idx.msk [tilespmem:v16+s10+$0x0], $0xffff;
	[tilespmem:s14+$0x11B80] =	vst v9  }
0x1b1: {  	v21 =	vadd.s32 $0xF800, v2;
	v10 =	vld.idx.msk [tilespmem:v17+s10+$0x0], $0xffff  }
0x1b2: {  	v22 =	vadd.s32 $0x1800, v0;
	[tilespmem:s14+$0x19B80] =	vst v5  }
0x1b3: {  	v11 =	vld.idx.msk [tilespmem:v18+s10+$0x0], $0xffff;
	[tilespmem:s14+$0x19B90] =	vst v12  }
0x1b4: {  	v1 =	vadd.s32 $0xFC00, v1;
	[tilespmem:s14+$0x19BA0] =	vst v6;
	v23 =	vld.idx.msk [tilespmem:v19+s10+$0x0], $0xffff  }
0x1b5: {  	v4 =	vadd.s32 $0xFC00, v4;
	[tilespmem:s14+$0x19BB0] =	vst v8;
	v7 =	vld.idx.msk [tilespmem:v20+s10+$0x0], $0xffff  }
0x1b6: {  	v3 =	vadd.s32 $0xFC00, v3;
	v8 =	vld.idx.msk [tilespmem:v21+s10+$0x0], $0xffff;
	[tilespmem:s14+$0x11DC0] =	vst v10  }
0x1b7: {  	v2 =	vadd.s32 $0xFC00, v2;
	v5 =	vld.idx.msk [tilespmem:v22+s10+$0x0], $0xffff  }
0x1b8: {  	v24 =	vadd.s32 $0x1C00, v0;
	[tilespmem:s14+$0x19DC0] =	vst v11  }
0x1b9: {  	v1 =	vld.idx.msk [tilespmem:v1+s10+$0x0], $0xffff;
	[tilespmem:s14+$0x19DD0] =	vst v23  }
0x1ba: {  	[tilespmem:s14+$0x19DE0] =	vst v7;
	v4 =	vld.idx.msk [tilespmem:v4+s10+$0x0], $0xffff  }
0x1bb: {  	[tilespmem:s14+$0x19DF0] =	vst v8;
	v3 =	vld.idx.msk [tilespmem:v3+s10+$0x0], $0xffff  }
0x1bc: {  	v2 =	vld.idx.msk [tilespmem:v2+s10+$0x0], $0xffff;
	[tilespmem:s14+$0x12000] =	vst v5  }
0x1bd: {  	v5 =	vld.idx.msk [tilespmem:v24+s10+$0x0], $0xffff  }
0x1be: {  	[tilespmem:s14+$0x1A000] =	vst v1  }
0x1bf: {  	[tilespmem:s14+$0x1A010] =	vst v4  }
0x1c0: {  	[tilespmem:s14+$0x1A020] =	vst v3  }
0x1c1: {  	[tilespmem:s14+$0x1A030] =	vst v2  }
0x1c2: {  	[tilespmem:s14+$0x12240] =	vst v5  }
0x1c3: {  	v3 =	vld [tilespmem:s14+$0x11050]  }
0x1c4: {  	v2 =	vld [tilespmem:s14+$0x11060]  }
0x1c5: {  	v1 =	vld [tilespmem:s14+$0x11070];
	_ =	sdelay $0x5  }
0x1c6: {  	v25 =	vld.idx.msk [tilespmem:v3+s10+$0x0], $0xffff  }
0x1c7: {  	v26 =	vadd.s32 $0x400, v3;
	v27 =	vld.idx.msk [tilespmem:v2+s10+$0x0], $0xffff  }
0x1c8: {  	v28 =	vadd.s32 $0x400, v2;
	v29 =	vld.idx.msk [tilespmem:v1+s10+$0x0], $0xffff  }
0x1c9: {  	v30 =	vadd.s32 $0x400, v1;
	_ =	sdelay $0x1  }
0x1ca: {  	[tilespmem:s14+$0x11290] =	vst v25  }
0x1cb: {  	[tilespmem:s14+$0x112A0] =	vst v27;
	v4 =	vld.idx.msk [tilespmem:v26+s10+$0x0], $0xffff  }
0x1cc: {  	v31 =	vadd.s32 $0x800, v3;
	[tilespmem:s14+$0x112B0] =	vst v29;
	v6 =	vld.idx.msk [tilespmem:v28+s10+$0x0], $0xffff  }
0x1cd: {  	v32 =	vadd.s32 $0x800, v2;
	v8 =	vld.idx.msk [tilespmem:v30+s10+$0x0], $0xffff  }
0x1ce: {  	v33 =	vadd.s32 $0x800, v1;
	_ =	sdelay $0x1  }
0x1cf: {  	[tilespmem:s14+$0x114D0] =	vst v4  }
0x1d0: {  	[tilespmem:s14+$0x114E0] =	vst v6;
	v4 =	vld.idx.msk [tilespmem:v31+s10+$0x0], $0xffff  }
0x1d1: {  	v34 =	vadd.s32 $0xC00, v3;
	[tilespmem:s14+$0x114F0] =	vst v8;
	v6 =	vld.idx.msk [tilespmem:v32+s10+$0x0], $0xffff  }
0x1d2: {  	v35 =	vadd.s32 $0xC00, v2;
	v8 =	vld.idx.msk [tilespmem:v33+s10+$0x0], $0xffff  }
0x1d3: {  	v36 =	vadd.s32 $0xC00, v1;
	_ =	sdelay $0x1  }
0x1d4: {  	[tilespmem:s14+$0x11710] =	vst v4  }
0x1d5: {  	[tilespmem:s14+$0x11720] =	vst v6;
	v4 =	vld.idx.msk [tilespmem:v34+s10+$0x0], $0xffff  }
0x1d6: {  	v37 =	vadd.s32 $0x1000, v3;
	[tilespmem:s14+$0x11730] =	vst v8;
	v6 =	vld.idx.msk [tilespmem:v35+s10+$0x0], $0xffff  }
0x1d7: {  	v38 =	vadd.s32 $0x1000, v2;
	v8 =	vld.idx.msk [tilespmem:v36+s10+$0x0], $0xffff  }
0x1d8: {  	v39 =	vadd.s32 $0x1000, v1;
	_ =	sdelay $0x1  }
0x1d9: {  	[tilespmem:s14+$0x11950] =	vst v4  }
0x1da: {  	[tilespmem:s14+$0x11960] =	vst v6;
	v4 =	vld.idx.msk [tilespmem:v37+s10+$0x0], $0xffff  }
0x1db: {  	v40 =	vadd.s32 $0x1400, v3;
	[tilespmem:s14+$0x11970] =	vst v8;
	v6 =	vld.idx.msk [tilespmem:v38+s10+$0x0], $0xffff  }
0x1dc: {  	v41 =	vadd.s32 $0x1400, v2;
	v8 =	vld.idx.msk [tilespmem:v39+s10+$0x0], $0xffff  }
0x1dd: {  	v42 =	vadd.s32 $0x1400, v1;
	_ =	sdelay $0x1  }
0x1de: {  	[tilespmem:s14+$0x11B90] =	vst v4  }
0x1df: {  	[tilespmem:s14+$0x11BA0] =	vst v6;
	v4 =	vld.idx.msk [tilespmem:v40+s10+$0x0], $0xffff  }
0x1e0: {  	v43 =	vadd.s32 $0x1800, v3;
	[tilespmem:s14+$0x11BB0] =	vst v8;
	v6 =	vld.idx.msk [tilespmem:v41+s10+$0x0], $0xffff  }
0x1e1: {  	v44 =	vadd.s32 $0x1800, v2;
	v8 =	vld.idx.msk [tilespmem:v42+s10+$0x0], $0xffff  }
0x1e2: {  	v45 =	vadd.s32 $0x1800, v1;
	_ =	sdelay $0x1  }
0x1e3: {  	[tilespmem:s14+$0x11DD0] =	vst v4  }
0x1e4: {  	[tilespmem:s14+$0x11DE0] =	vst v6;
	v4 =	vld.idx.msk [tilespmem:v43+s10+$0x0], $0xffff  }
0x1e5: {  	v46 =	vadd.s32 $0x1C00, v3;
	[tilespmem:s14+$0x11DF0] =	vst v8;
	v6 =	vld.idx.msk [tilespmem:v44+s10+$0x0], $0xffff  }
0x1e6: {  	v47 =	vadd.s32 $0x1C00, v2;
	v8 =	vld.idx.msk [tilespmem:v45+s10+$0x0], $0xffff  }
0x1e7: {  	v48 =	vadd.s32 $0x1C00, v1;
	_ =	sdelay $0x1  }
0x1e8: {  	[tilespmem:s14+$0x12010] =	vst v4  }
0x1e9: {  	v49 =	vadd.s32 $0x2000, v0;
	[tilespmem:s14+$0x12020] =	vst v6;
	v5 =	vld.idx.msk [tilespmem:v46+s10+$0x0], $0xffff  }
0x1ea: {  	v50 =	vadd.s32 $0x2000, v3;
	[tilespmem:s14+$0x12030] =	vst v8;
	v7 =	vld.idx.msk [tilespmem:v47+s10+$0x0], $0xffff  }
0x1eb: {  	v51 =	vadd.s32 $0x2000, v2;
	v9 =	vld.idx.msk [tilespmem:v48+s10+$0x0], $0xffff  }
0x1ec: {  	v52 =	vadd.s32 $0x2000, v1;
	_ =	sdelay $0x1  }
0x1ed: {  	v4 =	vld.idx.msk [tilespmem:v49+s10+$0x0], $0xffff;
	[tilespmem:s14+$0x12250] =	vst v5  }
0x1ee: {  	v53 =	vadd.s32 $0x2400, v0;
	[tilespmem:s14+$0x12260] =	vst v7;
	v6 =	vld.idx.msk [tilespmem:v50+s10+$0x0], $0xffff  }
0x1ef: {  	v54 =	vadd.s32 $0x2400, v3;
	[tilespmem:s14+$0x12270] =	vst v9;
	v8 =	vld.idx.msk [tilespmem:v51+s10+$0x0], $0xffff  }
0x1f0: {  	v55 =	vadd.s32 $0x2400, v2;
	v10 =	vld.idx.msk [tilespmem:v52+s10+$0x0], $0xffff  }
0x1f1: {  	v56 =	vadd.s32 $0x2400, v1  }
0x1f2: {  	[tilespmem:s14+$0x12480] =	vst v4  }
0x1f3: {  	v4 =	vld.idx.msk [tilespmem:v53+s10+$0x0], $0xffff;
	[tilespmem:s14+$0x12490] =	vst v6  }
0x1f4: {  	v57 =	vadd.s32 $0x2800, v0;
	[tilespmem:s14+$0x124A0] =	vst v8;
	v6 =	vld.idx.msk [tilespmem:v54+s10+$0x0], $0xffff  }
0x1f5: {  	v58 =	vadd.s32 $0x2800, v3;
	[tilespmem:s14+$0x124B0] =	vst v10;
	v8 =	vld.idx.msk [tilespmem:v55+s10+$0x0], $0xffff  }
0x1f6: {  	v59 =	vadd.s32 $0x2800, v2;
	v10 =	vld.idx.msk [tilespmem:v56+s10+$0x0], $0xffff  }
0x1f7: {  	v60 =	vadd.s32 $0x2800, v1  }
0x1f8: {  	[tilespmem:s14+$0x126C0] =	vst v4  }
0x1f9: {  	v4 =	vld.idx.msk [tilespmem:v57+s10+$0x0], $0xffff;
	[tilespmem:s14+$0x126D0] =	vst v6  }
0x1fa: {  	v61 =	vadd.s32 $0x2C00, v0;
	[tilespmem:s14+$0x126E0] =	vst v8;
	v6 =	vld.idx.msk [tilespmem:v58+s10+$0x0], $0xffff  }
0x1fb: {  	v62 =	vadd.s32 $0x2C00, v3;
	[tilespmem:s14+$0x126F0] =	vst v10;
	v8 =	vld.idx.msk [tilespmem:v59+s10+$0x0], $0xffff  }
0x1fc: {  	v63 =	vadd.s32 $0x2C00, v2;
	v10 =	vld.idx.msk [tilespmem:v60+s10+$0x0], $0xffff  }
0x1fd: {  	v12 =	vadd.s32 $0x2C00, v1  }
0x1fe: {  	[tilespmem:s14+$0x12900] =	vst v4  }
0x1ff: {  	v4 =	vld.idx.msk [tilespmem:v61+s10+$0x0], $0xffff;
	[tilespmem:s14+$0x12910] =	vst v6  }
0x200: {  	v13 =	vadd.s32 $0x3000, v0;
	[tilespmem:s14+$0x12920] =	vst v8;
	v6 =	vld.idx.msk [tilespmem:v62+s10+$0x0], $0xffff  }
0x201: {  	v14 =	vadd.s32 $0x3000, v3;
	[tilespmem:s14+$0x12930] =	vst v10;
	v8 =	vld.idx.msk [tilespmem:v63+s10+$0x0], $0xffff  }
0x202: {  	v15 =	vadd.s32 $0x3000, v2;
	v10 =	vld.idx.msk [tilespmem:v12+s10+$0x0], $0xffff  }
0x203: {  	v16 =	vadd.s32 $0x3000, v1  }
0x204: {  	[tilespmem:s14+$0x12B40] =	vst v4  }
0x205: {  	v4 =	vld.idx.msk [tilespmem:v13+s10+$0x0], $0xffff;
	[tilespmem:s14+$0x12B50] =	vst v6  }
0x206: {  	v17 =	vadd.s32 $0x3400, v0;
	[tilespmem:s14+$0x12B60] =	vst v8;
	v6 =	vld.idx.msk [tilespmem:v14+s10+$0x0], $0xffff  }
0x207: {  	v18 =	vadd.s32 $0x3400, v3;
	[tilespmem:s14+$0x12B70] =	vst v10;
	v8 =	vld.idx.msk [tilespmem:v15+s10+$0x0], $0xffff  }
0x208: {  	v19 =	vadd.s32 $0x3400, v2;
	v10 =	vld.idx.msk [tilespmem:v16+s10+$0x0], $0xffff  }
0x209: {  	v20 =	vadd.s32 $0x3400, v1  }
0x20a: {  	[tilespmem:s14+$0x12D80] =	vst v4  }
0x20b: {  	v4 =	vld.idx.msk [tilespmem:v17+s10+$0x0], $0xffff;
	[tilespmem:s14+$0x12D90] =	vst v6  }
0x20c: {  	v21 =	vadd.s32 $0x3800, v0;
	[tilespmem:s14+$0x12DA0] =	vst v8;
	v6 =	vld.idx.msk [tilespmem:v18+s10+$0x0], $0xffff  }
0x20d: {  	v22 =	vadd.s32 $0x3800, v3;
	[tilespmem:s14+$0x12DB0] =	vst v10;
	v8 =	vld.idx.msk [tilespmem:v19+s10+$0x0], $0xffff  }
0x20e: {  	v23 =	vadd.s32 $0x3800, v2;
	v10 =	vld.idx.msk [tilespmem:v20+s10+$0x0], $0xffff  }
0x20f: {  	v24 =	vadd.s32 $0x3800, v1  }
0x210: {  	[tilespmem:s14+$0x12FC0] =	vst v4  }
0x211: {  	v4 =	vld.idx.msk [tilespmem:v21+s10+$0x0], $0xffff;
	[tilespmem:s14+$0x12FD0] =	vst v6  }
0x212: {  	v25 =	vadd.s32 $0x3C00, v0;
	[tilespmem:s14+$0x12FE0] =	vst v8;
	v6 =	vld.idx.msk [tilespmem:v22+s10+$0x0], $0xffff  }
0x213: {  	v26 =	vadd.s32 $0x3C00, v3;
	[tilespmem:s14+$0x12FF0] =	vst v10;
	v8 =	vld.idx.msk [tilespmem:v23+s10+$0x0], $0xffff  }
0x214: {  	v27 =	vadd.s32 $0x3C00, v2;
	v10 =	vld.idx.msk [tilespmem:v24+s10+$0x0], $0xffff  }
0x215: {  	v28 =	vadd.s32 $0x3C00, v1  }
0x216: {  	[tilespmem:s14+$0x13200] =	vst v4  }
0x217: {  	v4 =	vld.idx.msk [tilespmem:v25+s10+$0x0], $0xffff;
	[tilespmem:s14+$0x13210] =	vst v6  }
0x218: {  	v29 =	vadd.s32 $0x4000, v0;
	[tilespmem:s14+$0x13220] =	vst v8;
	v6 =	vld.idx.msk [tilespmem:v26+s10+$0x0], $0xffff  }
0x219: {  	v30 =	vadd.s32 $0x4000, v3;
	[tilespmem:s14+$0x13230] =	vst v10;
	v8 =	vld.idx.msk [tilespmem:v27+s10+$0x0], $0xffff  }
0x21a: {  	v31 =	vadd.s32 $0x4000, v2;
	v10 =	vld.idx.msk [tilespmem:v28+s10+$0x0], $0xffff  }
0x21b: {  	v32 =	vadd.s32 $0x4000, v1  }
0x21c: {  	[tilespmem:s14+$0x13440] =	vst v4  }
0x21d: {  	v4 =	vld.idx.msk [tilespmem:v29+s10+$0x0], $0xffff;
	[tilespmem:s14+$0x13450] =	vst v6  }
0x21e: {  	v33 =	vadd.s32 $0x4400, v0;
	[tilespmem:s14+$0x13460] =	vst v8;
	v6 =	vld.idx.msk [tilespmem:v30+s10+$0x0], $0xffff  }
0x21f: {  	v34 =	vadd.s32 $0x4400, v3;
	[tilespmem:s14+$0x13470] =	vst v10;
	v8 =	vld.idx.msk [tilespmem:v31+s10+$0x0], $0xffff  }
0x220: {  	v35 =	vadd.s32 $0x4400, v2;
	v10 =	vld.idx.msk [tilespmem:v32+s10+$0x0], $0xffff  }
0x221: {  	v36 =	vadd.s32 $0x4400, v1  }
0x222: {  	[tilespmem:s14+$0x13680] =	vst v4  }
0x223: {  	v4 =	vld.idx.msk [tilespmem:v33+s10+$0x0], $0xffff;
	[tilespmem:s14+$0x13690] =	vst v6  }
0x224: {  	v37 =	vadd.s32 $0x4800, v0;
	[tilespmem:s14+$0x136A0] =	vst v8;
	v6 =	vld.idx.msk [tilespmem:v34+s10+$0x0], $0xffff  }
0x225: {  	v38 =	vadd.s32 $0x4800, v3;
	[tilespmem:s14+$0x136B0] =	vst v10;
	v8 =	vld.idx.msk [tilespmem:v35+s10+$0x0], $0xffff  }
0x226: {  	v39 =	vadd.s32 $0x4800, v2;
	v10 =	vld.idx.msk [tilespmem:v36+s10+$0x0], $0xffff  }
0x227: {  	v40 =	vadd.s32 $0x4800, v1  }
0x228: {  	[tilespmem:s14+$0x138C0] =	vst v4  }
0x229: {  	v4 =	vld.idx.msk [tilespmem:v37+s10+$0x0], $0xffff;
	[tilespmem:s14+$0x138D0] =	vst v6  }
0x22a: {  	v41 =	vadd.s32 $0x4C00, v0;
	[tilespmem:s14+$0x138E0] =	vst v8;
	v6 =	vld.idx.msk [tilespmem:v38+s10+$0x0], $0xffff  }
0x22b: {  	v42 =	vadd.s32 $0x4C00, v3;
	[tilespmem:s14+$0x138F0] =	vst v10;
	v8 =	vld.idx.msk [tilespmem:v39+s10+$0x0], $0xffff  }
0x22c: {  	v43 =	vadd.s32 $0x4C00, v2;
	v10 =	vld.idx.msk [tilespmem:v40+s10+$0x0], $0xffff  }
0x22d: {  	v44 =	vadd.s32 $0x4C00, v1  }
0x22e: {  	[tilespmem:s14+$0x13B00] =	vst v4  }
0x22f: {  	v4 =	vld.idx.msk [tilespmem:v41+s10+$0x0], $0xffff;
	[tilespmem:s14+$0x13B10] =	vst v6  }
0x230: {  	v45 =	vadd.s32 $0x5000, v0;
	[tilespmem:s14+$0x13B20] =	vst v8;
	v6 =	vld.idx.msk [tilespmem:v42+s10+$0x0], $0xffff  }
0x231: {  	v46 =	vadd.s32 $0x5000, v3;
	[tilespmem:s14+$0x13B30] =	vst v10;
	v8 =	vld.idx.msk [tilespmem:v43+s10+$0x0], $0xffff  }
0x232: {  	v47 =	vadd.s32 $0x5000, v2;
	v10 =	vld.idx.msk [tilespmem:v44+s10+$0x0], $0xffff  }
0x233: {  	v48 =	vadd.s32 $0x5000, v1  }
0x234: {  	[tilespmem:s14+$0x13D40] =	vst v4  }
0x235: {  	v4 =	vld.idx.msk [tilespmem:v45+s10+$0x0], $0xffff;
	[tilespmem:s14+$0x13D50] =	vst v6  }
0x236: {  	v49 =	vadd.s32 $0x5400, v0;
	[tilespmem:s14+$0x13D60] =	vst v8;
	v6 =	vld.idx.msk [tilespmem:v46+s10+$0x0], $0xffff  }
0x237: {  	v50 =	vadd.s32 $0x5400, v3;
	[tilespmem:s14+$0x13D70] =	vst v10;
	v8 =	vld.idx.msk [tilespmem:v47+s10+$0x0], $0xffff  }
0x238: {  	v51 =	vadd.s32 $0x5400, v2;
	v10 =	vld.idx.msk [tilespmem:v48+s10+$0x0], $0xffff  }
0x239: {  	v52 =	vadd.s32 $0x5400, v1  }
0x23a: {  	[tilespmem:s14+$0x13F80] =	vst v4  }
0x23b: {  	v4 =	vld.idx.msk [tilespmem:v49+s10+$0x0], $0xffff;
	[tilespmem:s14+$0x13F90] =	vst v6  }
0x23c: {  	v53 =	vadd.s32 $0x5800, v0;
	[tilespmem:s14+$0x13FA0] =	vst v8;
	v6 =	vld.idx.msk [tilespmem:v50+s10+$0x0], $0xffff  }
0x23d: {  	v54 =	vadd.s32 $0x5800, v3;
	[tilespmem:s14+$0x13FB0] =	vst v10;
	v8 =	vld.idx.msk [tilespmem:v51+s10+$0x0], $0xffff  }
0x23e: {  	v55 =	vadd.s32 $0x5800, v2;
	v10 =	vld.idx.msk [tilespmem:v52+s10+$0x0], $0xffff  }
0x23f: {  	v56 =	vadd.s32 $0x5800, v1  }
0x240: {  	[tilespmem:s14+$0x141C0] =	vst v4  }
0x241: {  	v4 =	vld.idx.msk [tilespmem:v53+s10+$0x0], $0xffff;
	[tilespmem:s14+$0x141D0] =	vst v6  }
0x242: {  	v57 =	vadd.s32 $0x5C00, v0;
	[tilespmem:s14+$0x141E0] =	vst v8;
	v6 =	vld.idx.msk [tilespmem:v54+s10+$0x0], $0xffff  }
0x243: {  	v58 =	vadd.s32 $0x5C00, v3;
	[tilespmem:s14+$0x141F0] =	vst v10;
	v8 =	vld.idx.msk [tilespmem:v55+s10+$0x0], $0xffff  }
0x244: {  	v59 =	vadd.s32 $0x5C00, v2;
	v10 =	vld.idx.msk [tilespmem:v56+s10+$0x0], $0xffff  }
0x245: {  	v60 =	vadd.s32 $0x5C00, v1  }
0x246: {  	[tilespmem:s14+$0x14400] =	vst v4  }
0x247: {  	v4 =	vld.idx.msk [tilespmem:v57+s10+$0x0], $0xffff;
	[tilespmem:s14+$0x14410] =	vst v6  }
0x248: {  	v61 =	vadd.s32 $0x6000, v0;
	[tilespmem:s14+$0x14420] =	vst v8;
	v6 =	vld.idx.msk [tilespmem:v58+s10+$0x0], $0xffff  }
0x249: {  	v62 =	vadd.s32 $0x6000, v3;
	[tilespmem:s14+$0x14430] =	vst v10;
	v8 =	vld.idx.msk [tilespmem:v59+s10+$0x0], $0xffff  }
0x24a: {  	v63 =	vadd.s32 $0x6000, v2;
	v10 =	vld.idx.msk [tilespmem:v60+s10+$0x0], $0xffff  }
0x24b: {  	v12 =	vadd.s32 $0x6000, v1  }
0x24c: {  	[tilespmem:s14+$0x14640] =	vst v4  }
0x24d: {  	v4 =	vld.idx.msk [tilespmem:v61+s10+$0x0], $0xffff;
	[tilespmem:s14+$0x14650] =	vst v6  }
0x24e: {  	v13 =	vadd.s32 $0x6400, v0;
	[tilespmem:s14+$0x14660] =	vst v8;
	v6 =	vld.idx.msk [tilespmem:v62+s10+$0x0], $0xffff  }
0x24f: {  	v14 =	vadd.s32 $0x6400, v3;
	[tilespmem:s14+$0x14670] =	vst v10;
	v8 =	vld.idx.msk [tilespmem:v63+s10+$0x0], $0xffff  }
0x250: {  	v15 =	vadd.s32 $0x6400, v2;
	v10 =	vld.idx.msk [tilespmem:v12+s10+$0x0], $0xffff  }
0x251: {  	v16 =	vadd.s32 $0x6400, v1  }
0x252: {  	[tilespmem:s14+$0x14880] =	vst v4  }
0x253: {  	v4 =	vld.idx.msk [tilespmem:v13+s10+$0x0], $0xffff;
	[tilespmem:s14+$0x14890] =	vst v6  }
0x254: {  	v17 =	vadd.s32 $0x6800, v0;
	[tilespmem:s14+$0x148A0] =	vst v8;
	v6 =	vld.idx.msk [tilespmem:v14+s10+$0x0], $0xffff  }
0x255: {  	v18 =	vadd.s32 $0x6800, v3;
	[tilespmem:s14+$0x148B0] =	vst v10;
	v8 =	vld.idx.msk [tilespmem:v15+s10+$0x0], $0xffff  }
0x256: {  	v19 =	vadd.s32 $0x6800, v2;
	v10 =	vld.idx.msk [tilespmem:v16+s10+$0x0], $0xffff  }
0x257: {  	v20 =	vadd.s32 $0x6800, v1  }
0x258: {  	[tilespmem:s14+$0x14AC0] =	vst v4  }
0x259: {  	v4 =	vld.idx.msk [tilespmem:v17+s10+$0x0], $0xffff;
	[tilespmem:s14+$0x14AD0] =	vst v6  }
0x25a: {  	v21 =	vadd.s32 $0x6C00, v0;
	[tilespmem:s14+$0x14AE0] =	vst v8;
	v6 =	vld.idx.msk [tilespmem:v18+s10+$0x0], $0xffff  }
0x25b: {  	v22 =	vadd.s32 $0x6C00, v3;
	[tilespmem:s14+$0x14AF0] =	vst v10;
	v8 =	vld.idx.msk [tilespmem:v19+s10+$0x0], $0xffff  }
0x25c: {  	v23 =	vadd.s32 $0x6C00, v2;
	v10 =	vld.idx.msk [tilespmem:v20+s10+$0x0], $0xffff  }
0x25d: {  	v24 =	vadd.s32 $0x6C00, v1  }
0x25e: {  	[tilespmem:s14+$0x14D00] =	vst v4  }
0x25f: {  	v4 =	vld.idx.msk [tilespmem:v21+s10+$0x0], $0xffff;
	[tilespmem:s14+$0x14D10] =	vst v6  }
0x260: {  	v25 =	vadd.s32 $0x7000, v0;
	[tilespmem:s14+$0x14D20] =	vst v8;
	v6 =	vld.idx.msk [tilespmem:v22+s10+$0x0], $0xffff  }
0x261: {  	v26 =	vadd.s32 $0x7000, v3;
	[tilespmem:s14+$0x14D30] =	vst v10;
	v8 =	vld.idx.msk [tilespmem:v23+s10+$0x0], $0xffff  }
0x262: {  	v27 =	vadd.s32 $0x7000, v2;
	v10 =	vld.idx.msk [tilespmem:v24+s10+$0x0], $0xffff  }
0x263: {  	v28 =	vadd.s32 $0x7000, v1  }
0x264: {  	[tilespmem:s14+$0x14F40] =	vst v4  }
0x265: {  	v4 =	vld.idx.msk [tilespmem:v25+s10+$0x0], $0xffff;
	[tilespmem:s14+$0x14F50] =	vst v6  }
0x266: {  	v29 =	vadd.s32 $0x7400, v0;
	[tilespmem:s14+$0x14F60] =	vst v8;
	v6 =	vld.idx.msk [tilespmem:v26+s10+$0x0], $0xffff  }
0x267: {  	v30 =	vadd.s32 $0x7400, v3;
	[tilespmem:s14+$0x14F70] =	vst v10;
	v8 =	vld.idx.msk [tilespmem:v27+s10+$0x0], $0xffff  }
0x268: {  	v31 =	vadd.s32 $0x7400, v2;
	v10 =	vld.idx.msk [tilespmem:v28+s10+$0x0], $0xffff  }
0x269: {  	v32 =	vadd.s32 $0x7400, v1  }
0x26a: {  	[tilespmem:s14+$0x15180] =	vst v4  }
0x26b: {  	v4 =	vld.idx.msk [tilespmem:v29+s10+$0x0], $0xffff;
	[tilespmem:s14+$0x15190] =	vst v6  }
0x26c: {  	v33 =	vadd.s32 $0x7800, v0;
	[tilespmem:s14+$0x151A0] =	vst v8;
	v6 =	vld.idx.msk [tilespmem:v30+s10+$0x0], $0xffff  }
0x26d: {  	v34 =	vadd.s32 $0x7800, v3;
	[tilespmem:s14+$0x151B0] =	vst v10;
	v8 =	vld.idx.msk [tilespmem:v31+s10+$0x0], $0xffff  }
0x26e: {  	v35 =	vadd.s32 $0x7800, v2;
	v10 =	vld.idx.msk [tilespmem:v32+s10+$0x0], $0xffff  }
0x26f: {  	v36 =	vadd.s32 $0x7800, v1  }
0x270: {  	[tilespmem:s14+$0x153C0] =	vst v4  }
0x271: {  	v4 =	vld.idx.msk [tilespmem:v33+s10+$0x0], $0xffff;
	[tilespmem:s14+$0x153D0] =	vst v6  }
0x272: {  	v37 =	vadd.s32 $0x7C00, v0;
	[tilespmem:s14+$0x153E0] =	vst v8;
	v6 =	vld.idx.msk [tilespmem:v34+s10+$0x0], $0xffff  }
0x273: {  	v38 =	vadd.s32 $0x7C00, v3;
	[tilespmem:s14+$0x153F0] =	vst v10;
	v8 =	vld.idx.msk [tilespmem:v35+s10+$0x0], $0xffff  }
0x274: {  	v39 =	vadd.s32 $0x7C00, v2;
	v10 =	vld.idx.msk [tilespmem:v36+s10+$0x0], $0xffff  }
0x275: {  	v40 =	vadd.s32 $0x7C00, v1  }
0x276: {  	[tilespmem:s14+$0x15600] =	vst v4  }
0x277: {  	v4 =	vld.idx.msk [tilespmem:v37+s10+$0x0], $0xffff;
	[tilespmem:s14+$0x15610] =	vst v6  }
0x278: {  	v41 =	vadd.s32 $0x8000, v0;
	[tilespmem:s14+$0x15620] =	vst v8;
	v6 =	vld.idx.msk [tilespmem:v38+s10+$0x0], $0xffff  }
0x279: {  	v42 =	vadd.s32 $0x8000, v3;
	[tilespmem:s14+$0x15630] =	vst v10;
	v8 =	vld.idx.msk [tilespmem:v39+s10+$0x0], $0xffff  }
0x27a: {  	v43 =	vadd.s32 $0x8000, v2;
	v10 =	vld.idx.msk [tilespmem:v40+s10+$0x0], $0xffff  }
0x27b: {  	v44 =	vadd.s32 $0x8000, v1  }
0x27c: {  	[tilespmem:s14+$0x15840] =	vst v4  }
0x27d: {  	v4 =	vld.idx.msk [tilespmem:v41+s10+$0x0], $0xffff;
	[tilespmem:s14+$0x15850] =	vst v6  }
0x27e: {  	v45 =	vadd.s32 $0x8400, v0;
	[tilespmem:s14+$0x15860] =	vst v8;
	v6 =	vld.idx.msk [tilespmem:v42+s10+$0x0], $0xffff  }
0x27f: {  	v46 =	vadd.s32 $0x8400, v3;
	[tilespmem:s14+$0x15870] =	vst v10;
	v8 =	vld.idx.msk [tilespmem:v43+s10+$0x0], $0xffff  }
0x280: {  	v47 =	vadd.s32 $0x8400, v2;
	v10 =	vld.idx.msk [tilespmem:v44+s10+$0x0], $0xffff  }
0x281: {  	v48 =	vadd.s32 $0x8400, v1  }
0x282: {  	[tilespmem:s14+$0x15A80] =	vst v4  }
0x283: {  	v4 =	vld.idx.msk [tilespmem:v45+s10+$0x0], $0xffff;
	[tilespmem:s14+$0x15A90] =	vst v6  }
0x284: {  	v49 =	vadd.s32 $0x8800, v0;
	[tilespmem:s14+$0x15AA0] =	vst v8;
	v6 =	vld.idx.msk [tilespmem:v46+s10+$0x0], $0xffff  }
0x285: {  	v50 =	vadd.s32 $0x8800, v3;
	[tilespmem:s14+$0x15AB0] =	vst v10;
	v8 =	vld.idx.msk [tilespmem:v47+s10+$0x0], $0xffff  }
0x286: {  	v51 =	vadd.s32 $0x8800, v2;
	v10 =	vld.idx.msk [tilespmem:v48+s10+$0x0], $0xffff  }
0x287: {  	v52 =	vadd.s32 $0x8800, v1  }
0x288: {  	[tilespmem:s14+$0x15CC0] =	vst v4  }
0x289: {  	v4 =	vld.idx.msk [tilespmem:v49+s10+$0x0], $0xffff;
	[tilespmem:s14+$0x15CD0] =	vst v6  }
0x28a: {  	v53 =	vadd.s32 $0x8C00, v0;
	[tilespmem:s14+$0x15CE0] =	vst v8;
	v6 =	vld.idx.msk [tilespmem:v50+s10+$0x0], $0xffff  }
0x28b: {  	v54 =	vadd.s32 $0x8C00, v3;
	[tilespmem:s14+$0x15CF0] =	vst v10;
	v8 =	vld.idx.msk [tilespmem:v51+s10+$0x0], $0xffff  }
0x28c: {  	v55 =	vadd.s32 $0x8C00, v2;
	v10 =	vld.idx.msk [tilespmem:v52+s10+$0x0], $0xffff  }
0x28d: {  	v56 =	vadd.s32 $0x8C00, v1  }
0x28e: {  	[tilespmem:s14+$0x15F00] =	vst v4  }
0x28f: {  	v4 =	vld.idx.msk [tilespmem:v53+s10+$0x0], $0xffff;
	[tilespmem:s14+$0x15F10] =	vst v6  }
0x290: {  	v57 =	vadd.s32 $0x9000, v0;
	[tilespmem:s14+$0x15F20] =	vst v8;
	v6 =	vld.idx.msk [tilespmem:v54+s10+$0x0], $0xffff  }
0x291: {  	v58 =	vadd.s32 $0x9000, v3;
	[tilespmem:s14+$0x15F30] =	vst v10;
	v8 =	vld.idx.msk [tilespmem:v55+s10+$0x0], $0xffff  }
0x292: {  	v59 =	vadd.s32 $0x9000, v2;
	v10 =	vld.idx.msk [tilespmem:v56+s10+$0x0], $0xffff  }
0x293: {  	v60 =	vadd.s32 $0x9000, v1  }
0x294: {  	[tilespmem:s14+$0x16140] =	vst v4  }
0x295: {  	v4 =	vld.idx.msk [tilespmem:v57+s10+$0x0], $0xffff;
	[tilespmem:s14+$0x16150] =	vst v6  }
0x296: {  	v61 =	vadd.s32 $0x9400, v0;
	[tilespmem:s14+$0x16160] =	vst v8;
	v6 =	vld.idx.msk [tilespmem:v58+s10+$0x0], $0xffff  }
0x297: {  	v62 =	vadd.s32 $0x9400, v3;
	[tilespmem:s14+$0x16170] =	vst v10;
	v8 =	vld.idx.msk [tilespmem:v59+s10+$0x0], $0xffff  }
0x298: {  	v63 =	vadd.s32 $0x9400, v2;
	v10 =	vld.idx.msk [tilespmem:v60+s10+$0x0], $0xffff  }
0x299: {  	v12 =	vadd.s32 $0x9400, v1  }
0x29a: {  	[tilespmem:s14+$0x16380] =	vst v4  }
0x29b: {  	v4 =	vld.idx.msk [tilespmem:v61+s10+$0x0], $0xffff;
	[tilespmem:s14+$0x16390] =	vst v6  }
0x29c: {  	v13 =	vadd.s32 $0x9800, v0;
	[tilespmem:s14+$0x163A0] =	vst v8;
	v6 =	vld.idx.msk [tilespmem:v62+s10+$0x0], $0xffff  }
0x29d: {  	v14 =	vadd.s32 $0x9800, v3;
	[tilespmem:s14+$0x163B0] =	vst v10;
	v8 =	vld.idx.msk [tilespmem:v63+s10+$0x0], $0xffff  }
0x29e: {  	v15 =	vadd.s32 $0x9800, v2;
	v10 =	vld.idx.msk [tilespmem:v12+s10+$0x0], $0xffff  }
0x29f: {  	v16 =	vadd.s32 $0x9800, v1  }
0x2a0: {  	[tilespmem:s14+$0x165C0] =	vst v4  }
0x2a1: {  	v4 =	vld.idx.msk [tilespmem:v13+s10+$0x0], $0xffff;
	[tilespmem:s14+$0x165D0] =	vst v6  }
0x2a2: {  	v17 =	vadd.s32 $0x9C00, v0;
	[tilespmem:s14+$0x165E0] =	vst v8;
	v6 =	vld.idx.msk [tilespmem:v14+s10+$0x0], $0xffff  }
0x2a3: {  	v18 =	vadd.s32 $0x9C00, v3;
	[tilespmem:s14+$0x165F0] =	vst v10;
	v8 =	vld.idx.msk [tilespmem:v15+s10+$0x0], $0xffff  }
0x2a4: {  	v19 =	vadd.s32 $0x9C00, v2;
	v10 =	vld.idx.msk [tilespmem:v16+s10+$0x0], $0xffff  }
0x2a5: {  	v20 =	vadd.s32 $0x9C00, v1  }
0x2a6: {  	[tilespmem:s14+$0x16800] =	vst v4  }
0x2a7: {  	v4 =	vld.idx.msk [tilespmem:v17+s10+$0x0], $0xffff;
	[tilespmem:s14+$0x16810] =	vst v6  }
0x2a8: {  	v21 =	vadd.s32 $0xA000, v0;
	[tilespmem:s14+$0x16820] =	vst v8;
	v6 =	vld.idx.msk [tilespmem:v18+s10+$0x0], $0xffff  }
0x2a9: {  	v22 =	vadd.s32 $0xA000, v3;
	[tilespmem:s14+$0x16830] =	vst v10;
	v8 =	vld.idx.msk [tilespmem:v19+s10+$0x0], $0xffff  }
0x2aa: {  	v23 =	vadd.s32 $0xA000, v2;
	v10 =	vld.idx.msk [tilespmem:v20+s10+$0x0], $0xffff  }
0x2ab: {  	v24 =	vadd.s32 $0xA000, v1  }
0x2ac: {  	[tilespmem:s14+$0x16A40] =	vst v4  }
0x2ad: {  	v4 =	vld.idx.msk [tilespmem:v21+s10+$0x0], $0xffff;
	[tilespmem:s14+$0x16A50] =	vst v6  }
0x2ae: {  	v25 =	vadd.s32 $0xA400, v0;
	[tilespmem:s14+$0x16A60] =	vst v8;
	v6 =	vld.idx.msk [tilespmem:v22+s10+$0x0], $0xffff  }
0x2af: {  	v26 =	vadd.s32 $0xA400, v3;
	[tilespmem:s14+$0x16A70] =	vst v10;
	v8 =	vld.idx.msk [tilespmem:v23+s10+$0x0], $0xffff  }
0x2b0: {  	v27 =	vadd.s32 $0xA400, v2;
	v10 =	vld.idx.msk [tilespmem:v24+s10+$0x0], $0xffff  }
0x2b1: {  	v28 =	vadd.s32 $0xA400, v1  }
0x2b2: {  	[tilespmem:s14+$0x16C80] =	vst v4  }
0x2b3: {  	v4 =	vld.idx.msk [tilespmem:v25+s10+$0x0], $0xffff;
	[tilespmem:s14+$0x16C90] =	vst v6  }
0x2b4: {  	v29 =	vadd.s32 $0xA800, v0;
	[tilespmem:s14+$0x16CA0] =	vst v8;
	v6 =	vld.idx.msk [tilespmem:v26+s10+$0x0], $0xffff  }
0x2b5: {  	v30 =	vadd.s32 $0xA800, v3;
	[tilespmem:s14+$0x16CB0] =	vst v10;
	v8 =	vld.idx.msk [tilespmem:v27+s10+$0x0], $0xffff  }
0x2b6: {  	v31 =	vadd.s32 $0xA800, v2;
	v10 =	vld.idx.msk [tilespmem:v28+s10+$0x0], $0xffff  }
0x2b7: {  	v32 =	vadd.s32 $0xA800, v1  }
0x2b8: {  	[tilespmem:s14+$0x16EC0] =	vst v4  }
0x2b9: {  	v4 =	vld.idx.msk [tilespmem:v29+s10+$0x0], $0xffff;
	[tilespmem:s14+$0x16ED0] =	vst v6  }
0x2ba: {  	v33 =	vadd.s32 $0xAC00, v0;
	[tilespmem:s14+$0x16EE0] =	vst v8;
	v6 =	vld.idx.msk [tilespmem:v30+s10+$0x0], $0xffff  }
0x2bb: {  	v34 =	vadd.s32 $0xAC00, v3;
	[tilespmem:s14+$0x16EF0] =	vst v10;
	v8 =	vld.idx.msk [tilespmem:v31+s10+$0x0], $0xffff  }
0x2bc: {  	v35 =	vadd.s32 $0xAC00, v2;
	v10 =	vld.idx.msk [tilespmem:v32+s10+$0x0], $0xffff  }
0x2bd: {  	v36 =	vadd.s32 $0xAC00, v1  }
0x2be: {  	[tilespmem:s14+$0x17100] =	vst v4  }
0x2bf: {  	v4 =	vld.idx.msk [tilespmem:v33+s10+$0x0], $0xffff;
	[tilespmem:s14+$0x17110] =	vst v6  }
0x2c0: {  	v37 =	vadd.s32 $0xB000, v0;
	[tilespmem:s14+$0x17120] =	vst v8;
	v6 =	vld.idx.msk [tilespmem:v34+s10+$0x0], $0xffff  }
0x2c1: {  	v38 =	vadd.s32 $0xB000, v3;
	[tilespmem:s14+$0x17130] =	vst v10;
	v8 =	vld.idx.msk [tilespmem:v35+s10+$0x0], $0xffff  }
0x2c2: {  	v39 =	vadd.s32 $0xB000, v2;
	v10 =	vld.idx.msk [tilespmem:v36+s10+$0x0], $0xffff  }
0x2c3: {  	v40 =	vadd.s32 $0xB000, v1  }
0x2c4: {  	[tilespmem:s14+$0x17340] =	vst v4  }
0x2c5: {  	v4 =	vld.idx.msk [tilespmem:v37+s10+$0x0], $0xffff;
	[tilespmem:s14+$0x17350] =	vst v6  }
0x2c6: {  	v41 =	vadd.s32 $0xB400, v0;
	[tilespmem:s14+$0x17360] =	vst v8;
	v6 =	vld.idx.msk [tilespmem:v38+s10+$0x0], $0xffff  }
0x2c7: {  	v42 =	vadd.s32 $0xB400, v3;
	[tilespmem:s14+$0x17370] =	vst v10;
	v8 =	vld.idx.msk [tilespmem:v39+s10+$0x0], $0xffff  }
0x2c8: {  	v43 =	vadd.s32 $0xB400, v2;
	v10 =	vld.idx.msk [tilespmem:v40+s10+$0x0], $0xffff  }
0x2c9: {  	v44 =	vadd.s32 $0xB400, v1  }
0x2ca: {  	[tilespmem:s14+$0x17580] =	vst v4  }
0x2cb: {  	v4 =	vld.idx.msk [tilespmem:v41+s10+$0x0], $0xffff;
	[tilespmem:s14+$0x17590] =	vst v6  }
0x2cc: {  	v45 =	vadd.s32 $0xB800, v0;
	[tilespmem:s14+$0x175A0] =	vst v8;
	v6 =	vld.idx.msk [tilespmem:v42+s10+$0x0], $0xffff  }
0x2cd: {  	v46 =	vadd.s32 $0xB800, v3;
	[tilespmem:s14+$0x175B0] =	vst v10;
	v8 =	vld.idx.msk [tilespmem:v43+s10+$0x0], $0xffff  }
0x2ce: {  	v47 =	vadd.s32 $0xB800, v2;
	v10 =	vld.idx.msk [tilespmem:v44+s10+$0x0], $0xffff  }
0x2cf: {  	v48 =	vadd.s32 $0xB800, v1  }
0x2d0: {  	[tilespmem:s14+$0x177C0] =	vst v4  }
0x2d1: {  	v4 =	vld.idx.msk [tilespmem:v45+s10+$0x0], $0xffff;
	[tilespmem:s14+$0x177D0] =	vst v6  }
0x2d2: {  	v49 =	vadd.s32 $0xBC00, v0;
	[tilespmem:s14+$0x177E0] =	vst v8;
	v6 =	vld.idx.msk [tilespmem:v46+s10+$0x0], $0xffff  }
0x2d3: {  	v50 =	vadd.s32 $0xBC00, v3;
	[tilespmem:s14+$0x177F0] =	vst v10;
	v8 =	vld.idx.msk [tilespmem:v47+s10+$0x0], $0xffff  }
0x2d4: {  	v51 =	vadd.s32 $0xBC00, v2;
	v10 =	vld.idx.msk [tilespmem:v48+s10+$0x0], $0xffff  }
0x2d5: {  	v52 =	vadd.s32 $0xBC00, v1  }
0x2d6: {  	[tilespmem:s14+$0x17A00] =	vst v4  }
0x2d7: {  	v4 =	vld.idx.msk [tilespmem:v49+s10+$0x0], $0xffff;
	[tilespmem:s14+$0x17A10] =	vst v6  }
0x2d8: {  	v53 =	vadd.s32 $0xC000, v0;
	[tilespmem:s14+$0x17A20] =	vst v8;
	v6 =	vld.idx.msk [tilespmem:v50+s10+$0x0], $0xffff  }
0x2d9: {  	v54 =	vadd.s32 $0xC000, v3;
	[tilespmem:s14+$0x17A30] =	vst v10;
	v8 =	vld.idx.msk [tilespmem:v51+s10+$0x0], $0xffff  }
0x2da: {  	v55 =	vadd.s32 $0xC000, v2;
	v10 =	vld.idx.msk [tilespmem:v52+s10+$0x0], $0xffff  }
0x2db: {  	v56 =	vadd.s32 $0xC000, v1  }
0x2dc: {  	[tilespmem:s14+$0x17C40] =	vst v4  }
0x2dd: {  	v4 =	vld.idx.msk [tilespmem:v53+s10+$0x0], $0xffff;
	[tilespmem:s14+$0x17C50] =	vst v6  }
0x2de: {  	v57 =	vadd.s32 $0xC400, v0;
	[tilespmem:s14+$0x17C60] =	vst v8;
	v6 =	vld.idx.msk [tilespmem:v54+s10+$0x0], $0xffff  }
0x2df: {  	v58 =	vadd.s32 $0xC400, v3;
	[tilespmem:s14+$0x17C70] =	vst v10;
	v8 =	vld.idx.msk [tilespmem:v55+s10+$0x0], $0xffff  }
0x2e0: {  	v59 =	vadd.s32 $0xC400, v2;
	v10 =	vld.idx.msk [tilespmem:v56+s10+$0x0], $0xffff  }
0x2e1: {  	v60 =	vadd.s32 $0xC400, v1  }
0x2e2: {  	[tilespmem:s14+$0x17E80] =	vst v4  }
0x2e3: {  	v4 =	vld.idx.msk [tilespmem:v57+s10+$0x0], $0xffff;
	[tilespmem:s14+$0x17E90] =	vst v6  }
0x2e4: {  	v61 =	vadd.s32 $0xC800, v0;
	[tilespmem:s14+$0x17EA0] =	vst v8;
	v6 =	vld.idx.msk [tilespmem:v58+s10+$0x0], $0xffff  }
0x2e5: {  	v62 =	vadd.s32 $0xC800, v3;
	[tilespmem:s14+$0x17EB0] =	vst v10;
	v8 =	vld.idx.msk [tilespmem:v59+s10+$0x0], $0xffff  }
0x2e6: {  	v63 =	vadd.s32 $0xC800, v2;
	v10 =	vld.idx.msk [tilespmem:v60+s10+$0x0], $0xffff  }
0x2e7: {  	v12 =	vadd.s32 $0xC800, v1  }
0x2e8: {  	[tilespmem:s14+$0x180C0] =	vst v4  }
0x2e9: {  	v4 =	vld.idx.msk [tilespmem:v61+s10+$0x0], $0xffff;
	[tilespmem:s14+$0x180D0] =	vst v6  }
0x2ea: {  	v13 =	vadd.s32 $0xCC00, v0;
	[tilespmem:s14+$0x180E0] =	vst v8;
	v6 =	vld.idx.msk [tilespmem:v62+s10+$0x0], $0xffff  }
0x2eb: {  	v14 =	vadd.s32 $0xCC00, v3;
	[tilespmem:s14+$0x180F0] =	vst v10;
	v8 =	vld.idx.msk [tilespmem:v63+s10+$0x0], $0xffff  }
0x2ec: {  	v15 =	vadd.s32 $0xCC00, v2;
	v10 =	vld.idx.msk [tilespmem:v12+s10+$0x0], $0xffff  }
0x2ed: {  	v16 =	vadd.s32 $0xCC00, v1  }
0x2ee: {  	[tilespmem:s14+$0x18300] =	vst v4  }
0x2ef: {  	v4 =	vld.idx.msk [tilespmem:v13+s10+$0x0], $0xffff;
	[tilespmem:s14+$0x18310] =	vst v6  }
0x2f0: {  	v17 =	vadd.s32 $0xD000, v0;
	[tilespmem:s14+$0x18320] =	vst v8;
	v6 =	vld.idx.msk [tilespmem:v14+s10+$0x0], $0xffff  }
0x2f1: {  	v18 =	vadd.s32 $0xD000, v3;
	[tilespmem:s14+$0x18330] =	vst v10;
	v8 =	vld.idx.msk [tilespmem:v15+s10+$0x0], $0xffff  }
0x2f2: {  	v19 =	vadd.s32 $0xD000, v2;
	v10 =	vld.idx.msk [tilespmem:v16+s10+$0x0], $0xffff  }
0x2f3: {  	v20 =	vadd.s32 $0xD000, v1  }
0x2f4: {  	[tilespmem:s14+$0x18540] =	vst v4  }
0x2f5: {  	v4 =	vld.idx.msk [tilespmem:v17+s10+$0x0], $0xffff;
	[tilespmem:s14+$0x18550] =	vst v6  }
0x2f6: {  	v21 =	vadd.s32 $0xD400, v0;
	[tilespmem:s14+$0x18560] =	vst v8;
	v6 =	vld.idx.msk [tilespmem:v18+s10+$0x0], $0xffff  }
0x2f7: {  	v22 =	vadd.s32 $0xD400, v3;
	[tilespmem:s14+$0x18570] =	vst v10;
	v8 =	vld.idx.msk [tilespmem:v19+s10+$0x0], $0xffff  }
0x2f8: {  	v23 =	vadd.s32 $0xD400, v2;
	v10 =	vld.idx.msk [tilespmem:v20+s10+$0x0], $0xffff  }
0x2f9: {  	v24 =	vadd.s32 $0xD400, v1  }
0x2fa: {  	[tilespmem:s14+$0x18780] =	vst v4  }
0x2fb: {  	v4 =	vld.idx.msk [tilespmem:v21+s10+$0x0], $0xffff;
	[tilespmem:s14+$0x18790] =	vst v6  }
0x2fc: {  	v25 =	vadd.s32 $0xD800, v0;
	[tilespmem:s14+$0x187A0] =	vst v8;
	v6 =	vld.idx.msk [tilespmem:v22+s10+$0x0], $0xffff  }
0x2fd: {  	v26 =	vadd.s32 $0xD800, v3;
	[tilespmem:s14+$0x187B0] =	vst v10;
	v8 =	vld.idx.msk [tilespmem:v23+s10+$0x0], $0xffff  }
0x2fe: {  	v27 =	vadd.s32 $0xD800, v2;
	v10 =	vld.idx.msk [tilespmem:v24+s10+$0x0], $0xffff  }
0x2ff: {  	v28 =	vadd.s32 $0xD800, v1  }
0x300: {  	[tilespmem:s14+$0x189C0] =	vst v4  }
0x301: {  	v4 =	vld.idx.msk [tilespmem:v25+s10+$0x0], $0xffff;
	[tilespmem:s14+$0x189D0] =	vst v6  }
0x302: {  	v29 =	vadd.s32 $0xDC00, v0;
	[tilespmem:s14+$0x189E0] =	vst v8;
	v6 =	vld.idx.msk [tilespmem:v26+s10+$0x0], $0xffff  }
0x303: {  	v30 =	vadd.s32 $0xDC00, v3;
	[tilespmem:s14+$0x189F0] =	vst v10;
	v8 =	vld.idx.msk [tilespmem:v27+s10+$0x0], $0xffff  }
0x304: {  	v31 =	vadd.s32 $0xDC00, v2;
	v10 =	vld.idx.msk [tilespmem:v28+s10+$0x0], $0xffff  }
0x305: {  	v32 =	vadd.s32 $0xDC00, v1  }
0x306: {  	[tilespmem:s14+$0x18C00] =	vst v4  }
0x307: {  	v4 =	vld.idx.msk [tilespmem:v29+s10+$0x0], $0xffff;
	[tilespmem:s14+$0x18C10] =	vst v6  }
0x308: {  	v33 =	vadd.s32 $0xE000, v0;
	[tilespmem:s14+$0x18C20] =	vst v8;
	v6 =	vld.idx.msk [tilespmem:v30+s10+$0x0], $0xffff  }
0x309: {  	v34 =	vadd.s32 $0xE000, v3;
	[tilespmem:s14+$0x18C30] =	vst v10;
	v8 =	vld.idx.msk [tilespmem:v31+s10+$0x0], $0xffff  }
0x30a: {  	v35 =	vadd.s32 $0xE000, v2;
	v10 =	vld.idx.msk [tilespmem:v32+s10+$0x0], $0xffff  }
0x30b: {  	v36 =	vadd.s32 $0xE000, v1  }
0x30c: {  	[tilespmem:s14+$0x18E40] =	vst v4  }
0x30d: {  	v4 =	vld.idx.msk [tilespmem:v33+s10+$0x0], $0xffff;
	[tilespmem:s14+$0x18E50] =	vst v6  }
0x30e: {  	v37 =	vadd.s32 $0xE400, v0;
	[tilespmem:s14+$0x18E60] =	vst v8;
	v6 =	vld.idx.msk [tilespmem:v34+s10+$0x0], $0xffff  }
0x30f: {  	v38 =	vadd.s32 $0xE400, v3;
	[tilespmem:s14+$0x18E70] =	vst v10;
	v8 =	vld.idx.msk [tilespmem:v35+s10+$0x0], $0xffff  }
0x310: {  	v39 =	vadd.s32 $0xE400, v2;
	v10 =	vld.idx.msk [tilespmem:v36+s10+$0x0], $0xffff  }
0x311: {  	v40 =	vadd.s32 $0xE400, v1  }
0x312: {  	[tilespmem:s14+$0x19080] =	vst v4  }
0x313: {  	v4 =	vld.idx.msk [tilespmem:v37+s10+$0x0], $0xffff;
	[tilespmem:s14+$0x19090] =	vst v6  }
0x314: {  	v41 =	vadd.s32 $0xE800, v0;
	[tilespmem:s14+$0x190A0] =	vst v8;
	v6 =	vld.idx.msk [tilespmem:v38+s10+$0x0], $0xffff  }
0x315: {  	v42 =	vadd.s32 $0xE800, v3;
	[tilespmem:s14+$0x190B0] =	vst v10;
	v8 =	vld.idx.msk [tilespmem:v39+s10+$0x0], $0xffff  }
0x316: {  	v43 =	vadd.s32 $0xE800, v2;
	v10 =	vld.idx.msk [tilespmem:v40+s10+$0x0], $0xffff  }
0x317: {  	v44 =	vadd.s32 $0xE800, v1  }
0x318: {  	[tilespmem:s14+$0x192C0] =	vst v4  }
0x319: {  	v4 =	vld.idx.msk [tilespmem:v41+s10+$0x0], $0xffff;
	[tilespmem:s14+$0x192D0] =	vst v6  }
0x31a: {  	v45 =	vadd.s32 $0xEC00, v0;
	[tilespmem:s14+$0x192E0] =	vst v8;
	v6 =	vld.idx.msk [tilespmem:v42+s10+$0x0], $0xffff  }
0x31b: {  	v46 =	vadd.s32 $0xEC00, v3;
	[tilespmem:s14+$0x192F0] =	vst v10;
	v8 =	vld.idx.msk [tilespmem:v43+s10+$0x0], $0xffff  }
0x31c: {  	v47 =	vadd.s32 $0xEC00, v2;
	v10 =	vld.idx.msk [tilespmem:v44+s10+$0x0], $0xffff  }
0x31d: {  	v48 =	vadd.s32 $0xEC00, v1  }
0x31e: {  	[tilespmem:s14+$0x19500] =	vst v4  }
0x31f: {  	v4 =	vld.idx.msk [tilespmem:v45+s10+$0x0], $0xffff;
	[tilespmem:s14+$0x19510] =	vst v6  }
0x320: {  	v49 =	vadd.s32 $0xF000, v0;
	[tilespmem:s14+$0x19520] =	vst v8;
	v6 =	vld.idx.msk [tilespmem:v46+s10+$0x0], $0xffff  }
0x321: {  	v50 =	vadd.s32 $0xF000, v3;
	[tilespmem:s14+$0x19530] =	vst v10;
	v8 =	vld.idx.msk [tilespmem:v47+s10+$0x0], $0xffff  }
0x322: {  	v51 =	vadd.s32 $0xF000, v2;
	v10 =	vld.idx.msk [tilespmem:v48+s10+$0x0], $0xffff  }
0x323: {  	v52 =	vadd.s32 $0xF000, v1  }
0x324: {  	[tilespmem:s14+$0x19740] =	vst v4  }
0x325: {  	v4 =	vld.idx.msk [tilespmem:v49+s10+$0x0], $0xffff;
	[tilespmem:s14+$0x19750] =	vst v6  }
0x326: {  	v53 =	vadd.s32 $0xF400, v0;
	[tilespmem:s14+$0x19760] =	vst v8;
	v6 =	vld.idx.msk [tilespmem:v50+s10+$0x0], $0xffff  }
0x327: {  	v54 =	vadd.s32 $0xF400, v3;
	[tilespmem:s14+$0x19770] =	vst v10;
	v8 =	vld.idx.msk [tilespmem:v51+s10+$0x0], $0xffff  }
0x328: {  	v55 =	vadd.s32 $0xF400, v2;
	v10 =	vld.idx.msk [tilespmem:v52+s10+$0x0], $0xffff  }
0x329: {  	v56 =	vadd.s32 $0xF400, v1  }
0x32a: {  	[tilespmem:s14+$0x19980] =	vst v4  }
0x32b: {  	v4 =	vld.idx.msk [tilespmem:v53+s10+$0x0], $0xffff;
	[tilespmem:s14+$0x19990] =	vst v6  }
0x32c: {  	v57 =	vadd.s32 $0xF800, v0;
	[tilespmem:s14+$0x199A0] =	vst v8;
	v6 =	vld.idx.msk [tilespmem:v54+s10+$0x0], $0xffff  }
0x32d: {  	v58 =	vadd.s32 $0xF800, v3;
	[tilespmem:s14+$0x199B0] =	vst v10;
	v8 =	vld.idx.msk [tilespmem:v55+s10+$0x0], $0xffff  }
0x32e: {  	v59 =	vadd.s32 $0xF800, v2;
	v10 =	vld.idx.msk [tilespmem:v56+s10+$0x0], $0xffff  }
0x32f: {  	v60 =	vadd.s32 $0xF800, v1  }
0x330: {  	[tilespmem:s14+$0x19BC0] =	vst v4  }
0x331: {  	v4 =	vld.idx.msk [tilespmem:v57+s10+$0x0], $0xffff;
	[tilespmem:s14+$0x19BD0] =	vst v6  }
0x332: {  	v0 =	vadd.s32 $0xFC00, v0;
	[tilespmem:s14+$0x19BE0] =	vst v8;
	v61 =	vld.idx.msk [tilespmem:v58+s10+$0x0], $0xffff  }
0x333: {  	v3 =	vadd.s32 $0xFC00, v3;
	[tilespmem:s14+$0x19BF0] =	vst v10;
	v62 =	vld.idx.msk [tilespmem:v59+s10+$0x0], $0xffff  }
0x334: {  	v2 =	vadd.s32 $0xFC00, v2;
	v63 =	vld.idx.msk [tilespmem:v60+s10+$0x0], $0xffff  }
0x335: {  	v1 =	vadd.s32 $0xFC00, v1  }
0x336: {  	[tilespmem:s14+$0x19E00] =	vst v4  }
0x337: {  	v0 =	vld.idx.msk [tilespmem:v0+s10+$0x0], $0xffff;
	[tilespmem:s14+$0x19E10] =	vst v61  }
0x338: {  	[tilespmem:s14+$0x19E20] =	vst v62;
	v3 =	vld.idx.msk [tilespmem:v3+s10+$0x0], $0xffff  }
0x339: {  	[tilespmem:s14+$0x19E30] =	vst v63;
	v2 =	vld.idx.msk [tilespmem:v2+s10+$0x0], $0xffff  }
0x33a: {  	p1 =	slt.u32 s13, $0x18;
	v1 =	vld.idx.msk [tilespmem:v1+s10+$0x0], $0xffff  }
.Ltmp0:
0x33b: {  	_ = 	snop;
	(pc) =	sbr.rel @p1 .LBB2_2-.Ltmp0, $4  }
0x33c: {  	[tilespmem:s14+$0x1A040] =	vst v0  }
0x33d: {  	[tilespmem:s14+$0x1A050] =	vst v3  }
0x33e: {  	[tilespmem:s14+$0x1A060] =	vst v2  }
0x33f: {  	s13 =	sadd.s32 $0x8, s13;
	[tilespmem:s14+$0x1A070] =	vst v1;
	s14 =	simm.s32 $0x0  }
.LBB2_3:
0x340: {  	s13 =	sshra.s32 s14, $0x2  }
0x341: {  	v0 =	vld [tilespmem:s13+$0x11200];
	_ =	sdelay $0x7  }
0x342: {  	v1 =	vld.idx.msk [tilespmem:v0+s10+$0x0], $0xffff  }
0x343: {  	v2 =	vadd.s32 $0x400, v0;
	_ =	sdelay $0x3  }
0x344: {  	[tilespmem:s13+$0x11440] =	vst v1  }
0x345: {  	v1 =	vld.idx.msk [tilespmem:v2+s10+$0x0], $0xffff  }
0x346: {  	v63 =	vadd.s32 $0x800, v0;
	_ =	sdelay $0x3  }
0x347: {  	[tilespmem:s13+$0x11680] =	vst v1  }
0x348: {  	v1 =	vld.idx.msk [tilespmem:v63+s10+$0x0], $0xffff  }
0x349: {  	v4 =	vadd.s32 $0xC00, v0;
	_ =	sdelay $0x3  }
0x34a: {  	[tilespmem:s13+$0x118C0] =	vst v1  }
0x34b: {  	v1 =	vld.idx.msk [tilespmem:v4+s10+$0x0], $0xffff  }
0x34c: {  	v5 =	vadd.s32 $0x1000, v0;
	_ =	sdelay $0x3  }
0x34d: {  	[tilespmem:s13+$0x11B00] =	vst v1  }
0x34e: {  	v1 =	vld.idx.msk [tilespmem:v5+s10+$0x0], $0xffff  }
0x34f: {  	v6 =	vadd.s32 $0x1400, v0;
	_ =	sdelay $0x3  }
0x350: {  	[tilespmem:s13+$0x11D40] =	vst v1  }
0x351: {  	v1 =	vld.idx.msk [tilespmem:v6+s10+$0x0], $0xffff  }
0x352: {  	v7 =	vadd.s32 $0x1800, v0;
	_ =	sdelay $0x3  }
0x353: {  	[tilespmem:s13+$0x11F80] =	vst v1  }
0x354: {  	v1 =	vld.idx.msk [tilespmem:v7+s10+$0x0], $0xffff  }
0x355: {  	v8 =	vadd.s32 $0x1C00, v0;
	_ =	sdelay $0x3  }
0x356: {  	[tilespmem:s13+$0x121C0] =	vst v1  }
0x357: {  	v1 =	vld.idx.msk [tilespmem:v8+s10+$0x0], $0xffff  }
0x358: {  	v9 =	vadd.s32 $0x2000, v0;
	_ =	sdelay $0x3  }
0x359: {  	[tilespmem:s13+$0x12400] =	vst v1  }
0x35a: {  	v1 =	vld.idx.msk [tilespmem:v9+s10+$0x0], $0xffff  }
0x35b: {  	v10 =	vadd.s32 $0x2400, v0;
	_ =	sdelay $0x3  }
0x35c: {  	[tilespmem:s13+$0x12640] =	vst v1  }
0x35d: {  	v1 =	vld.idx.msk [tilespmem:v10+s10+$0x0], $0xffff  }
0x35e: {  	v11 =	vadd.s32 $0x2800, v0;
	_ =	sdelay $0x3  }
0x35f: {  	[tilespmem:s13+$0x12880] =	vst v1  }
0x360: {  	v1 =	vld.idx.msk [tilespmem:v11+s10+$0x0], $0xffff  }
0x361: {  	v12 =	vadd.s32 $0x2C00, v0;
	_ =	sdelay $0x3  }
0x362: {  	[tilespmem:s13+$0x12AC0] =	vst v1  }
0x363: {  	v1 =	vld.idx.msk [tilespmem:v12+s10+$0x0], $0xffff  }
0x364: {  	v13 =	vadd.s32 $0x3000, v0;
	_ =	sdelay $0x3  }
0x365: {  	[tilespmem:s13+$0x12D00] =	vst v1  }
0x366: {  	v1 =	vld.idx.msk [tilespmem:v13+s10+$0x0], $0xffff  }
0x367: {  	v14 =	vadd.s32 $0x3400, v0;
	_ =	sdelay $0x3  }
0x368: {  	[tilespmem:s13+$0x12F40] =	vst v1  }
0x369: {  	v1 =	vld.idx.msk [tilespmem:v14+s10+$0x0], $0xffff  }
0x36a: {  	v15 =	vadd.s32 $0x3800, v0;
	_ =	sdelay $0x3  }
0x36b: {  	[tilespmem:s13+$0x13180] =	vst v1  }
0x36c: {  	v1 =	vld.idx.msk [tilespmem:v15+s10+$0x0], $0xffff  }
0x36d: {  	v16 =	vadd.s32 $0x3C00, v0;
	_ =	sdelay $0x3  }
0x36e: {  	[tilespmem:s13+$0x133C0] =	vst v1  }
0x36f: {  	v1 =	vld.idx.msk [tilespmem:v16+s10+$0x0], $0xffff  }
0x370: {  	v17 =	vadd.s32 $0x4000, v0;
	_ =	sdelay $0x3  }
0x371: {  	[tilespmem:s13+$0x13600] =	vst v1  }
0x372: {  	v1 =	vld.idx.msk [tilespmem:v17+s10+$0x0], $0xffff  }
0x373: {  	v18 =	vadd.s32 $0x4400, v0;
	_ =	sdelay $0x3  }
0x374: {  	[tilespmem:s13+$0x13840] =	vst v1  }
0x375: {  	v1 =	vld.idx.msk [tilespmem:v18+s10+$0x0], $0xffff  }
0x376: {  	v19 =	vadd.s32 $0x4800, v0;
	_ =	sdelay $0x3  }
0x377: {  	[tilespmem:s13+$0x13A80] =	vst v1  }
0x378: {  	v1 =	vld.idx.msk [tilespmem:v19+s10+$0x0], $0xffff  }
0x379: {  	v20 =	vadd.s32 $0x4C00, v0;
	_ =	sdelay $0x3  }
0x37a: {  	[tilespmem:s13+$0x13CC0] =	vst v1  }
0x37b: {  	v1 =	vld.idx.msk [tilespmem:v20+s10+$0x0], $0xffff  }
0x37c: {  	v21 =	vadd.s32 $0x5000, v0;
	_ =	sdelay $0x3  }
0x37d: {  	[tilespmem:s13+$0x13F00] =	vst v1  }
0x37e: {  	v1 =	vld.idx.msk [tilespmem:v21+s10+$0x0], $0xffff  }
0x37f: {  	v22 =	vadd.s32 $0x5400, v0;
	_ =	sdelay $0x3  }
0x380: {  	[tilespmem:s13+$0x14140] =	vst v1  }
0x381: {  	v1 =	vld.idx.msk [tilespmem:v22+s10+$0x0], $0xffff  }
0x382: {  	v23 =	vadd.s32 $0x5800, v0;
	_ =	sdelay $0x3  }
0x383: {  	[tilespmem:s13+$0x14380] =	vst v1  }
0x384: {  	v1 =	vld.idx.msk [tilespmem:v23+s10+$0x0], $0xffff  }
0x385: {  	v24 =	vadd.s32 $0x5C00, v0;
	_ =	sdelay $0x3  }
0x386: {  	[tilespmem:s13+$0x145C0] =	vst v1  }
0x387: {  	v1 =	vld.idx.msk [tilespmem:v24+s10+$0x0], $0xffff  }
0x388: {  	v25 =	vadd.s32 $0x6000, v0;
	_ =	sdelay $0x3  }
0x389: {  	[tilespmem:s13+$0x14800] =	vst v1  }
0x38a: {  	v1 =	vld.idx.msk [tilespmem:v25+s10+$0x0], $0xffff  }
0x38b: {  	v26 =	vadd.s32 $0x6400, v0;
	_ =	sdelay $0x3  }
0x38c: {  	[tilespmem:s13+$0x14A40] =	vst v1  }
0x38d: {  	v1 =	vld.idx.msk [tilespmem:v26+s10+$0x0], $0xffff  }
0x38e: {  	v27 =	vadd.s32 $0x6800, v0;
	_ =	sdelay $0x3  }
0x38f: {  	[tilespmem:s13+$0x14C80] =	vst v1  }
0x390: {  	v1 =	vld.idx.msk [tilespmem:v27+s10+$0x0], $0xffff  }
0x391: {  	v28 =	vadd.s32 $0x6C00, v0;
	_ =	sdelay $0x3  }
0x392: {  	[tilespmem:s13+$0x14EC0] =	vst v1  }
0x393: {  	v1 =	vld.idx.msk [tilespmem:v28+s10+$0x0], $0xffff  }
0x394: {  	v29 =	vadd.s32 $0x7000, v0;
	_ =	sdelay $0x3  }
0x395: {  	[tilespmem:s13+$0x15100] =	vst v1  }
0x396: {  	v1 =	vld.idx.msk [tilespmem:v29+s10+$0x0], $0xffff  }
0x397: {  	v30 =	vadd.s32 $0x7400, v0;
	_ =	sdelay $0x3  }
0x398: {  	[tilespmem:s13+$0x15340] =	vst v1  }
0x399: {  	v1 =	vld.idx.msk [tilespmem:v30+s10+$0x0], $0xffff  }
0x39a: {  	v31 =	vadd.s32 $0x7800, v0;
	_ =	sdelay $0x3  }
0x39b: {  	[tilespmem:s13+$0x15580] =	vst v1  }
0x39c: {  	v1 =	vld.idx.msk [tilespmem:v31+s10+$0x0], $0xffff  }
0x39d: {  	v32 =	vadd.s32 $0x7C00, v0;
	_ =	sdelay $0x3  }
0x39e: {  	[tilespmem:s13+$0x157C0] =	vst v1  }
0x39f: {  	v1 =	vld.idx.msk [tilespmem:v32+s10+$0x0], $0xffff  }
0x3a0: {  	v33 =	vadd.s32 $0x8000, v0;
	_ =	sdelay $0x3  }
0x3a1: {  	[tilespmem:s13+$0x15A00] =	vst v1  }
0x3a2: {  	v1 =	vld.idx.msk [tilespmem:v33+s10+$0x0], $0xffff  }
0x3a3: {  	v34 =	vadd.s32 $0x8400, v0;
	_ =	sdelay $0x3  }
0x3a4: {  	[tilespmem:s13+$0x15C40] =	vst v1  }
0x3a5: {  	v1 =	vld.idx.msk [tilespmem:v34+s10+$0x0], $0xffff  }
0x3a6: {  	v35 =	vadd.s32 $0x8800, v0;
	_ =	sdelay $0x3  }
0x3a7: {  	[tilespmem:s13+$0x15E80] =	vst v1  }
0x3a8: {  	v1 =	vld.idx.msk [tilespmem:v35+s10+$0x0], $0xffff  }
0x3a9: {  	v36 =	vadd.s32 $0x8C00, v0;
	_ =	sdelay $0x3  }
0x3aa: {  	[tilespmem:s13+$0x160C0] =	vst v1  }
0x3ab: {  	v1 =	vld.idx.msk [tilespmem:v36+s10+$0x0], $0xffff  }
0x3ac: {  	v37 =	vadd.s32 $0x9000, v0;
	_ =	sdelay $0x3  }
0x3ad: {  	[tilespmem:s13+$0x16300] =	vst v1  }
0x3ae: {  	v1 =	vld.idx.msk [tilespmem:v37+s10+$0x0], $0xffff  }
0x3af: {  	v38 =	vadd.s32 $0x9400, v0;
	_ =	sdelay $0x3  }
0x3b0: {  	[tilespmem:s13+$0x16540] =	vst v1  }
0x3b1: {  	v1 =	vld.idx.msk [tilespmem:v38+s10+$0x0], $0xffff  }
0x3b2: {  	v39 =	vadd.s32 $0x9800, v0;
	_ =	sdelay $0x3  }
0x3b3: {  	[tilespmem:s13+$0x16780] =	vst v1  }
0x3b4: {  	v1 =	vld.idx.msk [tilespmem:v39+s10+$0x0], $0xffff  }
0x3b5: {  	v40 =	vadd.s32 $0x9C00, v0;
	_ =	sdelay $0x3  }
0x3b6: {  	[tilespmem:s13+$0x169C0] =	vst v1  }
0x3b7: {  	v1 =	vld.idx.msk [tilespmem:v40+s10+$0x0], $0xffff  }
0x3b8: {  	v41 =	vadd.s32 $0xA000, v0;
	_ =	sdelay $0x3  }
0x3b9: {  	[tilespmem:s13+$0x16C00] =	vst v1  }
0x3ba: {  	v1 =	vld.idx.msk [tilespmem:v41+s10+$0x0], $0xffff  }
0x3bb: {  	v42 =	vadd.s32 $0xA400, v0;
	_ =	sdelay $0x3  }
0x3bc: {  	[tilespmem:s13+$0x16E40] =	vst v1  }
0x3bd: {  	v1 =	vld.idx.msk [tilespmem:v42+s10+$0x0], $0xffff  }
0x3be: {  	v43 =	vadd.s32 $0xA800, v0;
	_ =	sdelay $0x3  }
0x3bf: {  	[tilespmem:s13+$0x17080] =	vst v1  }
0x3c0: {  	v1 =	vld.idx.msk [tilespmem:v43+s10+$0x0], $0xffff  }
0x3c1: {  	v44 =	vadd.s32 $0xAC00, v0;
	_ =	sdelay $0x3  }
0x3c2: {  	[tilespmem:s13+$0x172C0] =	vst v1  }
0x3c3: {  	v1 =	vld.idx.msk [tilespmem:v44+s10+$0x0], $0xffff  }
0x3c4: {  	v45 =	vadd.s32 $0xB000, v0;
	_ =	sdelay $0x3  }
0x3c5: {  	[tilespmem:s13+$0x17500] =	vst v1  }
0x3c6: {  	v1 =	vld.idx.msk [tilespmem:v45+s10+$0x0], $0xffff  }
0x3c7: {  	v46 =	vadd.s32 $0xB400, v0;
	_ =	sdelay $0x3  }
0x3c8: {  	[tilespmem:s13+$0x17740] =	vst v1  }
0x3c9: {  	v1 =	vld.idx.msk [tilespmem:v46+s10+$0x0], $0xffff  }
0x3ca: {  	v47 =	vadd.s32 $0xB800, v0;
	_ =	sdelay $0x3  }
0x3cb: {  	[tilespmem:s13+$0x17980] =	vst v1  }
0x3cc: {  	v1 =	vld.idx.msk [tilespmem:v47+s10+$0x0], $0xffff  }
0x3cd: {  	v48 =	vadd.s32 $0xBC00, v0;
	_ =	sdelay $0x3  }
0x3ce: {  	[tilespmem:s13+$0x17BC0] =	vst v1  }
0x3cf: {  	v1 =	vld.idx.msk [tilespmem:v48+s10+$0x0], $0xffff  }
0x3d0: {  	v49 =	vadd.s32 $0xC000, v0;
	_ =	sdelay $0x3  }
0x3d1: {  	[tilespmem:s13+$0x17E00] =	vst v1  }
0x3d2: {  	v1 =	vld.idx.msk [tilespmem:v49+s10+$0x0], $0xffff  }
0x3d3: {  	v50 =	vadd.s32 $0xC400, v0;
	_ =	sdelay $0x3  }
0x3d4: {  	[tilespmem:s13+$0x18040] =	vst v1  }
0x3d5: {  	v1 =	vld.idx.msk [tilespmem:v50+s10+$0x0], $0xffff  }
0x3d6: {  	v51 =	vadd.s32 $0xC800, v0;
	_ =	sdelay $0x3  }
0x3d7: {  	[tilespmem:s13+$0x18280] =	vst v1  }
0x3d8: {  	v1 =	vld.idx.msk [tilespmem:v51+s10+$0x0], $0xffff  }
0x3d9: {  	v52 =	vadd.s32 $0xCC00, v0;
	_ =	sdelay $0x3  }
0x3da: {  	[tilespmem:s13+$0x184C0] =	vst v1  }
0x3db: {  	v1 =	vld.idx.msk [tilespmem:v52+s10+$0x0], $0xffff  }
0x3dc: {  	v53 =	vadd.s32 $0xD000, v0;
	_ =	sdelay $0x3  }
0x3dd: {  	[tilespmem:s13+$0x18700] =	vst v1  }
0x3de: {  	v1 =	vld.idx.msk [tilespmem:v53+s10+$0x0], $0xffff  }
0x3df: {  	v54 =	vadd.s32 $0xD400, v0;
	_ =	sdelay $0x3  }
0x3e0: {  	[tilespmem:s13+$0x18940] =	vst v1  }
0x3e1: {  	v1 =	vld.idx.msk [tilespmem:v54+s10+$0x0], $0xffff  }
0x3e2: {  	v55 =	vadd.s32 $0xD800, v0;
	_ =	sdelay $0x3  }
0x3e3: {  	[tilespmem:s13+$0x18B80] =	vst v1  }
0x3e4: {  	v1 =	vld.idx.msk [tilespmem:v55+s10+$0x0], $0xffff  }
0x3e5: {  	v56 =	vadd.s32 $0xDC00, v0;
	_ =	sdelay $0x3  }
0x3e6: {  	[tilespmem:s13+$0x18DC0] =	vst v1  }
0x3e7: {  	v1 =	vld.idx.msk [tilespmem:v56+s10+$0x0], $0xffff  }
0x3e8: {  	v57 =	vadd.s32 $0xE000, v0;
	_ =	sdelay $0x3  }
0x3e9: {  	[tilespmem:s13+$0x19000] =	vst v1  }
0x3ea: {  	v1 =	vld.idx.msk [tilespmem:v57+s10+$0x0], $0xffff  }
0x3eb: {  	v58 =	vadd.s32 $0xE400, v0;
	_ =	sdelay $0x3  }
0x3ec: {  	[tilespmem:s13+$0x19240] =	vst v1  }
0x3ed: {  	v1 =	vld.idx.msk [tilespmem:v58+s10+$0x0], $0xffff  }
0x3ee: {  	v59 =	vadd.s32 $0xE800, v0;
	_ =	sdelay $0x3  }
0x3ef: {  	[tilespmem:s13+$0x19480] =	vst v1  }
0x3f0: {  	v1 =	vld.idx.msk [tilespmem:v59+s10+$0x0], $0xffff  }
0x3f1: {  	v60 =	vadd.s32 $0xEC00, v0;
	_ =	sdelay $0x3  }
0x3f2: {  	[tilespmem:s13+$0x196C0] =	vst v1  }
0x3f3: {  	v1 =	vld.idx.msk [tilespmem:v60+s10+$0x0], $0xffff  }
0x3f4: {  	v61 =	vadd.s32 $0xF000, v0;
	_ =	sdelay $0x3  }
0x3f5: {  	[tilespmem:s13+$0x19900] =	vst v1  }
0x3f6: {  	v1 =	vld.idx.msk [tilespmem:v61+s10+$0x0], $0xffff  }
0x3f7: {  	v62 =	vadd.s32 $0xF400, v0;
	_ =	sdelay $0x3  }
0x3f8: {  	[tilespmem:s13+$0x19B40] =	vst v1  }
0x3f9: {  	v1 =	vld.idx.msk [tilespmem:v62+s10+$0x0], $0xffff  }
0x3fa: {  	v63 =	vadd.s32 $0xF800, v0;
	_ =	sdelay $0x3  }
0x3fb: {  	[tilespmem:s13+$0x19D80] =	vst v1  }
0x3fc: {  	v1 =	vld.idx.msk [tilespmem:v63+s10+$0x0], $0xffff  }
0x3fd: {  	v0 =	vadd.s32 $0xFC00, v0;
	_ =	sdelay $0x3  }
0x3fe: {  	[tilespmem:s13+$0x19FC0] =	vst v1  }
0x3ff: {  	p1 =	sne.s32 s14, $0xC0;
	v0 =	vld.idx.msk [tilespmem:v0+s10+$0x0], $0xffff  }
.Ltmp1:
0x400: {  	_ = 	snop;
	(pc) =	sbr.rel @p1 .LBB2_3-.Ltmp1, $2  }
0x401: {  	_ =	sdelay $0x2  }
0x402: {  	s14 =	sadd.s32 $0x40, s14;
	[tilespmem:s13+$0x1A200] =	vst v0  }
0x403: {  	s12 =	sadd.s32 $0x1, s12  }
0x404: {  	p1 =	sne.s32 s12, s6  }
.Ltmp2:
0x405: {  	_ = 	snop;
	(pc) =	sbr.rel @p1 .LBB2_1-.Ltmp2, $4  }
0x406: {  	[hbm4b:s5+s3] =	stream.linear.scatter [tilespmem:s11], [sflag:$0x1], $0x9000, $0x38;
	[tilespmem:$0x1A240] =	vst v63  }
0x407: {  	_ =	swait.ge [sflag:s9], $0x9000  }
0x408: {  	[sflag:s9] =	ssyncset.done $0x0  }
0x409: {  	[sflag:s9] =	ssyncadd.s32 $0xFFFF7000  }
0x40a: {  	_ =	sfence.sel $0x180000  }
0x40b: {  	[bflag:$0x0] =	sbarrier.arrive $0xFFFF  }
0x40c: {  	_ =	strace $0x90000047  }
0x40d: {  	s0 =	sadd.s32 @!p0 $0x100000, s1;
	[bflag:$0x2] =	sbarrier.arrive $0xFFFF  }
0x40e: {  	[sflag:s0] =	ssyncadd.tile.s32 @!p0 $0x1;
	_ =	shalt  }
.Lfunc_end2:
_tile_overlayer_lowered:
.L_overlay_start_2:
0x40f: {  	(tag) =	ssettag $0x2  }
0x410: {  	s0 =	rddreg [dreg:$0x0];
	s2 =	stileid.u32  }
0x411: {  	s1 =	rddreg [dreg:$0x1];
	p0 =	sne.s32 s2, $0x0  }
0x412: {  	s3 =	rddreg [dreg:$0x2];
	[bflag:$0x3] =	sbarrier.arrive $0xFFFF;
	s2 =	simm.s32 @!p0 $0x1C01  }
0x413: {  	[timem:s3], [sflag:s2] =	dma.local @!p0 [hbm:s0], s1  }
0x414: {  	s0 =	simm.s32 @!p0 $0x1  }
0x415: {  	_ =	swait.ge @!p0 [sflag:s0], s1  }
0x416: {  	s1 =	ssub.s32 @!p0 $0x0, s1;
	[sflag:s0] =	ssyncset.done @!p0 $0x0  }
0x417: {  	[sflag:s0] =	ssyncadd.s32 @!p0 s1  }
0x418: {  	[bflag:$0x3] =	sbarrier.arrive $0xFFFF  }
0x419: {  	_ =	shalt  }

</sc_bundles>
